<compile_context>
chip_gen: v7x
topology: tpu7x:2x2x1
jax: 0.10.2.dev20260603
libtpu: 0.0.44.dev20260713+nightly
codegen_flags: <defaults>
</compile_context>

<pallas_src>
import functools

import jax
import jax.numpy as jnp
from jax import lax
from jax.experimental import pallas as pl
from jax.experimental.pallas import tpu as pltpu
from jax.experimental.pallas import tpu_sc as plsc

D = 16
L = 50
G = 8
W = G * D
NW = 32


def _sc_gather(u2e, v2e, r2e_rep, hv, hu, sa, vr, ur, nu, nv):
    BL = hv.shape[0]
    B = nu.shape[0]
    big = BL // NW
    small = B // NW
    bpw = B // NW
    shift = bpw.bit_length() - 1
    mesh = plsc.VectorSubcoreMesh(core_axis_name="c", subcore_axis_name="s")

    @functools.partial(
        pl.kernel,
        out_type=[jax.ShapeDtypeStruct((BL, D), jnp.float32)] * 5
        + [jax.ShapeDtypeStruct((B, D), jnp.float32)] * 2,
        mesh=mesh,
        scratch_types=[
            pltpu.VMEM((big,), jnp.int32),
            pltpu.VMEM((big,), jnp.int32),
            pltpu.VMEM((big, D), jnp.float32),
            pltpu.VMEM((small,), jnp.int32),
            pltpu.VMEM((small, D), jnp.float32),
            pltpu.SemaphoreType.DMA,
        ],
        compiler_params=pltpu.CompilerParams(use_tc_tiling_on_sc=False,
                                             needs_layout_passes=False),
    )
    def k(u2e_h, v2e_h, r2e_h, hv_h, hu_h, sa_h, vr_h, ur_h, nu_h, nv_h,
          o_pt, o_qa, o_un, o_eri, o_eru, o_pi, o_qj,
          idx_raw, idx_v, rows_v, idx_s, rows_s, sem):
        wid = lax.axis_index("s") * 2 + lax.axis_index("c")
        base = wid * big
        lanes = lax.iota(jnp.int32, 16)

        def reorder(kk, _):
            p = kk * 16 + lanes
            db = jnp.bitwise_and(p, bpw - 1)
            l = jnp.right_shift(p, shift)
            vals = plsc.load_gather(idx_raw, [db * L + l])
            idx_v[pl.ds(kk * 16, 16)] = vals
            return 0

        for tab, ih, oh in ((u2e_h, hv_h, o_pt), (v2e_h, hu_h, o_qa),
                            (u2e_h, sa_h, o_un), (r2e_h, vr_h, o_eri),
                            (r2e_h, ur_h, o_eru)):
            pltpu.sync_copy(ih.at[pl.ds(base, big)], idx_raw)
            lax.fori_loop(0, big // 16, reorder, 0, unroll=8)
            pltpu.async_copy(tab.at[idx_v], rows_v, sem).wait()
            pltpu.sync_copy(rows_v, oh.at[pl.ds(base, big)])
        sbase = wid * small
        for tab, ih, oh in ((u2e_h, nu_h, o_pi), (v2e_h, nv_h, o_qj)):
            pltpu.sync_copy(ih.at[pl.ds(sbase, small)], idx_s)
            pltpu.async_copy(tab.at[idx_s], rows_s, sem).wait()
            pltpu.sync_copy(rows_s, oh.at[pl.ds(sbase, small)])

    return k(u2e, v2e, r2e_rep, hv, hu, sa, vr, ur, nu, nv)


def _relu(x):
    return jnp.maximum(x, 0.0)


def _mm(x, w):
    return jax.lax.dot(x, w, preferred_element_type=jnp.float32)


def _mme(x, w):
    return jax.lax.dot(x, w, precision=jax.lax.Precision.HIGHEST,
                       preferred_element_type=jnp.float32)


def _tc_main(pt, qa, un, eri, eru, qj, pi, rep16, wts, B, WBLK):
    T = (B // NW) // G
    grid = NW // WBLK
    n2 = WBLK * L * T

    def body(pt_r, qa_r, un_r, eri_r, eru_r, qj_r, pi_r, rep16_r,
             gi_w1a, gi_w1b, gi_b1, gi_w2, gi_b2, gi_w3, gi_b3,
             ai_w1a, ai_w1b, ai_b1, ai_w2, ai_b2, ai_w3, ai_b3,
             gu_w1a, gu_w1b, gu_b1, gu_w2, gu_b2, gu_w3, gu_b3,
             au_w1a, au_w1b, au_b1, au_w2, au_b2, au_w3, au_b3,
             as_w1a, as_w1b, as_b1, as_w2, as_b2, as_w3, as_b3,
             mu_w1a, mu_w1b, mu_b1, mu_w2, mu_b2, mu_w3, mu_b3,
             ir1_w, ir1_b, ir2_w, ir2_b,
             hi_o, zj_o):
        rep16 = rep16_r[...]

        def gv_mlp(x, er, w1a, w1b, b1, w2, b2, w3, b3):
            h = _relu(_mm(x, w1a[...]) + _mm(er, w1b[...]) + b1[...])
            h = _relu(_mm(h, w2[...]) + b2[...])
            return _mm(h, w3[...]) + b3[...]

        def attn_agg(neigh, repp, w1a, w2, b2, w3, b3):
            a4 = _mm(neigh, w1a[...]).reshape(WBLK, L, T, W) + repp
            h = _relu(a4).reshape(n2, W)
            h = _relu(_mm(h, w2[...]) + b2[...])
            s = (_mm(h, w3[...]) + b3[...]).reshape(WBLK, L, T, G)
            mu = jax.nn.softmax(s, axis=1)
            mu_exp = _mme(mu.reshape(n2, G), rep16)
            agg = jnp.sum((neigh * mu_exp).reshape(WBLK, L, T, W), axis=1)
            return agg.reshape(WBLK * T, W)

        def rep_of(x2, w1b, b1):
            return (_mm(x2, w1b[...]) + b1[...]).reshape(WBLK, 1, T, W)

        qjv = qj_r[...].reshape(WBLK * T, W)
        piv = pi_r[...].reshape(WBLK * T, W)

        ptv = pt_r[...].reshape(n2, W)
        fjt = gv_mlp(ptv, eri_r[...].reshape(n2, W), gi_w1a, gi_w1b,
                     gi_b1, gi_w2, gi_b2, gi_w3, gi_b3)
        zj = attn_agg(fjt, rep_of(qjv, ai_w1b, ai_b1),
                      ai_w1a, ai_w2, ai_b2, ai_w3, ai_b3)
        zj = _relu(_mm(zj, ir1_w[...]) + ir1_b[...])
        zj = _relu(_mm(zj, ir2_w[...]) + ir2_b[...])
        zj_o[...] = zj

        qav = qa_r[...].reshape(n2, W)
        xia = gv_mlp(qav, eru_r[...].reshape(n2, W), gu_w1a, gu_w1b,
                     gu_b1, gu_w2, gu_b2, gu_w3, gu_b3)
        hi_i = attn_agg(xia, rep_of(piv, au_w1b, au_b1),
                        au_w1a, au_w2, au_b2, au_w3, au_b3)

        unv = un_r[...].reshape(n2, W)
        hi_s = attn_agg(unv, rep_of(piv, as_w1b, as_b1),
                        as_w1a, as_w2, as_b2, as_w3, as_b3)

        h = _relu(_mm(hi_i, mu_w1a[...]) + _mm(hi_s, mu_w1b[...])
                  + mu_b1[...])
        h = _relu(_mm(h, mu_w2[...]) + mu_b2[...])
        hi_o[...] = _mm(h, mu_w3[...]) + mu_b3[...]

    big_spec = pl.BlockSpec((WBLK, L * T, W), lambda i: (i, 0, 0))
    row_spec = pl.BlockSpec((WBLK, T, W), lambda i: (i, 0, 0))

    def full_spec(a):
        return pl.BlockSpec(a.shape, lambda i, _r=a.ndim: (0,) * _r)

    in_specs = ([big_spec] * 5 + [row_spec, row_spec, full_spec(rep16)]
                + [full_spec(w) for w in wts])
    out_specs = [pl.BlockSpec((WBLK * T, W), lambda i: (i, 0))] * 2

    hi, zj = pl.pallas_call(
        body,
        grid=(grid,),
        in_specs=in_specs,
        out_specs=out_specs,
        out_shape=[jax.ShapeDtypeStruct((B // G, W), jnp.float32)] * 2,
    )(pt, qa, un, eri, eru, qj, pi, rep16, *wts)
    return hi, zj


def _tc_head(hi, zj, gcomb, wts, B):
    def body(hi_r, zj_r, gcomb_r,
             ur1_w, ur1_b, ur2_w, ur2_b, vr1_w, vr1_b, vr2_w, vr2_b,
             uv1_wa, uv1_wb, uv1_b, uv2_w, uv2_b, uv3_w, uv3_b,
             bn1_g, bn1_b, bn2_g, bn2_b, bn3_g, bn3_b, bn4_g, bn4_b,
             out_r):
        gcomb = gcomb_r[...]

        def bn(x, g, b, eps=1e-5):
            m = _mme(jnp.mean(x, axis=0, keepdims=True), gcomb)
            xc = x - m
            v = _mme(jnp.mean(xc * xc, axis=0, keepdims=True), gcomb)
            return g[...] * xc / jnp.sqrt(v + eps) + b[...]

        x_u = _relu(bn(_mm(hi_r[...], ur1_w[...]) + ur1_b[...], bn1_g, bn1_b))
        x_u = _mm(x_u, ur2_w[...]) + ur2_b[...]
        x_v = _relu(bn(_mm(zj_r[...], vr1_w[...]) + vr1_b[...], bn2_g, bn2_b))
        x_v = _mm(x_v, vr2_w[...]) + vr2_b[...]
        x = _relu(bn(_mm(x_u, uv1_wa[...]) + _mm(x_v, uv1_wb[...])
                     + uv1_b[...], bn3_g, bn3_b))
        x = _relu(bn(_mm(x, uv2_w[...]) + uv2_b[...], bn4_g, bn4_b))
        out_r[...] = _mm(x, uv3_w[...]) + uv3_b[...]

    out = pl.pallas_call(
        body,
        out_shape=jax.ShapeDtypeStruct((B // G, G), jnp.float32),
    )(hi, zj, gcomb, *wts)
    return out


def kernel(nodes_u, nodes_v, history_u, history_ur, social_adj, history_v,
           history_vr, u2e, v2e, r2e, gv_item, att_item, w_ir1, w_ir2,
           gv_user, att_user, att_soc, mlp_user, w_ur1, w_ur2, w_vr1, w_vr2,
           w_uv1, w_uv2, w_uv3, bn1, bn2, bn3, bn4):
    B = nodes_u.shape[0]
    WBLK = 4
    T = (B // NW) // G

    i32 = lambda a: jnp.asarray(a, jnp.int32)
    REP = 1024
    spread = (jnp.arange(B * L, dtype=jnp.int32) % REP) * G
    r2e_pad = jnp.zeros((G, D), jnp.float32).at[:r2e.shape[0]].set(r2e)
    r2e_rep = jnp.tile(r2e_pad, (REP, 1))

    hv = i32(history_v).reshape(-1)
    hu = i32(history_u).reshape(-1)
    sa = i32(social_adj).reshape(-1)
    vr = i32(history_vr).reshape(-1) + spread
    ur = i32(history_ur).reshape(-1) + spread
    nu = i32(nodes_u)
    nv = i32(nodes_v)

    pt, qa, un, eri, eru, pi, qj = _sc_gather(
        u2e, v2e, r2e_rep, hv, hu, sa, vr, ur, nu, nv)
    pack3 = lambda a: a.reshape(NW, L * T, W)
    packr = lambda a: a.reshape(NW, T, W)

    eye8 = jnp.eye(G, dtype=jnp.float32)
    kron8 = lambda w: jnp.kron(eye8, w)
    tile8 = lambda b: jnp.tile(b.reshape(1, -1), (1, G))

    def split_mlp(p):
        w1, b1, w2, b2, w3, b3 = p
        return [kron8(w1[:D]), kron8(w1[D:]), tile8(b1),
                kron8(w2), tile8(b2), kron8(w3), tile8(b3)]

    def split_att(p):
        w1, b1, w2, b2, w3, b3 = p
        return [kron8(w1[:D]), kron8(w1[D:]), tile8(b1),
                kron8(w2), tile8(b2), kron8(w3),
                jnp.full((1, G), b3[0], jnp.float32)]

    rep16 = jnp.kron(eye8, jnp.ones((1, D), jnp.float32))
    gcomb = jnp.kron(jnp.full((G, G), 1.0 / G, jnp.float32),
                     jnp.eye(D, dtype=jnp.float32))

    main_wts = (split_mlp(gv_item) + split_att(att_item)
                + split_mlp(gv_user) + split_att(att_user)
                + split_att(att_soc) + split_mlp(mlp_user)
                + [kron8(w_ir1[0]), tile8(w_ir1[1]),
                   kron8(w_ir2[0]), tile8(w_ir2[1])])

    hi, zj = _tc_main(pack3(pt), pack3(qa), pack3(un), pack3(eri),
                      pack3(eru), packr(qj), packr(pi), rep16, main_wts,
                      B, WBLK)

    head_wts = [kron8(w_ur1[0]), tile8(w_ur1[1]),
                kron8(w_ur2[0]), tile8(w_ur2[1]),
                kron8(w_vr1[0]), tile8(w_vr1[1]),
                kron8(w_vr2[0]), tile8(w_vr2[1]),
                kron8(w_uv1[0][:D]), kron8(w_uv1[0][D:]), tile8(w_uv1[1]),
                kron8(w_uv2[0]), tile8(w_uv2[1]),
                kron8(w_uv3[0]), jnp.full((1, G), w_uv3[1][0], jnp.float32),
                tile8(bn1[0]), tile8(bn1[1]), tile8(bn2[0]), tile8(bn2[1]),
                tile8(bn3[0]), tile8(bn3[1]), tile8(bn4[0]), tile8(bn4[1])]

    scores = _tc_head(hi, zj, gcomb, head_wts, B)
    return scores.reshape(B)

# --- scband reference (transcript-rebuilt; emitter-appended) ---
"""Pipeline reference for scband-graph-rec-45440753992066 (READ-ONLY COPY).

The authoritative reference and input builder live on the scoring server;
editing this copy changes nothing except your own understanding.
"""

import jax, jax.numpy as jnp
import numpy as np

D = 16
B = 4096
L = 50
NU = 100000
NV = 100000
NR = 5

def _lin(key, fan_in, fan_out):
    w = jax.random.normal(key, (fan_in, fan_out), jnp.float32) / jnp.sqrt(fan_in)
    b = jnp.zeros((fan_out,), jnp.float32)
    return (w, b)

def _mlp_params(key, d_in, d_out):
    k1, k2, k3 = jax.random.split(key, 3)
    return _lin(k1, d_in, d_out) + _lin(k2, d_out, d_out) + _lin(k3, d_out, d_out)

def _att_params(key, d):
    k1, k2, k3 = jax.random.split(key, 3)
    return _lin(k1, 2 * d, d) + _lin(k2, d, d) + _lin(k3, d, 1)

def setup_inputs(seed: int = 0):
    key = jax.random.key(seed)
    ks = jax.random.split(key, 32)
    inp = {}
    inp['nodes_u'] = jax.random.randint(ks[0], (B,), 0, NU)
    inp['nodes_v'] = jax.random.randint(ks[1], (B,), 0, NV)
    inp['history_u'] = jax.random.randint(ks[2], (B, L), 0, NV)
    inp['history_ur'] = jax.random.randint(ks[3], (B, L), 0, NR)
    inp['social_adj'] = jax.random.randint(ks[4], (B, L), 0, NU)
    inp['history_v'] = jax.random.randint(ks[5], (B, L), 0, NU)
    inp['history_vr'] = jax.random.randint(ks[6], (B, L), 0, NR)
    inp['u2e'] = jax.random.normal(ks[7], (NU, D), jnp.float32) * 0.1
    inp['v2e'] = jax.random.normal(ks[8], (NV, D), jnp.float32) * 0.1
    inp['r2e'] = jax.random.normal(ks[9], (NR, D), jnp.float32) * 0.1
    inp['gv_item'] = _mlp_params(ks[10], 2 * D, D)
    inp['att_item'] = _att_params(ks[11], D)
    inp['w_ir1'] = _lin(ks[12], D, D)
    inp['w_ir2'] = _lin(ks[13], D, D)
    inp['gv_user'] = _mlp_params(ks[14], 2 * D, D)
    inp['att_user'] = _att_params(ks[15], D)
    inp['att_soc'] = _att_params(ks[16], D)
    inp['mlp_user'] = _mlp_params(ks[17], 2 * D, D)
    inp['w_ur1'] = _lin(ks[18], D, D)
    inp['w_ur2'] = _lin(ks[19], D, D)
    inp['w_vr1'] = _lin(ks[20], D, D)
    inp['w_vr2'] = _lin(ks[21], D, D)
    inp['w_uv1'] = _lin(ks[22], 2 * D, D)
    inp['w_uv2'] = _lin(ks[23], D, 16)
    inp['w_uv3'] = _lin(ks[24], 16, 1)
    inp['bn1'] = (jnp.ones((D,), jnp.float32), jnp.zeros((D,), jnp.float32))
    inp['bn2'] = (jnp.ones((D,), jnp.float32), jnp.zeros((D,), jnp.float32))
    inp['bn3'] = (jnp.ones((D,), jnp.float32), jnp.zeros((D,), jnp.float32))
    inp['bn4'] = (jnp.ones((16,), jnp.float32), jnp.zeros((16,), jnp.float32))
    return inp

def mlp3(x, p):
    w1, b1, w2, b2, w3, b3 = p
    h = jax.nn.relu(x @ w1 + b1)
    h = jax.nn.relu(h @ w2 + b2)
    return h @ w3 + b3

def attn(neighs, rep, p):
    w1, b1, w2, b2, w3, b3 = p
    r = jnp.broadcast_to(rep[:, None, :], neighs.shape)
    x = jnp.concatenate([neighs, r], axis=-1)
    h = jax.nn.relu(x @ w1 + b1)
    h = jax.nn.relu(h @ w2 + b2)
    s = h @ w3 + b3
    return jax.nn.softmax(s, axis=1)

def bn(x, p, eps=1e-5):
    g, b = p
    m = jnp.mean(x, axis=0, keepdims=True)
    v = jnp.var(x, axis=0, keepdims=True)
    return g * (x - m) / jnp.sqrt(v + eps) + b

def reference(nodes_u, nodes_v, history_u, history_ur, social_adj, history_v, history_vr, u2e, v2e, r2e, gv_item, att_item, w_ir1, w_ir2, gv_user, att_user, att_soc, mlp_user, w_ur1, w_ur2, w_vr1, w_vr2, w_uv1, w_uv2, w_uv3, bn1, bn2, bn3, bn4):
    # --- Item modeling (user aggregation around item) ---
    pt = jnp.take(u2e, history_v, axis=0)
    qj = jnp.take(v2e, nodes_v, axis=0)
    er = jnp.take(r2e, history_vr, axis=0)
    fjt = mlp3(jnp.concatenate([pt, er], axis=-1), gv_item)
    mu = attn(fjt, qj, att_item)
    zj = jnp.sum(fjt * mu, axis=1)
    zj = jax.nn.relu(zj @ w_ir1[0] + w_ir1[1])
    zj = jax.nn.relu(zj @ w_ir2[0] + w_ir2[1])
    # --- User modeling: item-space aggregation ---
    qa = jnp.take(v2e, history_u, axis=0)
    pi = jnp.take(u2e, nodes_u, axis=0)
    eru = jnp.take(r2e, history_ur, axis=0)
    xia = mlp3(jnp.concatenate([qa, eru], axis=-1), gv_user)
    alpha = attn(xia, pi, att_user)
    hi_I = jnp.sum(xia * alpha, axis=1)
    # --- User modeling: social-space aggregation ---
    un = jnp.take(u2e, social_adj, axis=0)
    beta = attn(un, pi, att_soc)
    hi_S = jnp.sum(un * beta, axis=1)
    hi = mlp3(jnp.concatenate([hi_I, hi_S], axis=-1), mlp_user)
    # --- Rating prediction head ---
    x_u = jax.nn.relu(bn(hi @ w_ur1[0] + w_ur1[1], bn1))
    x_u = x_u @ w_ur2[0] + w_ur2[1]
    x_v = jax.nn.relu(bn(zj @ w_vr1[0] + w_vr1[1], bn2))
    x_v = x_v @ w_vr2[0] + w_vr2[1]
    x = jnp.concatenate([x_u, x_v], axis=-1)
    x = jax.nn.relu(bn(x @ w_uv1[0] + w_uv1[1], bn3))
    x = jax.nn.relu(bn(x @ w_uv2[0] + w_uv2[1], bn4))
    scores = (x @ w_uv3[0] + w_uv3[1]).squeeze(-1)
    return scores

if False:  # reference __main__ guard neutralized (emitter)
    out = reference(**setup_inputs())
    print(out.shape)

if __name__ == "__main__":
    import jax
    _d = setup_inputs()
    print(jax.jit(kernel)(*tuple(_d.values())))

</pallas_src>

<mosaic_0001>
#map = affine_map<(d0, d1) -> (0, 0)>
#map1 = affine_map<(d0, d1) -> (0)>
module attributes {stable_mosaic.version = 14 : i64} {
  func.func @k(%arg0: i32, %arg1: i32, %arg2: memref<100000x16xf32, #tpu.memory_space<hbm>>, %arg3: memref<100000x16xf32, #tpu.memory_space<hbm>>, %arg4: memref<8192x16xf32, #tpu.memory_space<hbm>>, %arg5: memref<204800xi32, #tpu.memory_space<hbm>>, %arg6: memref<204800xi32, #tpu.memory_space<hbm>>, %arg7: memref<204800xi32, #tpu.memory_space<hbm>>, %arg8: memref<204800xi32, #tpu.memory_space<hbm>>, %arg9: memref<204800xi32, #tpu.memory_space<hbm>>, %arg10: memref<4096xi32, #tpu.memory_space<hbm>>, %arg11: memref<4096xi32, #tpu.memory_space<hbm>>, %arg12: memref<204800x16xf32, #tpu.memory_space<hbm>>, %arg13: memref<204800x16xf32, #tpu.memory_space<hbm>>, %arg14: memref<204800x16xf32, #tpu.memory_space<hbm>>, %arg15: memref<204800x16xf32, #tpu.memory_space<hbm>>, %arg16: memref<204800x16xf32, #tpu.memory_space<hbm>>, %arg17: memref<4096x16xf32, #tpu.memory_space<hbm>>, %arg18: memref<4096x16xf32, #tpu.memory_space<hbm>>, %arg19: memref<6400xi32, #tpu.memory_space<vmem>>, %arg20: memref<6400xi32, #tpu.memory_space<vmem>>, %arg21: memref<6400x16xf32, #tpu.memory_space<vmem>>, %arg22: memref<128xi32, #tpu.memory_space<vmem>>, %arg23: memref<128x16xf32, #tpu.memory_space<vmem>>, %arg24: memref<!tpu.dma_semaphore, #tpu.memory_space<semaphore_mem>>) attributes {dimension_semantics = [#tpu.dimension_semantics<core_parallel>, #tpu.dimension_semantics<subcore_parallel>], iteration_bounds = array<i64: 2, 16>, scalar_prefetch = 0 : i64, scratch_operands = 6 : i64, tpu.core_type = #tpu.core_type<sc_vector_subcore>, window_params = [{transform_indices = #map}, {transform_indices = #map}, {transform_indices = #map}, {transform_indices = #map1}, {transform_indices = #map1}, {transform_indices = #map1}, {transform_indices = #map1}, {transform_indices = #map1}, {transform_indices = #map1}, {transform_indices = #map1}, {transform_indices = #map}, {transform_indices = #map}, {transform_indices = #map}, {transform_indices = #map}, {transform_indices = #map}, {transform_indices = #map}, {transform_indices = #map}]} {
    %mul3A = arith.constant 2 : i32
    %mul3A_0 = arith.muli %arg1, %mul3A : i32
    %add3A = arith.addi %mul3A_0, %arg0 : i32
    %mul3A_1 = arith.constant 6400 : i32
    %mul3A_2 = arith.muli %add3A, %mul3A_1 : i32
    %iota3A = tpu.iota {dimensions = array<i32: 0>} : vector<16xi32>
    "tpu.region"() ({
      %run_scoped3A = tpu.sem_alloc : memref<!tpu.dma_semaphore, #tpu.memory_space<semaphore_mem>>
      %dma_start3A_79 = tpu.memref_slice %arg5[%mul3A_2] : memref<204800xi32, #tpu.memory_space<hbm>> -> memref<6400xi32, #tpu.memory_space<hbm>>
      %dma_start3A_80 = tpu.memref_slice %arg5[%mul3A_2] : memref<204800xi32, #tpu.memory_space<hbm>> -> memref<6400xi32, #tpu.memory_space<hbm>>
      tpu.enqueue_dma source(%dma_start3A_80 : memref<6400xi32, #tpu.memory_space<hbm>>) target(%arg19 : memref<6400xi32, #tpu.memory_space<vmem>>) target_semaphore(%run_scoped3A : memref<!tpu.dma_semaphore, #tpu.memory_space<semaphore_mem>>)
      %dma_wait3A_81 = tpu.memref_slice %arg5[%mul3A_2] : memref<204800xi32, #tpu.memory_space<hbm>> -> memref<6400xi32, #tpu.memory_space<hbm>>
      %dma_wait3A_82 = tpu.memref_slice %arg5[%mul3A_2] : memref<204800xi32, #tpu.memory_space<hbm>> -> memref<6400xi32, #tpu.memory_space<hbm>>
      tpu.wait_dma2 semaphore(%run_scoped3A : memref<!tpu.dma_semaphore, #tpu.memory_space<semaphore_mem>>) src(%dma_wait3A_82 : memref<6400xi32, #tpu.memory_space<hbm>>) dst(%arg19 : memref<6400xi32, #tpu.memory_space<vmem>>)
      tpu.yield
    }) : () -> ()
    %scan3A = arith.constant 0 : i32
    %scan3A_3 = arith.constant 0 : i32
    %scan3A_4 = arith.constant 400 : i32
    %scan3A_5 = arith.addi %scan3A_3, %scan3A_4 : i32
    %scan3A_6 = arith.constant 8 : i32
    %scan3A_7 = scf.for %scan3A_79 = %scan3A_3 to %scan3A_5 step %scan3A_6 iter_args(%scan3A_80 = %scan3A) -> (i32)  : i32 {
      %mul3A_81 = arith.constant 16 : i32
      %mul3A_82 = arith.muli %scan3A_79, %mul3A_81 : i32
      %add3A_83 = vector.broadcast %mul3A_82 : i32 to vector<16xi32>
      %add3A_84 = arith.addi %add3A_83, %iota3A : vector<16xi32>
      %and3A = arith.constant 127 : i32
      %and3A_85 = vector.broadcast %and3A : i32 to vector<16xi32>
      %and3A_86 = arith.andi %add3A_84, %and3A_85 : vector<16xi32>
      %shift_right_arithmetic3A = arith.constant 7 : i32
      %shift_right_arithmetic3A_87 = vector.broadcast %shift_right_arithmetic3A : i32 to vector<16xi32>
      %shift_right_arithmetic3A_88 = arith.shrsi %add3A_84, %shift_right_arithmetic3A_87 : vector<16xi32>
      %mul3A_89 = arith.constant 50 : i32
      %mul3A_90 = vector.broadcast %mul3A_89 : i32 to vector<16xi32>
      %mul3A_91 = arith.muli %and3A_86, %mul3A_90 : vector<16xi32>
      %add3A_92 = arith.addi %mul3A_91, %shift_right_arithmetic3A_88 : vector<16xi32>
      %gather3A = tpu.vector_load_idx %arg19[%add3A_92] : memref<6400xi32, #tpu.memory_space<vmem>>[vector<16xi32>], vector<16xi32>,
      %mul3A_93 = arith.constant 16 : i32
      %mul3A_94 = arith.muli %scan3A_79, %mul3A_93 : i32
      %swap3A = arith.index_cast %mul3A_94 : i32 to index
      %swap3A_95 = tpu.vector_load %arg20[%swap3A] {strides = array<i32>} : memref<6400xi32, #tpu.memory_space<vmem>>, vector<16xi32>,
      tpu.vector_store %arg20[%swap3A], %gather3A {strides = array<i32>} : memref<6400xi32, #tpu.memory_space<vmem>>, vector<16xi32>,
      %scan3A_96 = arith.constant 0 : i32
      %scan3A_97 = arith.constant 1 : i32
      %scan3A_98 = arith.addi %scan3A_79, %scan3A_97 : i32
      %mul3A_99 = arith.constant 16 : i32
      %mul3A_100 = arith.muli %scan3A_98, %mul3A_99 : i32
      %add3A_101 = vector.broadcast %mul3A_100 : i32 to vector<16xi32>
      %add3A_102 = arith.addi %add3A_101, %iota3A : vector<16xi32>
      %and3A_103 = arith.constant 127 : i32
      %and3A_104 = vector.broadcast %and3A_103 : i32 to vector<16xi32>
      %and3A_105 = arith.andi %add3A_102, %and3A_104 : vector<16xi32>
      %shift_right_arithmetic3A_106 = arith.constant 7 : i32
      %shift_right_arithmetic3A_107 = vector.broadcast %shift_right_arithmetic3A_106 : i32 to vector<16xi32>
      %shift_right_arithmetic3A_108 = arith.shrsi %add3A_102, %shift_right_arithmetic3A_107 : vector<16xi32>
      %mul3A_109 = arith.constant 50 : i32
      %mul3A_110 = vector.broadcast %mul3A_109 : i32 to vector<16xi32>
      %mul3A_111 = arith.muli %and3A_105, %mul3A_110 : vector<16xi32>
      %add3A_112 = arith.addi %mul3A_111, %shift_right_arithmetic3A_108 : vector<16xi32>
      %gather3A_113 = tpu.vector_load_idx %arg19[%add3A_112] : memref<6400xi32, #tpu.memory_space<vmem>>[vector<16xi32>], vector<16xi32>,
      %mul3A_114 = arith.constant 16 : i32
      %mul3A_115 = arith.muli %scan3A_98, %mul3A_114 : i32
      %swap3A_116 = arith.index_cast %mul3A_115 : i32 to index
      %swap3A_117 = tpu.vector_load %arg20[%swap3A_116] {strides = array<i32>} : memref<6400xi32, #tpu.memory_space<vmem>>, vector<16xi32>,
      tpu.vector_store %arg20[%swap3A_116], %gather3A_113 {strides = array<i32>} : memref<6400xi32, #tpu.memory_space<vmem>>, vector<16xi32>,
      %scan3A_118 = arith.constant 0 : i32
      %scan3A_119 = arith.constant 2 : i32
      %scan3A_120 = arith.addi %scan3A_79, %scan3A_119 : i32
      %mul3A_121 = arith.constant 16 : i32
      %mul3A_122 = arith.muli %scan3A_120, %mul3A_121 : i32
      %add3A_123 = vector.broadcast %mul3A_122 : i32 to vector<16xi32>
      %add3A_124 = arith.addi %add3A_123, %iota3A : vector<16xi32>
      %and3A_125 = arith.constant 127 : i32
      %and3A_126 = vector.broadcast %and3A_125 : i32 to vector<16xi32>
      %and3A_127 = arith.andi %add3A_124, %and3A_126 : vector<16xi32>
      %shift_right_arithmetic3A_128 = arith.constant 7 : i32
      %shift_right_arithmetic3A_129 = vector.broadcast %shift_right_arithmetic3A_128 : i32 to vector<16xi32>
      %shift_right_arithmetic3A_130 = arith.shrsi %add3A_124, %shift_right_arithmetic3A_129 : vector<16xi32>
      %mul3A_131 = arith.constant 50 : i32
      %mul3A_132 = vector.broadcast %mul3A_131 : i32 to vector<16xi32>
      %mul3A_133 = arith.muli %and3A_127, %mul3A_132 : vector<16xi32>
      %add3A_134 = arith.addi %mul3A_133, %shift_right_arithmetic3A_130 : vector<16xi32>
      %gather3A_135 = tpu.vector_load_idx %arg19[%add3A_134] : memref<6400xi32, #tpu.memory_space<vmem>>[vector<16xi32>], vector<16xi32>,
      %mul3A_136 = arith.constant 16 : i32
      %mul3A_137 = arith.muli %scan3A_120, %mul3A_136 : i32
      %swap3A_138 = arith.index_cast %mul3A_137 : i32 to index
      %swap3A_139 = tpu.vector_load %arg20[%swap3A_138] {strides = array<i32>} : memref<6400xi32, #tpu.memory_space<vmem>>, vector<16xi32>,
      tpu.vector_store %arg20[%swap3A_138], %gather3A_135 {strides = array<i32>} : memref<6400xi32, #tpu.memory_space<vmem>>, vector<16xi32>,
      %scan3A_140 = arith.constant 0 : i32
      %scan3A_141 = arith.constant 3 : i32
      %scan3A_142 = arith.addi %scan3A_79, %scan3A_141 : i32
      %mul3A_143 = arith.constant 16 : i32
      %mul3A_144 = arith.muli %scan3A_142, %mul3A_143 : i32
      %add3A_145 = vector.broadcast %mul3A_144 : i32 to vector<16xi32>
      %add3A_146 = arith.addi %add3A_145, %iota3A : vector<16xi32>
      %and3A_147 = arith.constant 127 : i32
      %and3A_148 = vector.broadcast %and3A_147 : i32 to vector<16xi32>
      %and3A_149 = arith.andi %add3A_146, %and3A_148 : vector<16xi32>
      %shift_right_arithmetic3A_150 = arith.constant 7 : i32
      %shift_right_arithmetic3A_151 = vector.broadcast %shift_right_arithmetic3A_150 : i32 to vector<16xi32>
      %shift_right_arithmetic3A_152 = arith.shrsi %add3A_146, %shift_right_arithmetic3A_151 : vector<16xi32>
      %mul3A_153 = arith.constant 50 : i32
      %mul3A_154 = vector.broadcast %mul3A_153 : i32 to vector<16xi32>
      %mul3A_155 = arith.muli %and3A_149, %mul3A_154 : vector<16xi32>
      %add3A_156 = arith.addi %mul3A_155, %shift_right_arithmetic3A_152 : vector<16xi32>
      %gather3A_157 = tpu.vector_load_idx %arg19[%add3A_156] : memref<6400xi32, #tpu.memory_space<vmem>>[vector<16xi32>], vector<16xi32>,
      %mul3A_158 = arith.constant 16 : i32
      %mul3A_159 = arith.muli %scan3A_142, %mul3A_158 : i32
      %swap3A_160 = arith.index_cast %mul3A_159 : i32 to index
      %swap3A_161 = tpu.vector_load %arg20[%swap3A_160] {strides = array<i32>} : memref<6400xi32, #tpu.memory_space<vmem>>, vector<16xi32>,
      tpu.vector_store %arg20[%swap3A_160], %gather3A_157 {strides = array<i32>} : memref<6400xi32, #tpu.memory_space<vmem>>, vector<16xi32>,
      %scan3A_162 = arith.constant 0 : i32
      %scan3A_163 = arith.constant 4 : i32
      %scan3A_164 = arith.addi %scan3A_79, %scan3A_163 : i32
      %mul3A_165 = arith.constant 16 : i32
      %mul3A_166 = arith.muli %scan3A_164, %mul3A_165 : i32
      %add3A_167 = vector.broadcast %mul3A_166 : i32 to vector<16xi32>
      %add3A_168 = arith.addi %add3A_167, %iota3A : vector<16xi32>
      %and3A_169 = arith.constant 127 : i32
      %and3A_170 = vector.broadcast %and3A_169 : i32 to vector<16xi32>
      %and3A_171 = arith.andi %add3A_168, %and3A_170 : vector<16xi32>
      %shift_right_arithmetic3A_172 = arith.constant 7 : i32
      %shift_right_arithmetic3A_173 = vector.broadcast %shift_right_arithmetic3A_172 : i32 to vector<16xi32>
      %shift_right_arithmetic3A_174 = arith.shrsi %add3A_168, %shift_right_arithmetic3A_173 : vector<16xi32>
      %mul3A_175 = arith.constant 50 : i32
      %mul3A_176 = vector.broadcast %mul3A_175 : i32 to vector<16xi32>
      %mul3A_177 = arith.muli %and3A_171, %mul3A_176 : vector<16xi32>
      %add3A_178 = arith.addi %mul3A_177, %shift_right_arithmetic3A_174 : vector<16xi32>
      %gather3A_179 = tpu.vector_load_idx %arg19[%add3A_178] : memref<6400xi32, #tpu.memory_space<vmem>>[vector<16xi32>], vector<16xi32>,
      %mul3A_180 = arith.constant 16 : i32
      %mul3A_181 = arith.muli %scan3A_164, %mul3A_180 : i32
      %swap3A_182 = arith.index_cast %mul3A_181 : i32 to index
      %swap3A_183 = tpu.vector_load %arg20[%swap3A_182] {strides = array<i32>} : memref<6400xi32, #tpu.memory_space<vmem>>, vector<16xi32>,
      tpu.vector_store %arg20[%swap3A_182], %gather3A_179 {strides = array<i32>} : memref<6400xi32, #tpu.memory_space<vmem>>, vector<16xi32>,
      %scan3A_184 = arith.constant 0 : i32
      %scan3A_185 = arith.constant 5 : i32
      %scan3A_186 = arith.addi %scan3A_79, %scan3A_185 : i32
      %mul3A_187 = arith.constant 16 : i32
      %mul3A_188 = arith.muli %scan3A_186, %mul3A_187 : i32
      %add3A_189 = vector.broadcast %mul3A_188 : i32 to vector<16xi32>
      %add3A_190 = arith.addi %add3A_189, %iota3A : vector<16xi32>
      %and3A_191 = arith.constant 127 : i32
      %and3A_192 = vector.broadcast %and3A_191 : i32 to vector<16xi32>
      %and3A_193 = arith.andi %add3A_190, %and3A_192 : vector<16xi32>
      %shift_right_arithmetic3A_194 = arith.constant 7 : i32
      %shift_right_arithmetic3A_195 = vector.broadcast %shift_right_arithmetic3A_194 : i32 to vector<16xi32>
      %shift_right_arithmetic3A_196 = arith.shrsi %add3A_190, %shift_right_arithmetic3A_195 : vector<16xi32>
      %mul3A_197 = arith.constant 50 : i32
      %mul3A_198 = vector.broadcast %mul3A_197 : i32 to vector<16xi32>
      %mul3A_199 = arith.muli %and3A_193, %mul3A_198 : vector<16xi32>
      %add3A_200 = arith.addi %mul3A_199, %shift_right_arithmetic3A_196 : vector<16xi32>
      %gather3A_201 = tpu.vector_load_idx %arg19[%add3A_200] : memref<6400xi32, #tpu.memory_space<vmem>>[vector<16xi32>], vector<16xi32>,
      %mul3A_202 = arith.constant 16 : i32
      %mul3A_203 = arith.muli %scan3A_186, %mul3A_202 : i32
      %swap3A_204 = arith.index_cast %mul3A_203 : i32 to index
      %swap3A_205 = tpu.vector_load %arg20[%swap3A_204] {strides = array<i32>} : memref<6400xi32, #tpu.memory_space<vmem>>, vector<16xi32>,
      tpu.vector_store %arg20[%swap3A_204], %gather3A_201 {strides = array<i32>} : memref<6400xi32, #tpu.memory_space<vmem>>, vector<16xi32>,
      %scan3A_206 = arith.constant 0 : i32
      %scan3A_207 = arith.constant 6 : i32
      %scan3A_208 = arith.addi %scan3A_79, %scan3A_207 : i32
      %mul3A_209 = arith.constant 16 : i32
      %mul3A_210 = arith.muli %scan3A_208, %mul3A_209 : i32
      %add3A_211 = vector.broadcast %mul3A_210 : i32 to vector<16xi32>
      %add3A_212 = arith.addi %add3A_211, %iota3A : vector<16xi32>
      %and3A_213 = arith.constant 127 : i32
      %and3A_214 = vector.broadcast %and3A_213 : i32 to vector<16xi32>
      %and3A_215 = arith.andi %add3A_212, %and3A_214 : vector<16xi32>
      %shift_right_arithmetic3A_216 = arith.constant 7 : i32
      %shift_right_arithmetic3A_217 = vector.broadcast %shift_right_arithmetic3A_216 : i32 to vector<16xi32>
      %shift_right_arithmetic3A_218 = arith.shrsi %add3A_212, %shift_right_arithmetic3A_217 : vector<16xi32>
      %mul3A_219 = arith.constant 50 : i32
      %mul3A_220 = vector.broadcast %mul3A_219 : i32 to vector<16xi32>
      %mul3A_221 = arith.muli %and3A_215, %mul3A_220 : vector<16xi32>
      %add3A_222 = arith.addi %mul3A_221, %shift_right_arithmetic3A_218 : vector<16xi32>
      %gather3A_223 = tpu.vector_load_idx %arg19[%add3A_222] : memref<6400xi32, #tpu.memory_space<vmem>>[vector<16xi32>], vector<16xi32>,
      %mul3A_224 = arith.constant 16 : i32
      %mul3A_225 = arith.muli %scan3A_208, %mul3A_224 : i32
      %swap3A_226 = arith.index_cast %mul3A_225 : i32 to index
      %swap3A_227 = tpu.vector_load %arg20[%swap3A_226] {strides = array<i32>} : memref<6400xi32, #tpu.memory_space<vmem>>, vector<16xi32>,
      tpu.vector_store %arg20[%swap3A_226], %gather3A_223 {strides = array<i32>} : memref<6400xi32, #tpu.memory_space<vmem>>, vector<16xi32>,
      %scan3A_228 = arith.constant 0 : i32
      %scan3A_229 = arith.constant 7 : i32
      %scan3A_230 = arith.addi %scan3A_79, %scan3A_229 : i32
      %mul3A_231 = arith.constant 16 : i32
      %mul3A_232 = arith.muli %scan3A_230, %mul3A_231 : i32
      %add3A_233 = vector.broadcast %mul3A_232 : i32 to vector<16xi32>
      %add3A_234 = arith.addi %add3A_233, %iota3A : vector<16xi32>
      %and3A_235 = arith.constant 127 : i32
      %and3A_236 = vector.broadcast %and3A_235 : i32 to vector<16xi32>
      %and3A_237 = arith.andi %add3A_234, %and3A_236 : vector<16xi32>
      %shift_right_arithmetic3A_238 = arith.constant 7 : i32
      %shift_right_arithmetic3A_239 = vector.broadcast %shift_right_arithmetic3A_238 : i32 to vector<16xi32>
      %shift_right_arithmetic3A_240 = arith.shrsi %add3A_234, %shift_right_arithmetic3A_239 : vector<16xi32>
      %mul3A_241 = arith.constant 50 : i32
      %mul3A_242 = vector.broadcast %mul3A_241 : i32 to vector<16xi32>
      %mul3A_243 = arith.muli %and3A_237, %mul3A_242 : vector<16xi32>
      %add3A_244 = arith.addi %mul3A_243, %shift_right_arithmetic3A_240 : vector<16xi32>
      %gather3A_245 = tpu.vector_load_idx %arg19[%add3A_244] : memref<6400xi32, #tpu.memory_space<vmem>>[vector<16xi32>], vector<16xi32>,
      %mul3A_246 = arith.constant 16 : i32
      %mul3A_247 = arith.muli %scan3A_230, %mul3A_246 : i32
      %swap3A_248 = arith.index_cast %mul3A_247 : i32 to index
      %swap3A_249 = tpu.vector_load %arg20[%swap3A_248] {strides = array<i32>} : memref<6400xi32, #tpu.memory_space<vmem>>, vector<16xi32>,
      tpu.vector_store %arg20[%swap3A_248], %gather3A_245 {strides = array<i32>} : memref<6400xi32, #tpu.memory_space<vmem>>, vector<16xi32>,
      %scan3A_250 = arith.constant 0 : i32
      scf.yield %scan3A_250 : i32
    }
    %scan3A_8 = arith.constant 400 : i32
    %dma_start3A = arith.constant 0 : i32
    %dma_start3A_9 = arith.constant 0 : i32
    %dma_start3A_10 = tpu.memref_slice %arg2[%dma_start3A, %dma_start3A_9] : memref<100000x16xf32, #tpu.memory_space<hbm>> -> memref<100000x16xf32, #tpu.memory_space<hbm>>
    tpu.enqueue_indirect_dma source(%dma_start3A_10 : memref<100000x16xf32, #tpu.memory_space<hbm>>) target(%arg21 : memref<6400x16xf32, #tpu.memory_space<vmem>>) offsets(%arg20 : memref<6400xi32, #tpu.memory_space<vmem>>) semaphore(%arg24 : memref<!tpu.dma_semaphore, #tpu.memory_space<semaphore_mem>>)
    %dma_wait3A = arith.constant 0 : i32
    %dma_wait3A_11 = arith.constant 0 : i32
    %dma_wait3A_12 = tpu.memref_slice %arg2[%dma_wait3A, %dma_wait3A_11] : memref<100000x16xf32, #tpu.memory_space<hbm>> -> memref<100000x16xf32, #tpu.memory_space<hbm>>
    tpu.wait_indirect_dma semaphore(%arg24 : memref<!tpu.dma_semaphore, #tpu.memory_space<semaphore_mem>>) src(%dma_wait3A_12 : memref<100000x16xf32, #tpu.memory_space<hbm>>) dst(%arg21 : memref<6400x16xf32, #tpu.memory_space<vmem>>)
    "tpu.region"() ({
      %run_scoped3A = tpu.sem_alloc : memref<!tpu.dma_semaphore, #tpu.memory_space<semaphore_mem>>
      %dma_start3A_79 = arith.constant 0 : i32
      %dma_start3A_80 = tpu.memref_slice %arg12[%mul3A_2, %dma_start3A_79] : memref<204800x16xf32, #tpu.memory_space<hbm>> -> memref<6400x16xf32, #tpu.memory_space<hbm>>
      %dma_start3A_81 = arith.constant 0 : i32
      %dma_start3A_82 = tpu.memref_slice %arg12[%mul3A_2, %dma_start3A_81] : memref<204800x16xf32, #tpu.memory_space<hbm>> -> memref<6400x16xf32, #tpu.memory_space<hbm>>
      tpu.enqueue_dma source(%arg21 : memref<6400x16xf32, #tpu.memory_space<vmem>>) target(%dma_start3A_82 : memref<6400x16xf32, #tpu.memory_space<hbm>>) target_semaphore(%run_scoped3A : memref<!tpu.dma_semaphore, #tpu.memory_space<semaphore_mem>>)
      %dma_wait3A_83 = arith.constant 0 : i32
      %dma_wait3A_84 = tpu.memref_slice %arg12[%mul3A_2, %dma_wait3A_83] : memref<204800x16xf32, #tpu.memory_space<hbm>> -> memref<6400x16xf32, #tpu.memory_space<hbm>>
      %dma_wait3A_85 = arith.constant 0 : i32
      %dma_wait3A_86 = tpu.memref_slice %arg12[%mul3A_2, %dma_wait3A_85] : memref<204800x16xf32, #tpu.memory_space<hbm>> -> memref<6400x16xf32, #tpu.memory_space<hbm>>
      tpu.wait_dma2 semaphore(%run_scoped3A : memref<!tpu.dma_semaphore, #tpu.memory_space<semaphore_mem>>) src(%arg21 : memref<6400x16xf32, #tpu.memory_space<vmem>>) dst(%dma_wait3A_86 : memref<6400x16xf32, #tpu.memory_space<hbm>>)
      tpu.yield
    }) : () -> ()
    "tpu.region"() ({
      %run_scoped3A = tpu.sem_alloc : memref<!tpu.dma_semaphore, #tpu.memory_space<semaphore_mem>>
      %dma_start3A_79 = tpu.memref_slice %arg6[%mul3A_2] : memref<204800xi32, #tpu.memory_space<hbm>> -> memref<6400xi32, #tpu.memory_space<hbm>>
      %dma_start3A_80 = tpu.memref_slice %arg6[%mul3A_2] : memref<204800xi32, #tpu.memory_space<hbm>> -> memref<6400xi32, #tpu.memory_space<hbm>>
      tpu.enqueue_dma source(%dma_start3A_80 : memref<6400xi32, #tpu.memory_space<hbm>>) target(%arg19 : memref<6400xi32, #tpu.memory_space<vmem>>) target_semaphore(%run_scoped3A : memref<!tpu.dma_semaphore, #tpu.memory_space<semaphore_mem>>)
      %dma_wait3A_81 = tpu.memref_slice %arg6[%mul3A_2] : memref<204800xi32, #tpu.memory_space<hbm>> -> memref<6400xi32, #tpu.memory_space<hbm>>
      %dma_wait3A_82 = tpu.memref_slice %arg6[%mul3A_2] : memref<204800xi32, #tpu.memory_space<hbm>> -> memref<6400xi32, #tpu.memory_space<hbm>>
      tpu.wait_dma2 semaphore(%run_scoped3A : memref<!tpu.dma_semaphore, #tpu.memory_space<semaphore_mem>>) src(%dma_wait3A_82 : memref<6400xi32, #tpu.memory_space<hbm>>) dst(%arg19 : memref<6400xi32, #tpu.memory_space<vmem>>)
      tpu.yield
    }) : () -> ()
    %scan3A_13 = arith.constant 0 : i32
    %scan3A_14 = arith.constant 0 : i32
    %scan3A_15 = arith.constant 400 : i32
    %scan3A_16 = arith.addi %scan3A_14, %scan3A_15 : i32
    %scan3A_17 = arith.constant 8 : i32
    %scan3A_18 = scf.for %scan3A_79 = %scan3A_14 to %scan3A_16 step %scan3A_17 iter_args(%scan3A_80 = %scan3A_13) -> (i32)  : i32 {
      %mul3A_81 = arith.constant 16 : i32
      %mul3A_82 = arith.muli %scan3A_79, %mul3A_81 : i32
      %add3A_83 = vector.broadcast %mul3A_82 : i32 to vector<16xi32>
      %add3A_84 = arith.addi %add3A_83, %iota3A : vector<16xi32>
      %and3A = arith.constant 127 : i32
      %and3A_85 = vector.broadcast %and3A : i32 to vector<16xi32>
      %and3A_86 = arith.andi %add3A_84, %and3A_85 : vector<16xi32>
      %shift_right_arithmetic3A = arith.constant 7 : i32
      %shift_right_arithmetic3A_87 = vector.broadcast %shift_right_arithmetic3A : i32 to vector<16xi32>
      %shift_right_arithmetic3A_88 = arith.shrsi %add3A_84, %shift_right_arithmetic3A_87 : vector<16xi32>
      %mul3A_89 = arith.constant 50 : i32
      %mul3A_90 = vector.broadcast %mul3A_89 : i32 to vector<16xi32>
      %mul3A_91 = arith.muli %and3A_86, %mul3A_90 : vector<16xi32>
      %add3A_92 = arith.addi %mul3A_91, %shift_right_arithmetic3A_88 : vector<16xi32>
      %gather3A = tpu.vector_load_idx %arg19[%add3A_92] : memref<6400xi32, #tpu.memory_space<vmem>>[vector<16xi32>], vector<16xi32>,
      %mul3A_93 = arith.constant 16 : i32
      %mul3A_94 = arith.muli %scan3A_79, %mul3A_93 : i32
      %swap3A = arith.index_cast %mul3A_94 : i32 to index
      %swap3A_95 = tpu.vector_load %arg20[%swap3A] {strides = array<i32>} : memref<6400xi32, #tpu.memory_space<vmem>>, vector<16xi32>,
      tpu.vector_store %arg20[%swap3A], %gather3A {strides = array<i32>} : memref<6400xi32, #tpu.memory_space<vmem>>, vector<16xi32>,
      %scan3A_96 = arith.constant 0 : i32
      %scan3A_97 = arith.constant 1 : i32
      %scan3A_98 = arith.addi %scan3A_79, %scan3A_97 : i32
      %mul3A_99 = arith.constant 16 : i32
      %mul3A_100 = arith.muli %scan3A_98, %mul3A_99 : i32
      %add3A_101 = vector.broadcast %mul3A_100 : i32 to vector<16xi32>
      %add3A_102 = arith.addi %add3A_101, %iota3A : vector<16xi32>
      %and3A_103 = arith.constant 127 : i32
      %and3A_104 = vector.broadcast %and3A_103 : i32 to vector<16xi32>
      %and3A_105 = arith.andi %add3A_102, %and3A_104 : vector<16xi32>
      %shift_right_arithmetic3A_106 = arith.constant 7 : i32
      %shift_right_arithmetic3A_107 = vector.broadcast %shift_right_arithmetic3A_106 : i32 to vector<16xi32>
      %shift_right_arithmetic3A_108 = arith.shrsi %add3A_102, %shift_right_arithmetic3A_107 : vector<16xi32>
      %mul3A_109 = arith.constant 50 : i32
      %mul3A_110 = vector.broadcast %mul3A_109 : i32 to vector<16xi32>
      %mul3A_111 = arith.muli %and3A_105, %mul3A_110 : vector<16xi32>
      %add3A_112 = arith.addi %mul3A_111, %shift_right_arithmetic3A_108 : vector<16xi32>
      %gather3A_113 = tpu.vector_load_idx %arg19[%add3A_112] : memref<6400xi32, #tpu.memory_space<vmem>>[vector<16xi32>], vector<16xi32>,
      %mul3A_114 = arith.constant 16 : i32
      %mul3A_115 = arith.muli %scan3A_98, %mul3A_114 : i32
      %swap3A_116 = arith.index_cast %mul3A_115 : i32 to index
      %swap3A_117 = tpu.vector_load %arg20[%swap3A_116] {strides = array<i32>} : memref<6400xi32, #tpu.memory_space<vmem>>, vector<16xi32>,
      tpu.vector_store %arg20[%swap3A_116], %gather3A_113 {strides = array<i32>} : memref<6400xi32, #tpu.memory_space<vmem>>, vector<16xi32>,
      %scan3A_118 = arith.constant 0 : i32
      %scan3A_119 = arith.constant 2 : i32
      %scan3A_120 = arith.addi %scan3A_79, %scan3A_119 : i32
      %mul3A_121 = arith.constant 16 : i32
      %mul3A_122 = arith.muli %scan3A_120, %mul3A_121 : i32
      %add3A_123 = vector.broadcast %mul3A_122 : i32 to vector<16xi32>
      %add3A_124 = arith.addi %add3A_123, %iota3A : vector<16xi32>
      %and3A_125 = arith.constant 127 : i32
      %and3A_126 = vector.broadcast %and3A_125 : i32 to vector<16xi32>
      %and3A_127 = arith.andi %add3A_124, %and3A_126 : vector<16xi32>
      %shift_right_arithmetic3A_128 = arith.constant 7 : i32
      %shift_right_arithmetic3A_129 = vector.broadcast %shift_right_arithmetic3A_128 : i32 to vector<16xi32>
      %shift_right_arithmetic3A_130 = arith.shrsi %add3A_124, %shift_right_arithmetic3A_129 : vector<16xi32>
      %mul3A_131 = arith.constant 50 : i32
      %mul3A_132 = vector.broadcast %mul3A_131 : i32 to vector<16xi32>
      %mul3A_133 = arith.muli %and3A_127, %mul3A_132 : vector<16xi32>
      %add3A_134 = arith.addi %mul3A_133, %shift_right_arithmetic3A_130 : vector<16xi32>
      %gather3A_135 = tpu.vector_load_idx %arg19[%add3A_134] : memref<6400xi32, #tpu.memory_space<vmem>>[vector<16xi32>], vector<16xi32>,
      %mul3A_136 = arith.constant 16 : i32
      %mul3A_137 = arith.muli %scan3A_120, %mul3A_136 : i32
      %swap3A_138 = arith.index_cast %mul3A_137 : i32 to index
      %swap3A_139 = tpu.vector_load %arg20[%swap3A_138] {strides = array<i32>} : memref<6400xi32, #tpu.memory_space<vmem>>, vector<16xi32>,
      tpu.vector_store %arg20[%swap3A_138], %gather3A_135 {strides = array<i32>} : memref<6400xi32, #tpu.memory_space<vmem>>, vector<16xi32>,
      %scan3A_140 = arith.constant 0 : i32
      %scan3A_141 = arith.constant 3 : i32
      %scan3A_142 = arith.addi %scan3A_79, %scan3A_141 : i32
      %mul3A_143 = arith.constant 16 : i32
      %mul3A_144 = arith.muli %scan3A_142, %mul3A_143 : i32
      %add3A_145 = vector.broadcast %mul3A_144 : i32 to vector<16xi32>
      %add3A_146 = arith.addi %add3A_145, %iota3A : vector<16xi32>
      %and3A_147 = arith.constant 127 : i32
      %and3A_148 = vector.broadcast %and3A_147 : i32 to vector<16xi32>
      %and3A_149 = arith.andi %add3A_146, %and3A_148 : vector<16xi32>
      %shift_right_arithmetic3A_150 = arith.constant 7 : i32
      %shift_right_arithmetic3A_151 = vector.broadcast %shift_right_arithmetic3A_150 : i32 to vector<16xi32>
      %shift_right_arithmetic3A_152 = arith.shrsi %add3A_146, %shift_right_arithmetic3A_151 : vector<16xi32>
      %mul3A_153 = arith.constant 50 : i32
      %mul3A_154 = vector.broadcast %mul3A_153 : i32 to vector<16xi32>
      %mul3A_155 = arith.muli %and3A_149, %mul3A_154 : vector<16xi32>
      %add3A_156 = arith.addi %mul3A_155, %shift_right_arithmetic3A_152 : vector<16xi32>
      %gather3A_157 = tpu.vector_load_idx %arg19[%add3A_156] : memref<6400xi32, #tpu.memory_space<vmem>>[vector<16xi32>], vector<16xi32>,
      %mul3A_158 = arith.constant 16 : i32
      %mul3A_159 = arith.muli %scan3A_142, %mul3A_158 : i32
      %swap3A_160 = arith.index_cast %mul3A_159 : i32 to index
      %swap3A_161 = tpu.vector_load %arg20[%swap3A_160] {strides = array<i32>} : memref<6400xi32, #tpu.memory_space<vmem>>, vector<16xi32>,
      tpu.vector_store %arg20[%swap3A_160], %gather3A_157 {strides = array<i32>} : memref<6400xi32, #tpu.memory_space<vmem>>, vector<16xi32>,
      %scan3A_162 = arith.constant 0 : i32
      %scan3A_163 = arith.constant 4 : i32
      %scan3A_164 = arith.addi %scan3A_79, %scan3A_163 : i32
      %mul3A_165 = arith.constant 16 : i32
      %mul3A_166 = arith.muli %scan3A_164, %mul3A_165 : i32
      %add3A_167 = vector.broadcast %mul3A_166 : i32 to vector<16xi32>
      %add3A_168 = arith.addi %add3A_167, %iota3A : vector<16xi32>
      %and3A_169 = arith.constant 127 : i32
      %and3A_170 = vector.broadcast %and3A_169 : i32 to vector<16xi32>
      %and3A_171 = arith.andi %add3A_168, %and3A_170 : vector<16xi32>
      %shift_right_arithmetic3A_172 = arith.constant 7 : i32
      %shift_right_arithmetic3A_173 = vector.broadcast %shift_right_arithmetic3A_172 : i32 to vector<16xi32>
      %shift_right_arithmetic3A_174 = arith.shrsi %add3A_168, %shift_right_arithmetic3A_173 : vector<16xi32>
      %mul3A_175 = arith.constant 50 : i32
      %mul3A_176 = vector.broadcast %mul3A_175 : i32 to vector<16xi32>
      %mul3A_177 = arith.muli %and3A_171, %mul3A_176 : vector<16xi32>
      %add3A_178 = arith.addi %mul3A_177, %shift_right_arithmetic3A_174 : vector<16xi32>
      %gather3A_179 = tpu.vector_load_idx %arg19[%add3A_178] : memref<6400xi32, #tpu.memory_space<vmem>>[vector<16xi32>], vector<16xi32>,
      %mul3A_180 = arith.constant 16 : i32
      %mul3A_181 = arith.muli %scan3A_164, %mul3A_180 : i32
      %swap3A_182 = arith.index_cast %mul3A_181 : i32 to index
      %swap3A_183 = tpu.vector_load %arg20[%swap3A_182] {strides = array<i32>} : memref<6400xi32, #tpu.memory_space<vmem>>, vector<16xi32>,
      tpu.vector_store %arg20[%swap3A_182], %gather3A_179 {strides = array<i32>} : memref<6400xi32, #tpu.memory_space<vmem>>, vector<16xi32>,
      %scan3A_184 = arith.constant 0 : i32
      %scan3A_185 = arith.constant 5 : i32
      %scan3A_186 = arith.addi %scan3A_79, %scan3A_185 : i32
      %mul3A_187 = arith.constant 16 : i32
      %mul3A_188 = arith.muli %scan3A_186, %mul3A_187 : i32
      %add3A_189 = vector.broadcast %mul3A_188 : i32 to vector<16xi32>
      %add3A_190 = arith.addi %add3A_189, %iota3A : vector<16xi32>
      %and3A_191 = arith.constant 127 : i32
      %and3A_192 = vector.broadcast %and3A_191 : i32 to vector<16xi32>
      %and3A_193 = arith.andi %add3A_190, %and3A_192 : vector<16xi32>
      %shift_right_arithmetic3A_194 = arith.constant 7 : i32
      %shift_right_arithmetic3A_195 = vector.broadcast %shift_right_arithmetic3A_194 : i32 to vector<16xi32>
      %shift_right_arithmetic3A_196 = arith.shrsi %add3A_190, %shift_right_arithmetic3A_195 : vector<16xi32>
      %mul3A_197 = arith.constant 50 : i32
      %mul3A_198 = vector.broadcast %mul3A_197 : i32 to vector<16xi32>
      %mul3A_199 = arith.muli %and3A_193, %mul3A_198 : vector<16xi32>
      %add3A_200 = arith.addi %mul3A_199, %shift_right_arithmetic3A_196 : vector<16xi32>
      %gather3A_201 = tpu.vector_load_idx %arg19[%add3A_200] : memref<6400xi32, #tpu.memory_space<vmem>>[vector<16xi32>], vector<16xi32>,
      %mul3A_202 = arith.constant 16 : i32
      %mul3A_203 = arith.muli %scan3A_186, %mul3A_202 : i32
      %swap3A_204 = arith.index_cast %mul3A_203 : i32 to index
      %swap3A_205 = tpu.vector_load %arg20[%swap3A_204] {strides = array<i32>} : memref<6400xi32, #tpu.memory_space<vmem>>, vector<16xi32>,
      tpu.vector_store %arg20[%swap3A_204], %gather3A_201 {strides = array<i32>} : memref<6400xi32, #tpu.memory_space<vmem>>, vector<16xi32>,
      %scan3A_206 = arith.constant 0 : i32
      %scan3A_207 = arith.constant 6 : i32
      %scan3A_208 = arith.addi %scan3A_79, %scan3A_207 : i32
      %mul3A_209 = arith.constant 16 : i32
      %mul3A_210 = arith.muli %scan3A_208, %mul3A_209 : i32
      %add3A_211 = vector.broadcast %mul3A_210 : i32 to vector<16xi32>
      %add3A_212 = arith.addi %add3A_211, %iota3A : vector<16xi32>
      %and3A_213 = arith.constant 127 : i32
      %and3A_214 = vector.broadcast %and3A_213 : i32 to vector<16xi32>
      %and3A_215 = arith.andi %add3A_212, %and3A_214 : vector<16xi32>
      %shift_right_arithmetic3A_216 = arith.constant 7 : i32
      %shift_right_arithmetic3A_217 = vector.broadcast %shift_right_arithmetic3A_216 : i32 to vector<16xi32>
      %shift_right_arithmetic3A_218 = arith.shrsi %add3A_212, %shift_right_arithmetic3A_217 : vector<16xi32>
      %mul3A_219 = arith.constant 50 : i32
      %mul3A_220 = vector.broadcast %mul3A_219 : i32 to vector<16xi32>
      %mul3A_221 = arith.muli %and3A_215, %mul3A_220 : vector<16xi32>
      %add3A_222 = arith.addi %mul3A_221, %shift_right_arithmetic3A_218 : vector<16xi32>
      %gather3A_223 = tpu.vector_load_idx %arg19[%add3A_222] : memref<6400xi32, #tpu.memory_space<vmem>>[vector<16xi32>], vector<16xi32>,
      %mul3A_224 = arith.constant 16 : i32
      %mul3A_225 = arith.muli %scan3A_208, %mul3A_224 : i32
      %swap3A_226 = arith.index_cast %mul3A_225 : i32 to index
      %swap3A_227 = tpu.vector_load %arg20[%swap3A_226] {strides = array<i32>} : memref<6400xi32, #tpu.memory_space<vmem>>, vector<16xi32>,
      tpu.vector_store %arg20[%swap3A_226], %gather3A_223 {strides = array<i32>} : memref<6400xi32, #tpu.memory_space<vmem>>, vector<16xi32>,
      %scan3A_228 = arith.constant 0 : i32
      %scan3A_229 = arith.constant 7 : i32
      %scan3A_230 = arith.addi %scan3A_79, %scan3A_229 : i32
      %mul3A_231 = arith.constant 16 : i32
      %mul3A_232 = arith.muli %scan3A_230, %mul3A_231 : i32
      %add3A_233 = vector.broadcast %mul3A_232 : i32 to vector<16xi32>
      %add3A_234 = arith.addi %add3A_233, %iota3A : vector<16xi32>
      %and3A_235 = arith.constant 127 : i32
      %and3A_236 = vector.broadcast %and3A_235 : i32 to vector<16xi32>
      %and3A_237 = arith.andi %add3A_234, %and3A_236 : vector<16xi32>
      %shift_right_arithmetic3A_238 = arith.constant 7 : i32
      %shift_right_arithmetic3A_239 = vector.broadcast %shift_right_arithmetic3A_238 : i32 to vector<16xi32>
      %shift_right_arithmetic3A_240 = arith.shrsi %add3A_234, %shift_right_arithmetic3A_239 : vector<16xi32>
      %mul3A_241 = arith.constant 50 : i32
      %mul3A_242 = vector.broadcast %mul3A_241 : i32 to vector<16xi32>
      %mul3A_243 = arith.muli %and3A_237, %mul3A_242 : vector<16xi32>
      %add3A_244 = arith.addi %mul3A_243, %shift_right_arithmetic3A_240 : vector<16xi32>
      %gather3A_245 = tpu.vector_load_idx %arg19[%add3A_244] : memref<6400xi32, #tpu.memory_space<vmem>>[vector<16xi32>], vector<16xi32>,
      %mul3A_246 = arith.constant 16 : i32
      %mul3A_247 = arith.muli %scan3A_230, %mul3A_246 : i32
      %swap3A_248 = arith.index_cast %mul3A_247 : i32 to index
      %swap3A_249 = tpu.vector_load %arg20[%swap3A_248] {strides = array<i32>} : memref<6400xi32, #tpu.memory_space<vmem>>, vector<16xi32>,
      tpu.vector_store %arg20[%swap3A_248], %gather3A_245 {strides = array<i32>} : memref<6400xi32, #tpu.memory_space<vmem>>, vector<16xi32>,
      %scan3A_250 = arith.constant 0 : i32
      scf.yield %scan3A_250 : i32
    }
    %scan3A_19 = arith.constant 400 : i32
    %dma_start3A_20 = arith.constant 0 : i32
    %dma_start3A_21 = arith.constant 0 : i32
    %dma_start3A_22 = tpu.memref_slice %arg3[%dma_start3A_20, %dma_start3A_21] : memref<100000x16xf32, #tpu.memory_space<hbm>> -> memref<100000x16xf32, #tpu.memory_space<hbm>>
    tpu.enqueue_indirect_dma source(%dma_start3A_22 : memref<100000x16xf32, #tpu.memory_space<hbm>>) target(%arg21 : memref<6400x16xf32, #tpu.memory_space<vmem>>) offsets(%arg20 : memref<6400xi32, #tpu.memory_space<vmem>>) semaphore(%arg24 : memref<!tpu.dma_semaphore, #tpu.memory_space<semaphore_mem>>)
    %dma_wait3A_23 = arith.constant 0 : i32
    %dma_wait3A_24 = arith.constant 0 : i32
    %dma_wait3A_25 = tpu.memref_slice %arg3[%dma_wait3A_23, %dma_wait3A_24] : memref<100000x16xf32, #tpu.memory_space<hbm>> -> memref<100000x16xf32, #tpu.memory_space<hbm>>
    tpu.wait_indirect_dma semaphore(%arg24 : memref<!tpu.dma_semaphore, #tpu.memory_space<semaphore_mem>>) src(%dma_wait3A_25 : memref<100000x16xf32, #tpu.memory_space<hbm>>) dst(%arg21 : memref<6400x16xf32, #tpu.memory_space<vmem>>)
    "tpu.region"() ({
      %run_scoped3A = tpu.sem_alloc : memref<!tpu.dma_semaphore, #tpu.memory_space<semaphore_mem>>
      %dma_start3A_79 = arith.constant 0 : i32
      %dma_start3A_80 = tpu.memref_slice %arg13[%mul3A_2, %dma_start3A_79] : memref<204800x16xf32, #tpu.memory_space<hbm>> -> memref<6400x16xf32, #tpu.memory_space<hbm>>
      %dma_start3A_81 = arith.constant 0 : i32
      %dma_start3A_82 = tpu.memref_slice %arg13[%mul3A_2, %dma_start3A_81] : memref<204800x16xf32, #tpu.memory_space<hbm>> -> memref<6400x16xf32, #tpu.memory_space<hbm>>
      tpu.enqueue_dma source(%arg21 : memref<6400x16xf32, #tpu.memory_space<vmem>>) target(%dma_start3A_82 : memref<6400x16xf32, #tpu.memory_space<hbm>>) target_semaphore(%run_scoped3A : memref<!tpu.dma_semaphore, #tpu.memory_space<semaphore_mem>>)
      %dma_wait3A_83 = arith.constant 0 : i32
      %dma_wait3A_84 = tpu.memref_slice %arg13[%mul3A_2, %dma_wait3A_83] : memref<204800x16xf32, #tpu.memory_space<hbm>> -> memref<6400x16xf32, #tpu.memory_space<hbm>>
      %dma_wait3A_85 = arith.constant 0 : i32
      %dma_wait3A_86 = tpu.memref_slice %arg13[%mul3A_2, %dma_wait3A_85] : memref<204800x16xf32, #tpu.memory_space<hbm>> -> memref<6400x16xf32, #tpu.memory_space<hbm>>
      tpu.wait_dma2 semaphore(%run_scoped3A : memref<!tpu.dma_semaphore, #tpu.memory_space<semaphore_mem>>) src(%arg21 : memref<6400x16xf32, #tpu.memory_space<vmem>>) dst(%dma_wait3A_86 : memref<6400x16xf32, #tpu.memory_space<hbm>>)
      tpu.yield
    }) : () -> ()
    "tpu.region"() ({
      %run_scoped3A = tpu.sem_alloc : memref<!tpu.dma_semaphore, #tpu.memory_space<semaphore_mem>>
      %dma_start3A_79 = tpu.memref_slice %arg7[%mul3A_2] : memref<204800xi32, #tpu.memory_space<hbm>> -> memref<6400xi32, #tpu.memory_space<hbm>>
      %dma_start3A_80 = tpu.memref_slice %arg7[%mul3A_2] : memref<204800xi32, #tpu.memory_space<hbm>> -> memref<6400xi32, #tpu.memory_space<hbm>>
      tpu.enqueue_dma source(%dma_start3A_80 : memref<6400xi32, #tpu.memory_space<hbm>>) target(%arg19 : memref<6400xi32, #tpu.memory_space<vmem>>) target_semaphore(%run_scoped3A : memref<!tpu.dma_semaphore, #tpu.memory_space<semaphore_mem>>)
      %dma_wait3A_81 = tpu.memref_slice %arg7[%mul3A_2] : memref<204800xi32, #tpu.memory_space<hbm>> -> memref<6400xi32, #tpu.memory_space<hbm>>
      %dma_wait3A_82 = tpu.memref_slice %arg7[%mul3A_2] : memref<204800xi32, #tpu.memory_space<hbm>> -> memref<6400xi32, #tpu.memory_space<hbm>>
      tpu.wait_dma2 semaphore(%run_scoped3A : memref<!tpu.dma_semaphore, #tpu.memory_space<semaphore_mem>>) src(%dma_wait3A_82 : memref<6400xi32, #tpu.memory_space<hbm>>) dst(%arg19 : memref<6400xi32, #tpu.memory_space<vmem>>)
      tpu.yield
    }) : () -> ()
    %scan3A_26 = arith.constant 0 : i32
    %scan3A_27 = arith.constant 0 : i32
    %scan3A_28 = arith.constant 400 : i32
    %scan3A_29 = arith.addi %scan3A_27, %scan3A_28 : i32
    %scan3A_30 = arith.constant 8 : i32
    %scan3A_31 = scf.for %scan3A_79 = %scan3A_27 to %scan3A_29 step %scan3A_30 iter_args(%scan3A_80 = %scan3A_26) -> (i32)  : i32 {
      %mul3A_81 = arith.constant 16 : i32
      %mul3A_82 = arith.muli %scan3A_79, %mul3A_81 : i32
      %add3A_83 = vector.broadcast %mul3A_82 : i32 to vector<16xi32>
      %add3A_84 = arith.addi %add3A_83, %iota3A : vector<16xi32>
      %and3A = arith.constant 127 : i32
      %and3A_85 = vector.broadcast %and3A : i32 to vector<16xi32>
      %and3A_86 = arith.andi %add3A_84, %and3A_85 : vector<16xi32>
      %shift_right_arithmetic3A = arith.constant 7 : i32
      %shift_right_arithmetic3A_87 = vector.broadcast %shift_right_arithmetic3A : i32 to vector<16xi32>
      %shift_right_arithmetic3A_88 = arith.shrsi %add3A_84, %shift_right_arithmetic3A_87 : vector<16xi32>
      %mul3A_89 = arith.constant 50 : i32
      %mul3A_90 = vector.broadcast %mul3A_89 : i32 to vector<16xi32>
      %mul3A_91 = arith.muli %and3A_86, %mul3A_90 : vector<16xi32>
      %add3A_92 = arith.addi %mul3A_91, %shift_right_arithmetic3A_88 : vector<16xi32>
      %gather3A = tpu.vector_load_idx %arg19[%add3A_92] : memref<6400xi32, #tpu.memory_space<vmem>>[vector<16xi32>], vector<16xi32>,
      %mul3A_93 = arith.constant 16 : i32
      %mul3A_94 = arith.muli %scan3A_79, %mul3A_93 : i32
      %swap3A = arith.index_cast %mul3A_94 : i32 to index
      %swap3A_95 = tpu.vector_load %arg20[%swap3A] {strides = array<i32>} : memref<6400xi32, #tpu.memory_space<vmem>>, vector<16xi32>,
      tpu.vector_store %arg20[%swap3A], %gather3A {strides = array<i32>} : memref<6400xi32, #tpu.memory_space<vmem>>, vector<16xi32>,
      %scan3A_96 = arith.constant 0 : i32
      %scan3A_97 = arith.constant 1 : i32
      %scan3A_98 = arith.addi %scan3A_79, %scan3A_97 : i32
      %mul3A_99 = arith.constant 16 : i32
      %mul3A_100 = arith.muli %scan3A_98, %mul3A_99 : i32
      %add3A_101 = vector.broadcast %mul3A_100 : i32 to vector<16xi32>
      %add3A_102 = arith.addi %add3A_101, %iota3A : vector<16xi32>
      %and3A_103 = arith.constant 127 : i32
      %and3A_104 = vector.broadcast %and3A_103 : i32 to vector<16xi32>
      %and3A_105 = arith.andi %add3A_102, %and3A_104 : vector<16xi32>
      %shift_right_arithmetic3A_106 = arith.constant 7 : i32
      %shift_right_arithmetic3A_107 = vector.broadcast %shift_right_arithmetic3A_106 : i32 to vector<16xi32>
      %shift_right_arithmetic3A_108 = arith.shrsi %add3A_102, %shift_right_arithmetic3A_107 : vector<16xi32>
      %mul3A_109 = arith.constant 50 : i32
      %mul3A_110 = vector.broadcast %mul3A_109 : i32 to vector<16xi32>
      %mul3A_111 = arith.muli %and3A_105, %mul3A_110 : vector<16xi32>
      %add3A_112 = arith.addi %mul3A_111, %shift_right_arithmetic3A_108 : vector<16xi32>
      %gather3A_113 = tpu.vector_load_idx %arg19[%add3A_112] : memref<6400xi32, #tpu.memory_space<vmem>>[vector<16xi32>], vector<16xi32>,
      %mul3A_114 = arith.constant 16 : i32
      %mul3A_115 = arith.muli %scan3A_98, %mul3A_114 : i32
      %swap3A_116 = arith.index_cast %mul3A_115 : i32 to index
      %swap3A_117 = tpu.vector_load %arg20[%swap3A_116] {strides = array<i32>} : memref<6400xi32, #tpu.memory_space<vmem>>, vector<16xi32>,
      tpu.vector_store %arg20[%swap3A_116], %gather3A_113 {strides = array<i32>} : memref<6400xi32, #tpu.memory_space<vmem>>, vector<16xi32>,
      %scan3A_118 = arith.constant 0 : i32
      %scan3A_119 = arith.constant 2 : i32
      %scan3A_120 = arith.addi %scan3A_79, %scan3A_119 : i32
      %mul3A_121 = arith.constant 16 : i32
      %mul3A_122 = arith.muli %scan3A_120, %mul3A_121 : i32
      %add3A_123 = vector.broadcast %mul3A_122 : i32 to vector<16xi32>
      %add3A_124 = arith.addi %add3A_123, %iota3A : vector<16xi32>
      %and3A_125 = arith.constant 127 : i32
      %and3A_126 = vector.broadcast %and3A_125 : i32 to vector<16xi32>
      %and3A_127 = arith.andi %add3A_124, %and3A_126 : vector<16xi32>
      %shift_right_arithmetic3A_128 = arith.constant 7 : i32
      %shift_right_arithmetic3A_129 = vector.broadcast %shift_right_arithmetic3A_128 : i32 to vector<16xi32>
      %shift_right_arithmetic3A_130 = arith.shrsi %add3A_124, %shift_right_arithmetic3A_129 : vector<16xi32>
      %mul3A_131 = arith.constant 50 : i32
      %mul3A_132 = vector.broadcast %mul3A_131 : i32 to vector<16xi32>
      %mul3A_133 = arith.muli %and3A_127, %mul3A_132 : vector<16xi32>
      %add3A_134 = arith.addi %mul3A_133, %shift_right_arithmetic3A_130 : vector<16xi32>
      %gather3A_135 = tpu.vector_load_idx %arg19[%add3A_134] : memref<6400xi32, #tpu.memory_space<vmem>>[vector<16xi32>], vector<16xi32>,
      %mul3A_136 = arith.constant 16 : i32
      %mul3A_137 = arith.muli %scan3A_120, %mul3A_136 : i32
      %swap3A_138 = arith.index_cast %mul3A_137 : i32 to index
      %swap3A_139 = tpu.vector_load %arg20[%swap3A_138] {strides = array<i32>} : memref<6400xi32, #tpu.memory_space<vmem>>, vector<16xi32>,
      tpu.vector_store %arg20[%swap3A_138], %gather3A_135 {strides = array<i32>} : memref<6400xi32, #tpu.memory_space<vmem>>, vector<16xi32>,
      %scan3A_140 = arith.constant 0 : i32
      %scan3A_141 = arith.constant 3 : i32
      %scan3A_142 = arith.addi %scan3A_79, %scan3A_141 : i32
      %mul3A_143 = arith.constant 16 : i32
      %mul3A_144 = arith.muli %scan3A_142, %mul3A_143 : i32
      %add3A_145 = vector.broadcast %mul3A_144 : i32 to vector<16xi32>
      %add3A_146 = arith.addi %add3A_145, %iota3A : vector<16xi32>
      %and3A_147 = arith.constant 127 : i32
      %and3A_148 = vector.broadcast %and3A_147 : i32 to vector<16xi32>
      %and3A_149 = arith.andi %add3A_146, %and3A_148 : vector<16xi32>
      %shift_right_arithmetic3A_150 = arith.constant 7 : i32
      %shift_right_arithmetic3A_151 = vector.broadcast %shift_right_arithmetic3A_150 : i32 to vector<16xi32>
      %shift_right_arithmetic3A_152 = arith.shrsi %add3A_146, %shift_right_arithmetic3A_151 : vector<16xi32>
      %mul3A_153 = arith.constant 50 : i32
      %mul3A_154 = vector.broadcast %mul3A_153 : i32 to vector<16xi32>
      %mul3A_155 = arith.muli %and3A_149, %mul3A_154 : vector<16xi32>
      %add3A_156 = arith.addi %mul3A_155, %shift_right_arithmetic3A_152 : vector<16xi32>
      %gather3A_157 = tpu.vector_load_idx %arg19[%add3A_156] : memref<6400xi32, #tpu.memory_space<vmem>>[vector<16xi32>], vector<16xi32>,
      %mul3A_158 = arith.constant 16 : i32
      %mul3A_159 = arith.muli %scan3A_142, %mul3A_158 : i32
      %swap3A_160 = arith.index_cast %mul3A_159 : i32 to index
      %swap3A_161 = tpu.vector_load %arg20[%swap3A_160] {strides = array<i32>} : memref<6400xi32, #tpu.memory_space<vmem>>, vector<16xi32>,
      tpu.vector_store %arg20[%swap3A_160], %gather3A_157 {strides = array<i32>} : memref<6400xi32, #tpu.memory_space<vmem>>, vector<16xi32>,
      %scan3A_162 = arith.constant 0 : i32
      %scan3A_163 = arith.constant 4 : i32
      %scan3A_164 = arith.addi %scan3A_79, %scan3A_163 : i32
      %mul3A_165 = arith.constant 16 : i32
      %mul3A_166 = arith.muli %scan3A_164, %mul3A_165 : i32
      %add3A_167 = vector.broadcast %mul3A_166 : i32 to vector<16xi32>
      %add3A_168 = arith.addi %add3A_167, %iota3A : vector<16xi32>
      %and3A_169 = arith.constant 127 : i32
      %and3A_170 = vector.broadcast %and3A_169 : i32 to vector<16xi32>
      %and3A_171 = arith.andi %add3A_168, %and3A_170 : vector<16xi32>
      %shift_right_arithmetic3A_172 = arith.constant 7 : i32
      %shift_right_arithmetic3A_173 = vector.broadcast %shift_right_arithmetic3A_172 : i32 to vector<16xi32>
      %shift_right_arithmetic3A_174 = arith.shrsi %add3A_168, %shift_right_arithmetic3A_173 : vector<16xi32>
      %mul3A_175 = arith.constant 50 : i32
      %mul3A_176 = vector.broadcast %mul3A_175 : i32 to vector<16xi32>
      %mul3A_177 = arith.muli %and3A_171, %mul3A_176 : vector<16xi32>
      %add3A_178 = arith.addi %mul3A_177, %shift_right_arithmetic3A_174 : vector<16xi32>
      %gather3A_179 = tpu.vector_load_idx %arg19[%add3A_178] : memref<6400xi32, #tpu.memory_space<vmem>>[vector<16xi32>], vector<16xi32>,
      %mul3A_180 = arith.constant 16 : i32
      %mul3A_181 = arith.muli %scan3A_164, %mul3A_180 : i32
      %swap3A_182 = arith.index_cast %mul3A_181 : i32 to index
      %swap3A_183 = tpu.vector_load %arg20[%swap3A_182] {strides = array<i32>} : memref<6400xi32, #tpu.memory_space<vmem>>, vector<16xi32>,
      tpu.vector_store %arg20[%swap3A_182], %gather3A_179 {strides = array<i32>} : memref<6400xi32, #tpu.memory_space<vmem>>, vector<16xi32>,
      %scan3A_184 = arith.constant 0 : i32
      %scan3A_185 = arith.constant 5 : i32
      %scan3A_186 = arith.addi %scan3A_79, %scan3A_185 : i32
      %mul3A_187 = arith.constant 16 : i32
      %mul3A_188 = arith.muli %scan3A_186, %mul3A_187 : i32
      %add3A_189 = vector.broadcast %mul3A_188 : i32 to vector<16xi32>
      %add3A_190 = arith.addi %add3A_189, %iota3A : vector<16xi32>
      %and3A_191 = arith.constant 127 : i32
      %and3A_192 = vector.broadcast %and3A_191 : i32 to vector<16xi32>
      %and3A_193 = arith.andi %add3A_190, %and3A_192 : vector<16xi32>
      %shift_right_arithmetic3A_194 = arith.constant 7 : i32
      %shift_right_arithmetic3A_195 = vector.broadcast %shift_right_arithmetic3A_194 : i32 to vector<16xi32>
      %shift_right_arithmetic3A_196 = arith.shrsi %add3A_190, %shift_right_arithmetic3A_195 : vector<16xi32>
      %mul3A_197 = arith.constant 50 : i32
      %mul3A_198 = vector.broadcast %mul3A_197 : i32 to vector<16xi32>
      %mul3A_199 = arith.muli %and3A_193, %mul3A_198 : vector<16xi32>
      %add3A_200 = arith.addi %mul3A_199, %shift_right_arithmetic3A_196 : vector<16xi32>
      %gather3A_201 = tpu.vector_load_idx %arg19[%add3A_200] : memref<6400xi32, #tpu.memory_space<vmem>>[vector<16xi32>], vector<16xi32>,
      %mul3A_202 = arith.constant 16 : i32
      %mul3A_203 = arith.muli %scan3A_186, %mul3A_202 : i32
      %swap3A_204 = arith.index_cast %mul3A_203 : i32 to index
      %swap3A_205 = tpu.vector_load %arg20[%swap3A_204] {strides = array<i32>} : memref<6400xi32, #tpu.memory_space<vmem>>, vector<16xi32>,
      tpu.vector_store %arg20[%swap3A_204], %gather3A_201 {strides = array<i32>} : memref<6400xi32, #tpu.memory_space<vmem>>, vector<16xi32>,
      %scan3A_206 = arith.constant 0 : i32
      %scan3A_207 = arith.constant 6 : i32
      %scan3A_208 = arith.addi %scan3A_79, %scan3A_207 : i32
      %mul3A_209 = arith.constant 16 : i32
      %mul3A_210 = arith.muli %scan3A_208, %mul3A_209 : i32
      %add3A_211 = vector.broadcast %mul3A_210 : i32 to vector<16xi32>
      %add3A_212 = arith.addi %add3A_211, %iota3A : vector<16xi32>
      %and3A_213 = arith.constant 127 : i32
      %and3A_214 = vector.broadcast %and3A_213 : i32 to vector<16xi32>
      %and3A_215 = arith.andi %add3A_212, %and3A_214 : vector<16xi32>
      %shift_right_arithmetic3A_216 = arith.constant 7 : i32
      %shift_right_arithmetic3A_217 = vector.broadcast %shift_right_arithmetic3A_216 : i32 to vector<16xi32>
      %shift_right_arithmetic3A_218 = arith.shrsi %add3A_212, %shift_right_arithmetic3A_217 : vector<16xi32>
      %mul3A_219 = arith.constant 50 : i32
      %mul3A_220 = vector.broadcast %mul3A_219 : i32 to vector<16xi32>
      %mul3A_221 = arith.muli %and3A_215, %mul3A_220 : vector<16xi32>
      %add3A_222 = arith.addi %mul3A_221, %shift_right_arithmetic3A_218 : vector<16xi32>
      %gather3A_223 = tpu.vector_load_idx %arg19[%add3A_222] : memref<6400xi32, #tpu.memory_space<vmem>>[vector<16xi32>], vector<16xi32>,
      %mul3A_224 = arith.constant 16 : i32
      %mul3A_225 = arith.muli %scan3A_208, %mul3A_224 : i32
      %swap3A_226 = arith.index_cast %mul3A_225 : i32 to index
      %swap3A_227 = tpu.vector_load %arg20[%swap3A_226] {strides = array<i32>} : memref<6400xi32, #tpu.memory_space<vmem>>, vector<16xi32>,
      tpu.vector_store %arg20[%swap3A_226], %gather3A_223 {strides = array<i32>} : memref<6400xi32, #tpu.memory_space<vmem>>, vector<16xi32>,
      %scan3A_228 = arith.constant 0 : i32
      %scan3A_229 = arith.constant 7 : i32
      %scan3A_230 = arith.addi %scan3A_79, %scan3A_229 : i32
      %mul3A_231 = arith.constant 16 : i32
      %mul3A_232 = arith.muli %scan3A_230, %mul3A_231 : i32
      %add3A_233 = vector.broadcast %mul3A_232 : i32 to vector<16xi32>
      %add3A_234 = arith.addi %add3A_233, %iota3A : vector<16xi32>
      %and3A_235 = arith.constant 127 : i32
      %and3A_236 = vector.broadcast %and3A_235 : i32 to vector<16xi32>
      %and3A_237 = arith.andi %add3A_234, %and3A_236 : vector<16xi32>
      %shift_right_arithmetic3A_238 = arith.constant 7 : i32
      %shift_right_arithmetic3A_239 = vector.broadcast %shift_right_arithmetic3A_238 : i32 to vector<16xi32>
      %shift_right_arithmetic3A_240 = arith.shrsi %add3A_234, %shift_right_arithmetic3A_239 : vector<16xi32>
      %mul3A_241 = arith.constant 50 : i32
      %mul3A_242 = vector.broadcast %mul3A_241 : i32 to vector<16xi32>
      %mul3A_243 = arith.muli %and3A_237, %mul3A_242 : vector<16xi32>
      %add3A_244 = arith.addi %mul3A_243, %shift_right_arithmetic3A_240 : vector<16xi32>
      %gather3A_245 = tpu.vector_load_idx %arg19[%add3A_244] : memref<6400xi32, #tpu.memory_space<vmem>>[vector<16xi32>], vector<16xi32>,
      %mul3A_246 = arith.constant 16 : i32
      %mul3A_247 = arith.muli %scan3A_230, %mul3A_246 : i32
      %swap3A_248 = arith.index_cast %mul3A_247 : i32 to index
      %swap3A_249 = tpu.vector_load %arg20[%swap3A_248] {strides = array<i32>} : memref<6400xi32, #tpu.memory_space<vmem>>, vector<16xi32>,
      tpu.vector_store %arg20[%swap3A_248], %gather3A_245 {strides = array<i32>} : memref<6400xi32, #tpu.memory_space<vmem>>, vector<16xi32>,
      %scan3A_250 = arith.constant 0 : i32
      scf.yield %scan3A_250 : i32
    }
    %scan3A_32 = arith.constant 400 : i32
    %dma_start3A_33 = arith.constant 0 : i32
    %dma_start3A_34 = arith.constant 0 : i32
    %dma_start3A_35 = tpu.memref_slice %arg2[%dma_start3A_33, %dma_start3A_34] : memref<100000x16xf32, #tpu.memory_space<hbm>> -> memref<100000x16xf32, #tpu.memory_space<hbm>>
    tpu.enqueue_indirect_dma source(%dma_start3A_35 : memref<100000x16xf32, #tpu.memory_space<hbm>>) target(%arg21 : memref<6400x16xf32, #tpu.memory_space<vmem>>) offsets(%arg20 : memref<6400xi32, #tpu.memory_space<vmem>>) semaphore(%arg24 : memref<!tpu.dma_semaphore, #tpu.memory_space<semaphore_mem>>)
    %dma_wait3A_36 = arith.constant 0 : i32
    %dma_wait3A_37 = arith.constant 0 : i32
    %dma_wait3A_38 = tpu.memref_slice %arg2[%dma_wait3A_36, %dma_wait3A_37] : memref<100000x16xf32, #tpu.memory_space<hbm>> -> memref<100000x16xf32, #tpu.memory_space<hbm>>
    tpu.wait_indirect_dma semaphore(%arg24 : memref<!tpu.dma_semaphore, #tpu.memory_space<semaphore_mem>>) src(%dma_wait3A_38 : memref<100000x16xf32, #tpu.memory_space<hbm>>) dst(%arg21 : memref<6400x16xf32, #tpu.memory_space<vmem>>)
    "tpu.region"() ({
      %run_scoped3A = tpu.sem_alloc : memref<!tpu.dma_semaphore, #tpu.memory_space<semaphore_mem>>
      %dma_start3A_79 = arith.constant 0 : i32
      %dma_start3A_80 = tpu.memref_slice %arg14[%mul3A_2, %dma_start3A_79] : memref<204800x16xf32, #tpu.memory_space<hbm>> -> memref<6400x16xf32, #tpu.memory_space<hbm>>
      %dma_start3A_81 = arith.constant 0 : i32
      %dma_start3A_82 = tpu.memref_slice %arg14[%mul3A_2, %dma_start3A_81] : memref<204800x16xf32, #tpu.memory_space<hbm>> -> memref<6400x16xf32, #tpu.memory_space<hbm>>
      tpu.enqueue_dma source(%arg21 : memref<6400x16xf32, #tpu.memory_space<vmem>>) target(%dma_start3A_82 : memref<6400x16xf32, #tpu.memory_space<hbm>>) target_semaphore(%run_scoped3A : memref<!tpu.dma_semaphore, #tpu.memory_space<semaphore_mem>>)
      %dma_wait3A_83 = arith.constant 0 : i32
      %dma_wait3A_84 = tpu.memref_slice %arg14[%mul3A_2, %dma_wait3A_83] : memref<204800x16xf32, #tpu.memory_space<hbm>> -> memref<6400x16xf32, #tpu.memory_space<hbm>>
      %dma_wait3A_85 = arith.constant 0 : i32
      %dma_wait3A_86 = tpu.memref_slice %arg14[%mul3A_2, %dma_wait3A_85] : memref<204800x16xf32, #tpu.memory_space<hbm>> -> memref<6400x16xf32, #tpu.memory_space<hbm>>
      tpu.wait_dma2 semaphore(%run_scoped3A : memref<!tpu.dma_semaphore, #tpu.memory_space<semaphore_mem>>) src(%arg21 : memref<6400x16xf32, #tpu.memory_space<vmem>>) dst(%dma_wait3A_86 : memref<6400x16xf32, #tpu.memory_space<hbm>>)
      tpu.yield
    }) : () -> ()
    "tpu.region"() ({
      %run_scoped3A = tpu.sem_alloc : memref<!tpu.dma_semaphore, #tpu.memory_space<semaphore_mem>>
      %dma_start3A_79 = tpu.memref_slice %arg8[%mul3A_2] : memref<204800xi32, #tpu.memory_space<hbm>> -> memref<6400xi32, #tpu.memory_space<hbm>>
      %dma_start3A_80 = tpu.memref_slice %arg8[%mul3A_2] : memref<204800xi32, #tpu.memory_space<hbm>> -> memref<6400xi32, #tpu.memory_space<hbm>>
      tpu.enqueue_dma source(%dma_start3A_80 : memref<6400xi32, #tpu.memory_space<hbm>>) target(%arg19 : memref<6400xi32, #tpu.memory_space<vmem>>) target_semaphore(%run_scoped3A : memref<!tpu.dma_semaphore, #tpu.memory_space<semaphore_mem>>)
      %dma_wait3A_81 = tpu.memref_slice %arg8[%mul3A_2] : memref<204800xi32, #tpu.memory_space<hbm>> -> memref<6400xi32, #tpu.memory_space<hbm>>
      %dma_wait3A_82 = tpu.memref_slice %arg8[%mul3A_2] : memref<204800xi32, #tpu.memory_space<hbm>> -> memref<6400xi32, #tpu.memory_space<hbm>>
      tpu.wait_dma2 semaphore(%run_scoped3A : memref<!tpu.dma_semaphore, #tpu.memory_space<semaphore_mem>>) src(%dma_wait3A_82 : memref<6400xi32, #tpu.memory_space<hbm>>) dst(%arg19 : memref<6400xi32, #tpu.memory_space<vmem>>)
      tpu.yield
    }) : () -> ()
    %scan3A_39 = arith.constant 0 : i32
    %scan3A_40 = arith.constant 0 : i32
    %scan3A_41 = arith.constant 400 : i32
    %scan3A_42 = arith.addi %scan3A_40, %scan3A_41 : i32
    %scan3A_43 = arith.constant 8 : i32
    %scan3A_44 = scf.for %scan3A_79 = %scan3A_40 to %scan3A_42 step %scan3A_43 iter_args(%scan3A_80 = %scan3A_39) -> (i32)  : i32 {
      %mul3A_81 = arith.constant 16 : i32
      %mul3A_82 = arith.muli %scan3A_79, %mul3A_81 : i32
      %add3A_83 = vector.broadcast %mul3A_82 : i32 to vector<16xi32>
      %add3A_84 = arith.addi %add3A_83, %iota3A : vector<16xi32>
      %and3A = arith.constant 127 : i32
      %and3A_85 = vector.broadcast %and3A : i32 to vector<16xi32>
      %and3A_86 = arith.andi %add3A_84, %and3A_85 : vector<16xi32>
      %shift_right_arithmetic3A = arith.constant 7 : i32
      %shift_right_arithmetic3A_87 = vector.broadcast %shift_right_arithmetic3A : i32 to vector<16xi32>
      %shift_right_arithmetic3A_88 = arith.shrsi %add3A_84, %shift_right_arithmetic3A_87 : vector<16xi32>
      %mul3A_89 = arith.constant 50 : i32
      %mul3A_90 = vector.broadcast %mul3A_89 : i32 to vector<16xi32>
      %mul3A_91 = arith.muli %and3A_86, %mul3A_90 : vector<16xi32>
      %add3A_92 = arith.addi %mul3A_91, %shift_right_arithmetic3A_88 : vector<16xi32>
      %gather3A = tpu.vector_load_idx %arg19[%add3A_92] : memref<6400xi32, #tpu.memory_space<vmem>>[vector<16xi32>], vector<16xi32>,
      %mul3A_93 = arith.constant 16 : i32
      %mul3A_94 = arith.muli %scan3A_79, %mul3A_93 : i32
      %swap3A = arith.index_cast %mul3A_94 : i32 to index
      %swap3A_95 = tpu.vector_load %arg20[%swap3A] {strides = array<i32>} : memref<6400xi32, #tpu.memory_space<vmem>>, vector<16xi32>,
      tpu.vector_store %arg20[%swap3A], %gather3A {strides = array<i32>} : memref<6400xi32, #tpu.memory_space<vmem>>, vector<16xi32>,
      %scan3A_96 = arith.constant 0 : i32
      %scan3A_97 = arith.constant 1 : i32
      %scan3A_98 = arith.addi %scan3A_79, %scan3A_97 : i32
      %mul3A_99 = arith.constant 16 : i32
      %mul3A_100 = arith.muli %scan3A_98, %mul3A_99 : i32
      %add3A_101 = vector.broadcast %mul3A_100 : i32 to vector<16xi32>
      %add3A_102 = arith.addi %add3A_101, %iota3A : vector<16xi32>
      %and3A_103 = arith.constant 127 : i32
      %and3A_104 = vector.broadcast %and3A_103 : i32 to vector<16xi32>
      %and3A_105 = arith.andi %add3A_102, %and3A_104 : vector<16xi32>
      %shift_right_arithmetic3A_106 = arith.constant 7 : i32
      %shift_right_arithmetic3A_107 = vector.broadcast %shift_right_arithmetic3A_106 : i32 to vector<16xi32>
      %shift_right_arithmetic3A_108 = arith.shrsi %add3A_102, %shift_right_arithmetic3A_107 : vector<16xi32>
      %mul3A_109 = arith.constant 50 : i32
      %mul3A_110 = vector.broadcast %mul3A_109 : i32 to vector<16xi32>
      %mul3A_111 = arith.muli %and3A_105, %mul3A_110 : vector<16xi32>
      %add3A_112 = arith.addi %mul3A_111, %shift_right_arithmetic3A_108 : vector<16xi32>
      %gather3A_113 = tpu.vector_load_idx %arg19[%add3A_112] : memref<6400xi32, #tpu.memory_space<vmem>>[vector<16xi32>], vector<16xi32>,
      %mul3A_114 = arith.constant 16 : i32
      %mul3A_115 = arith.muli %scan3A_98, %mul3A_114 : i32
      %swap3A_116 = arith.index_cast %mul3A_115 : i32 to index
      %swap3A_117 = tpu.vector_load %arg20[%swap3A_116] {strides = array<i32>} : memref<6400xi32, #tpu.memory_space<vmem>>, vector<16xi32>,
      tpu.vector_store %arg20[%swap3A_116], %gather3A_113 {strides = array<i32>} : memref<6400xi32, #tpu.memory_space<vmem>>, vector<16xi32>,
      %scan3A_118 = arith.constant 0 : i32
      %scan3A_119 = arith.constant 2 : i32
      %scan3A_120 = arith.addi %scan3A_79, %scan3A_119 : i32
      %mul3A_121 = arith.constant 16 : i32
      %mul3A_122 = arith.muli %scan3A_120, %mul3A_121 : i32
      %add3A_123 = vector.broadcast %mul3A_122 : i32 to vector<16xi32>
      %add3A_124 = arith.addi %add3A_123, %iota3A : vector<16xi32>
      %and3A_125 = arith.constant 127 : i32
      %and3A_126 = vector.broadcast %and3A_125 : i32 to vector<16xi32>
      %and3A_127 = arith.andi %add3A_124, %and3A_126 : vector<16xi32>
      %shift_right_arithmetic3A_128 = arith.constant 7 : i32
      %shift_right_arithmetic3A_129 = vector.broadcast %shift_right_arithmetic3A_128 : i32 to vector<16xi32>
      %shift_right_arithmetic3A_130 = arith.shrsi %add3A_124, %shift_right_arithmetic3A_129 : vector<16xi32>
      %mul3A_131 = arith.constant 50 : i32
      %mul3A_132 = vector.broadcast %mul3A_131 : i32 to vector<16xi32>
      %mul3A_133 = arith.muli %and3A_127, %mul3A_132 : vector<16xi32>
      %add3A_134 = arith.addi %mul3A_133, %shift_right_arithmetic3A_130 : vector<16xi32>
      %gather3A_135 = tpu.vector_load_idx %arg19[%add3A_134] : memref<6400xi32, #tpu.memory_space<vmem>>[vector<16xi32>], vector<16xi32>,
      %mul3A_136 = arith.constant 16 : i32
      %mul3A_137 = arith.muli %scan3A_120, %mul3A_136 : i32
      %swap3A_138 = arith.index_cast %mul3A_137 : i32 to index
      %swap3A_139 = tpu.vector_load %arg20[%swap3A_138] {strides = array<i32>} : memref<6400xi32, #tpu.memory_space<vmem>>, vector<16xi32>,
      tpu.vector_store %arg20[%swap3A_138], %gather3A_135 {strides = array<i32>} : memref<6400xi32, #tpu.memory_space<vmem>>, vector<16xi32>,
      %scan3A_140 = arith.constant 0 : i32
      %scan3A_141 = arith.constant 3 : i32
      %scan3A_142 = arith.addi %scan3A_79, %scan3A_141 : i32
      %mul3A_143 = arith.constant 16 : i32
      %mul3A_144 = arith.muli %scan3A_142, %mul3A_143 : i32
      %add3A_145 = vector.broadcast %mul3A_144 : i32 to vector<16xi32>
      %add3A_146 = arith.addi %add3A_145, %iota3A : vector<16xi32>
      %and3A_147 = arith.constant 127 : i32
      %and3A_148 = vector.broadcast %and3A_147 : i32 to vector<16xi32>
      %and3A_149 = arith.andi %add3A_146, %and3A_148 : vector<16xi32>
      %shift_right_arithmetic3A_150 = arith.constant 7 : i32
      %shift_right_arithmetic3A_151 = vector.broadcast %shift_right_arithmetic3A_150 : i32 to vector<16xi32>
      %shift_right_arithmetic3A_152 = arith.shrsi %add3A_146, %shift_right_arithmetic3A_151 : vector<16xi32>
      %mul3A_153 = arith.constant 50 : i32
      %mul3A_154 = vector.broadcast %mul3A_153 : i32 to vector<16xi32>
      %mul3A_155 = arith.muli %and3A_149, %mul3A_154 : vector<16xi32>
      %add3A_156 = arith.addi %mul3A_155, %shift_right_arithmetic3A_152 : vector<16xi32>
      %gather3A_157 = tpu.vector_load_idx %arg19[%add3A_156] : memref<6400xi32, #tpu.memory_space<vmem>>[vector<16xi32>], vector<16xi32>,
      %mul3A_158 = arith.constant 16 : i32
      %mul3A_159 = arith.muli %scan3A_142, %mul3A_158 : i32
      %swap3A_160 = arith.index_cast %mul3A_159 : i32 to index
      %swap3A_161 = tpu.vector_load %arg20[%swap3A_160] {strides = array<i32>} : memref<6400xi32, #tpu.memory_space<vmem>>, vector<16xi32>,
      tpu.vector_store %arg20[%swap3A_160], %gather3A_157 {strides = array<i32>} : memref<6400xi32, #tpu.memory_space<vmem>>, vector<16xi32>,
      %scan3A_162 = arith.constant 0 : i32
      %scan3A_163 = arith.constant 4 : i32
      %scan3A_164 = arith.addi %scan3A_79, %scan3A_163 : i32
      %mul3A_165 = arith.constant 16 : i32
      %mul3A_166 = arith.muli %scan3A_164, %mul3A_165 : i32
      %add3A_167 = vector.broadcast %mul3A_166 : i32 to vector<16xi32>
      %add3A_168 = arith.addi %add3A_167, %iota3A : vector<16xi32>
      %and3A_169 = arith.constant 127 : i32
      %and3A_170 = vector.broadcast %and3A_169 : i32 to vector<16xi32>
      %and3A_171 = arith.andi %add3A_168, %and3A_170 : vector<16xi32>
      %shift_right_arithmetic3A_172 = arith.constant 7 : i32
      %shift_right_arithmetic3A_173 = vector.broadcast %shift_right_arithmetic3A_172 : i32 to vector<16xi32>
      %shift_right_arithmetic3A_174 = arith.shrsi %add3A_168, %shift_right_arithmetic3A_173 : vector<16xi32>
      %mul3A_175 = arith.constant 50 : i32
      %mul3A_176 = vector.broadcast %mul3A_175 : i32 to vector<16xi32>
      %mul3A_177 = arith.muli %and3A_171, %mul3A_176 : vector<16xi32>
      %add3A_178 = arith.addi %mul3A_177, %shift_right_arithmetic3A_174 : vector<16xi32>
      %gather3A_179 = tpu.vector_load_idx %arg19[%add3A_178] : memref<6400xi32, #tpu.memory_space<vmem>>[vector<16xi32>], vector<16xi32>,
      %mul3A_180 = arith.constant 16 : i32
      %mul3A_181 = arith.muli %scan3A_164, %mul3A_180 : i32
      %swap3A_182 = arith.index_cast %mul3A_181 : i32 to index
      %swap3A_183 = tpu.vector_load %arg20[%swap3A_182] {strides = array<i32>} : memref<6400xi32, #tpu.memory_space<vmem>>, vector<16xi32>,
      tpu.vector_store %arg20[%swap3A_182], %gather3A_179 {strides = array<i32>} : memref<6400xi32, #tpu.memory_space<vmem>>, vector<16xi32>,
      %scan3A_184 = arith.constant 0 : i32
      %scan3A_185 = arith.constant 5 : i32
      %scan3A_186 = arith.addi %scan3A_79, %scan3A_185 : i32
      %mul3A_187 = arith.constant 16 : i32
      %mul3A_188 = arith.muli %scan3A_186, %mul3A_187 : i32
      %add3A_189 = vector.broadcast %mul3A_188 : i32 to vector<16xi32>
      %add3A_190 = arith.addi %add3A_189, %iota3A : vector<16xi32>
      %and3A_191 = arith.constant 127 : i32
      %and3A_192 = vector.broadcast %and3A_191 : i32 to vector<16xi32>
      %and3A_193 = arith.andi %add3A_190, %and3A_192 : vector<16xi32>
      %shift_right_arithmetic3A_194 = arith.constant 7 : i32
      %shift_right_arithmetic3A_195 = vector.broadcast %shift_right_arithmetic3A_194 : i32 to vector<16xi32>
      %shift_right_arithmetic3A_196 = arith.shrsi %add3A_190, %shift_right_arithmetic3A_195 : vector<16xi32>
      %mul3A_197 = arith.constant 50 : i32
      %mul3A_198 = vector.broadcast %mul3A_197 : i32 to vector<16xi32>
      %mul3A_199 = arith.muli %and3A_193, %mul3A_198 : vector<16xi32>
      %add3A_200 = arith.addi %mul3A_199, %shift_right_arithmetic3A_196 : vector<16xi32>
      %gather3A_201 = tpu.vector_load_idx %arg19[%add3A_200] : memref<6400xi32, #tpu.memory_space<vmem>>[vector<16xi32>], vector<16xi32>,
      %mul3A_202 = arith.constant 16 : i32
      %mul3A_203 = arith.muli %scan3A_186, %mul3A_202 : i32
      %swap3A_204 = arith.index_cast %mul3A_203 : i32 to index
      %swap3A_205 = tpu.vector_load %arg20[%swap3A_204] {strides = array<i32>} : memref<6400xi32, #tpu.memory_space<vmem>>, vector<16xi32>,
      tpu.vector_store %arg20[%swap3A_204], %gather3A_201 {strides = array<i32>} : memref<6400xi32, #tpu.memory_space<vmem>>, vector<16xi32>,
      %scan3A_206 = arith.constant 0 : i32
      %scan3A_207 = arith.constant 6 : i32
      %scan3A_208 = arith.addi %scan3A_79, %scan3A_207 : i32
      %mul3A_209 = arith.constant 16 : i32
      %mul3A_210 = arith.muli %scan3A_208, %mul3A_209 : i32
      %add3A_211 = vector.broadcast %mul3A_210 : i32 to vector<16xi32>
      %add3A_212 = arith.addi %add3A_211, %iota3A : vector<16xi32>
      %and3A_213 = arith.constant 127 : i32
      %and3A_214 = vector.broadcast %and3A_213 : i32 to vector<16xi32>
      %and3A_215 = arith.andi %add3A_212, %and3A_214 : vector<16xi32>
      %shift_right_arithmetic3A_216 = arith.constant 7 : i32
      %shift_right_arithmetic3A_217 = vector.broadcast %shift_right_arithmetic3A_216 : i32 to vector<16xi32>
      %shift_right_arithmetic3A_218 = arith.shrsi %add3A_212, %shift_right_arithmetic3A_217 : vector<16xi32>
      %mul3A_219 = arith.constant 50 : i32
      %mul3A_220 = vector.broadcast %mul3A_219 : i32 to vector<16xi32>
      %mul3A_221 = arith.muli %and3A_215, %mul3A_220 : vector<16xi32>
      %add3A_222 = arith.addi %mul3A_221, %shift_right_arithmetic3A_218 : vector<16xi32>
      %gather3A_223 = tpu.vector_load_idx %arg19[%add3A_222] : memref<6400xi32, #tpu.memory_space<vmem>>[vector<16xi32>], vector<16xi32>,
      %mul3A_224 = arith.constant 16 : i32
      %mul3A_225 = arith.muli %scan3A_208, %mul3A_224 : i32
      %swap3A_226 = arith.index_cast %mul3A_225 : i32 to index
      %swap3A_227 = tpu.vector_load %arg20[%swap3A_226] {strides = array<i32>} : memref<6400xi32, #tpu.memory_space<vmem>>, vector<16xi32>,
      tpu.vector_store %arg20[%swap3A_226], %gather3A_223 {strides = array<i32>} : memref<6400xi32, #tpu.memory_space<vmem>>, vector<16xi32>,
      %scan3A_228 = arith.constant 0 : i32
      %scan3A_229 = arith.constant 7 : i32
      %scan3A_230 = arith.addi %scan3A_79, %scan3A_229 : i32
      %mul3A_231 = arith.constant 16 : i32
      %mul3A_232 = arith.muli %scan3A_230, %mul3A_231 : i32
      %add3A_233 = vector.broadcast %mul3A_232 : i32 to vector<16xi32>
      %add3A_234 = arith.addi %add3A_233, %iota3A : vector<16xi32>
      %and3A_235 = arith.constant 127 : i32
      %and3A_236 = vector.broadcast %and3A_235 : i32 to vector<16xi32>
      %and3A_237 = arith.andi %add3A_234, %and3A_236 : vector<16xi32>
      %shift_right_arithmetic3A_238 = arith.constant 7 : i32
      %shift_right_arithmetic3A_239 = vector.broadcast %shift_right_arithmetic3A_238 : i32 to vector<16xi32>
      %shift_right_arithmetic3A_240 = arith.shrsi %add3A_234, %shift_right_arithmetic3A_239 : vector<16xi32>
      %mul3A_241 = arith.constant 50 : i32
      %mul3A_242 = vector.broadcast %mul3A_241 : i32 to vector<16xi32>
      %mul3A_243 = arith.muli %and3A_237, %mul3A_242 : vector<16xi32>
      %add3A_244 = arith.addi %mul3A_243, %shift_right_arithmetic3A_240 : vector<16xi32>
      %gather3A_245 = tpu.vector_load_idx %arg19[%add3A_244] : memref<6400xi32, #tpu.memory_space<vmem>>[vector<16xi32>], vector<16xi32>,
      %mul3A_246 = arith.constant 16 : i32
      %mul3A_247 = arith.muli %scan3A_230, %mul3A_246 : i32
      %swap3A_248 = arith.index_cast %mul3A_247 : i32 to index
      %swap3A_249 = tpu.vector_load %arg20[%swap3A_248] {strides = array<i32>} : memref<6400xi32, #tpu.memory_space<vmem>>, vector<16xi32>,
      tpu.vector_store %arg20[%swap3A_248], %gather3A_245 {strides = array<i32>} : memref<6400xi32, #tpu.memory_space<vmem>>, vector<16xi32>,
      %scan3A_250 = arith.constant 0 : i32
      scf.yield %scan3A_250 : i32
    }
    %scan3A_45 = arith.constant 400 : i32
    %dma_start3A_46 = arith.constant 0 : i32
    %dma_start3A_47 = arith.constant 0 : i32
    %dma_start3A_48 = tpu.memref_slice %arg4[%dma_start3A_46, %dma_start3A_47] : memref<8192x16xf32, #tpu.memory_space<hbm>> -> memref<8192x16xf32, #tpu.memory_space<hbm>>
    tpu.enqueue_indirect_dma source(%dma_start3A_48 : memref<8192x16xf32, #tpu.memory_space<hbm>>) target(%arg21 : memref<6400x16xf32, #tpu.memory_space<vmem>>) offsets(%arg20 : memref<6400xi32, #tpu.memory_space<vmem>>) semaphore(%arg24 : memref<!tpu.dma_semaphore, #tpu.memory_space<semaphore_mem>>)
    %dma_wait3A_49 = arith.constant 0 : i32
    %dma_wait3A_50 = arith.constant 0 : i32
    %dma_wait3A_51 = tpu.memref_slice %arg4[%dma_wait3A_49, %dma_wait3A_50] : memref<8192x16xf32, #tpu.memory_space<hbm>> -> memref<8192x16xf32, #tpu.memory_space<hbm>>
    tpu.wait_indirect_dma semaphore(%arg24 : memref<!tpu.dma_semaphore, #tpu.memory_space<semaphore_mem>>) src(%dma_wait3A_51 : memref<8192x16xf32, #tpu.memory_space<hbm>>) dst(%arg21 : memref<6400x16xf32, #tpu.memory_space<vmem>>)
    "tpu.region"() ({
      %run_scoped3A = tpu.sem_alloc : memref<!tpu.dma_semaphore, #tpu.memory_space<semaphore_mem>>
      %dma_start3A_79 = arith.constant 0 : i32
      %dma_start3A_80 = tpu.memref_slice %arg15[%mul3A_2, %dma_start3A_79] : memref<204800x16xf32, #tpu.memory_space<hbm>> -> memref<6400x16xf32, #tpu.memory_space<hbm>>
      %dma_start3A_81 = arith.constant 0 : i32
      %dma_start3A_82 = tpu.memref_slice %arg15[%mul3A_2, %dma_start3A_81] : memref<204800x16xf32, #tpu.memory_space<hbm>> -> memref<6400x16xf32, #tpu.memory_space<hbm>>
      tpu.enqueue_dma source(%arg21 : memref<6400x16xf32, #tpu.memory_space<vmem>>) target(%dma_start3A_82 : memref<6400x16xf32, #tpu.memory_space<hbm>>) target_semaphore(%run_scoped3A : memref<!tpu.dma_semaphore, #tpu.memory_space<semaphore_mem>>)
      %dma_wait3A_83 = arith.constant 0 : i32
      %dma_wait3A_84 = tpu.memref_slice %arg15[%mul3A_2, %dma_wait3A_83] : memref<204800x16xf32, #tpu.memory_space<hbm>> -> memref<6400x16xf32, #tpu.memory_space<hbm>>
      %dma_wait3A_85 = arith.constant 0 : i32
      %dma_wait3A_86 = tpu.memref_slice %arg15[%mul3A_2, %dma_wait3A_85] : memref<204800x16xf32, #tpu.memory_space<hbm>> -> memref<6400x16xf32, #tpu.memory_space<hbm>>
      tpu.wait_dma2 semaphore(%run_scoped3A : memref<!tpu.dma_semaphore, #tpu.memory_space<semaphore_mem>>) src(%arg21 : memref<6400x16xf32, #tpu.memory_space<vmem>>) dst(%dma_wait3A_86 : memref<6400x16xf32, #tpu.memory_space<hbm>>)
      tpu.yield
    }) : () -> ()
    "tpu.region"() ({
      %run_scoped3A = tpu.sem_alloc : memref<!tpu.dma_semaphore, #tpu.memory_space<semaphore_mem>>
      %dma_start3A_79 = tpu.memref_slice %arg9[%mul3A_2] : memref<204800xi32, #tpu.memory_space<hbm>> -> memref<6400xi32, #tpu.memory_space<hbm>>
      %dma_start3A_80 = tpu.memref_slice %arg9[%mul3A_2] : memref<204800xi32, #tpu.memory_space<hbm>> -> memref<6400xi32, #tpu.memory_space<hbm>>
      tpu.enqueue_dma source(%dma_start3A_80 : memref<6400xi32, #tpu.memory_space<hbm>>) target(%arg19 : memref<6400xi32, #tpu.memory_space<vmem>>) target_semaphore(%run_scoped3A : memref<!tpu.dma_semaphore, #tpu.memory_space<semaphore_mem>>)
      %dma_wait3A_81 = tpu.memref_slice %arg9[%mul3A_2] : memref<204800xi32, #tpu.memory_space<hbm>> -> memref<6400xi32, #tpu.memory_space<hbm>>
      %dma_wait3A_82 = tpu.memref_slice %arg9[%mul3A_2] : memref<204800xi32, #tpu.memory_space<hbm>> -> memref<6400xi32, #tpu.memory_space<hbm>>
      tpu.wait_dma2 semaphore(%run_scoped3A : memref<!tpu.dma_semaphore, #tpu.memory_space<semaphore_mem>>) src(%dma_wait3A_82 : memref<6400xi32, #tpu.memory_space<hbm>>) dst(%arg19 : memref<6400xi32, #tpu.memory_space<vmem>>)
      tpu.yield
    }) : () -> ()
    %scan3A_52 = arith.constant 0 : i32
    %scan3A_53 = arith.constant 0 : i32
    %scan3A_54 = arith.constant 400 : i32
    %scan3A_55 = arith.addi %scan3A_53, %scan3A_54 : i32
    %scan3A_56 = arith.constant 8 : i32
    %scan3A_57 = scf.for %scan3A_79 = %scan3A_53 to %scan3A_55 step %scan3A_56 iter_args(%scan3A_80 = %scan3A_52) -> (i32)  : i32 {
      %mul3A_81 = arith.constant 16 : i32
      %mul3A_82 = arith.muli %scan3A_79, %mul3A_81 : i32
      %add3A_83 = vector.broadcast %mul3A_82 : i32 to vector<16xi32>
      %add3A_84 = arith.addi %add3A_83, %iota3A : vector<16xi32>
      %and3A = arith.constant 127 : i32
      %and3A_85 = vector.broadcast %and3A : i32 to vector<16xi32>
      %and3A_86 = arith.andi %add3A_84, %and3A_85 : vector<16xi32>
      %shift_right_arithmetic3A = arith.constant 7 : i32
      %shift_right_arithmetic3A_87 = vector.broadcast %shift_right_arithmetic3A : i32 to vector<16xi32>
      %shift_right_arithmetic3A_88 = arith.shrsi %add3A_84, %shift_right_arithmetic3A_87 : vector<16xi32>
      %mul3A_89 = arith.constant 50 : i32
      %mul3A_90 = vector.broadcast %mul3A_89 : i32 to vector<16xi32>
      %mul3A_91 = arith.muli %and3A_86, %mul3A_90 : vector<16xi32>
      %add3A_92 = arith.addi %mul3A_91, %shift_right_arithmetic3A_88 : vector<16xi32>
      %gather3A = tpu.vector_load_idx %arg19[%add3A_92] : memref<6400xi32, #tpu.memory_space<vmem>>[vector<16xi32>], vector<16xi32>,
      %mul3A_93 = arith.constant 16 : i32
      %mul3A_94 = arith.muli %scan3A_79, %mul3A_93 : i32
      %swap3A = arith.index_cast %mul3A_94 : i32 to index
      %swap3A_95 = tpu.vector_load %arg20[%swap3A] {strides = array<i32>} : memref<6400xi32, #tpu.memory_space<vmem>>, vector<16xi32>,
      tpu.vector_store %arg20[%swap3A], %gather3A {strides = array<i32>} : memref<6400xi32, #tpu.memory_space<vmem>>, vector<16xi32>,
      %scan3A_96 = arith.constant 0 : i32
      %scan3A_97 = arith.constant 1 : i32
      %scan3A_98 = arith.addi %scan3A_79, %scan3A_97 : i32
      %mul3A_99 = arith.constant 16 : i32
      %mul3A_100 = arith.muli %scan3A_98, %mul3A_99 : i32
      %add3A_101 = vector.broadcast %mul3A_100 : i32 to vector<16xi32>
      %add3A_102 = arith.addi %add3A_101, %iota3A : vector<16xi32>
      %and3A_103 = arith.constant 127 : i32
      %and3A_104 = vector.broadcast %and3A_103 : i32 to vector<16xi32>
      %and3A_105 = arith.andi %add3A_102, %and3A_104 : vector<16xi32>
      %shift_right_arithmetic3A_106 = arith.constant 7 : i32
      %shift_right_arithmetic3A_107 = vector.broadcast %shift_right_arithmetic3A_106 : i32 to vector<16xi32>
      %shift_right_arithmetic3A_108 = arith.shrsi %add3A_102, %shift_right_arithmetic3A_107 : vector<16xi32>
      %mul3A_109 = arith.constant 50 : i32
      %mul3A_110 = vector.broadcast %mul3A_109 : i32 to vector<16xi32>
      %mul3A_111 = arith.muli %and3A_105, %mul3A_110 : vector<16xi32>
      %add3A_112 = arith.addi %mul3A_111, %shift_right_arithmetic3A_108 : vector<16xi32>
      %gather3A_113 = tpu.vector_load_idx %arg19[%add3A_112] : memref<6400xi32, #tpu.memory_space<vmem>>[vector<16xi32>], vector<16xi32>,
      %mul3A_114 = arith.constant 16 : i32
      %mul3A_115 = arith.muli %scan3A_98, %mul3A_114 : i32
      %swap3A_116 = arith.index_cast %mul3A_115 : i32 to index
      %swap3A_117 = tpu.vector_load %arg20[%swap3A_116] {strides = array<i32>} : memref<6400xi32, #tpu.memory_space<vmem>>, vector<16xi32>,
      tpu.vector_store %arg20[%swap3A_116], %gather3A_113 {strides = array<i32>} : memref<6400xi32, #tpu.memory_space<vmem>>, vector<16xi32>,
      %scan3A_118 = arith.constant 0 : i32
      %scan3A_119 = arith.constant 2 : i32
      %scan3A_120 = arith.addi %scan3A_79, %scan3A_119 : i32
      %mul3A_121 = arith.constant 16 : i32
      %mul3A_122 = arith.muli %scan3A_120, %mul3A_121 : i32
      %add3A_123 = vector.broadcast %mul3A_122 : i32 to vector<16xi32>
      %add3A_124 = arith.addi %add3A_123, %iota3A : vector<16xi32>
      %and3A_125 = arith.constant 127 : i32
      %and3A_126 = vector.broadcast %and3A_125 : i32 to vector<16xi32>
      %and3A_127 = arith.andi %add3A_124, %and3A_126 : vector<16xi32>
      %shift_right_arithmetic3A_128 = arith.constant 7 : i32
      %shift_right_arithmetic3A_129 = vector.broadcast %shift_right_arithmetic3A_128 : i32 to vector<16xi32>
      %shift_right_arithmetic3A_130 = arith.shrsi %add3A_124, %shift_right_arithmetic3A_129 : vector<16xi32>
      %mul3A_131 = arith.constant 50 : i32
      %mul3A_132 = vector.broadcast %mul3A_131 : i32 to vector<16xi32>
      %mul3A_133 = arith.muli %and3A_127, %mul3A_132 : vector<16xi32>
      %add3A_134 = arith.addi %mul3A_133, %shift_right_arithmetic3A_130 : vector<16xi32>
      %gather3A_135 = tpu.vector_load_idx %arg19[%add3A_134] : memref<6400xi32, #tpu.memory_space<vmem>>[vector<16xi32>], vector<16xi32>,
      %mul3A_136 = arith.constant 16 : i32
      %mul3A_137 = arith.muli %scan3A_120, %mul3A_136 : i32
      %swap3A_138 = arith.index_cast %mul3A_137 : i32 to index
      %swap3A_139 = tpu.vector_load %arg20[%swap3A_138] {strides = array<i32>} : memref<6400xi32, #tpu.memory_space<vmem>>, vector<16xi32>,
      tpu.vector_store %arg20[%swap3A_138], %gather3A_135 {strides = array<i32>} : memref<6400xi32, #tpu.memory_space<vmem>>, vector<16xi32>,
      %scan3A_140 = arith.constant 0 : i32
      %scan3A_141 = arith.constant 3 : i32
      %scan3A_142 = arith.addi %scan3A_79, %scan3A_141 : i32
      %mul3A_143 = arith.constant 16 : i32
      %mul3A_144 = arith.muli %scan3A_142, %mul3A_143 : i32
      %add3A_145 = vector.broadcast %mul3A_144 : i32 to vector<16xi32>
      %add3A_146 = arith.addi %add3A_145, %iota3A : vector<16xi32>
      %and3A_147 = arith.constant 127 : i32
      %and3A_148 = vector.broadcast %and3A_147 : i32 to vector<16xi32>
      %and3A_149 = arith.andi %add3A_146, %and3A_148 : vector<16xi32>
      %shift_right_arithmetic3A_150 = arith.constant 7 : i32
      %shift_right_arithmetic3A_151 = vector.broadcast %shift_right_arithmetic3A_150 : i32 to vector<16xi32>
      %shift_right_arithmetic3A_152 = arith.shrsi %add3A_146, %shift_right_arithmetic3A_151 : vector<16xi32>
      %mul3A_153 = arith.constant 50 : i32
      %mul3A_154 = vector.broadcast %mul3A_153 : i32 to vector<16xi32>
      %mul3A_155 = arith.muli %and3A_149, %mul3A_154 : vector<16xi32>
      %add3A_156 = arith.addi %mul3A_155, %shift_right_arithmetic3A_152 : vector<16xi32>
      %gather3A_157 = tpu.vector_load_idx %arg19[%add3A_156] : memref<6400xi32, #tpu.memory_space<vmem>>[vector<16xi32>], vector<16xi32>,
      %mul3A_158 = arith.constant 16 : i32
      %mul3A_159 = arith.muli %scan3A_142, %mul3A_158 : i32
      %swap3A_160 = arith.index_cast %mul3A_159 : i32 to index
      %swap3A_161 = tpu.vector_load %arg20[%swap3A_160] {strides = array<i32>} : memref<6400xi32, #tpu.memory_space<vmem>>, vector<16xi32>,
      tpu.vector_store %arg20[%swap3A_160], %gather3A_157 {strides = array<i32>} : memref<6400xi32, #tpu.memory_space<vmem>>, vector<16xi32>,
      %scan3A_162 = arith.constant 0 : i32
      %scan3A_163 = arith.constant 4 : i32
      %scan3A_164 = arith.addi %scan3A_79, %scan3A_163 : i32
      %mul3A_165 = arith.constant 16 : i32
      %mul3A_166 = arith.muli %scan3A_164, %mul3A_165 : i32
      %add3A_167 = vector.broadcast %mul3A_166 : i32 to vector<16xi32>
      %add3A_168 = arith.addi %add3A_167, %iota3A : vector<16xi32>
      %and3A_169 = arith.constant 127 : i32
      %and3A_170 = vector.broadcast %and3A_169 : i32 to vector<16xi32>
      %and3A_171 = arith.andi %add3A_168, %and3A_170 : vector<16xi32>
      %shift_right_arithmetic3A_172 = arith.constant 7 : i32
      %shift_right_arithmetic3A_173 = vector.broadcast %shift_right_arithmetic3A_172 : i32 to vector<16xi32>
      %shift_right_arithmetic3A_174 = arith.shrsi %add3A_168, %shift_right_arithmetic3A_173 : vector<16xi32>
      %mul3A_175 = arith.constant 50 : i32
      %mul3A_176 = vector.broadcast %mul3A_175 : i32 to vector<16xi32>
      %mul3A_177 = arith.muli %and3A_171, %mul3A_176 : vector<16xi32>
      %add3A_178 = arith.addi %mul3A_177, %shift_right_arithmetic3A_174 : vector<16xi32>
      %gather3A_179 = tpu.vector_load_idx %arg19[%add3A_178] : memref<6400xi32, #tpu.memory_space<vmem>>[vector<16xi32>], vector<16xi32>,
      %mul3A_180 = arith.constant 16 : i32
      %mul3A_181 = arith.muli %scan3A_164, %mul3A_180 : i32
      %swap3A_182 = arith.index_cast %mul3A_181 : i32 to index
      %swap3A_183 = tpu.vector_load %arg20[%swap3A_182] {strides = array<i32>} : memref<6400xi32, #tpu.memory_space<vmem>>, vector<16xi32>,
      tpu.vector_store %arg20[%swap3A_182], %gather3A_179 {strides = array<i32>} : memref<6400xi32, #tpu.memory_space<vmem>>, vector<16xi32>,
      %scan3A_184 = arith.constant 0 : i32
      %scan3A_185 = arith.constant 5 : i32
      %scan3A_186 = arith.addi %scan3A_79, %scan3A_185 : i32
      %mul3A_187 = arith.constant 16 : i32
      %mul3A_188 = arith.muli %scan3A_186, %mul3A_187 : i32
      %add3A_189 = vector.broadcast %mul3A_188 : i32 to vector<16xi32>
      %add3A_190 = arith.addi %add3A_189, %iota3A : vector<16xi32>
      %and3A_191 = arith.constant 127 : i32
      %and3A_192 = vector.broadcast %and3A_191 : i32 to vector<16xi32>
      %and3A_193 = arith.andi %add3A_190, %and3A_192 : vector<16xi32>
      %shift_right_arithmetic3A_194 = arith.constant 7 : i32
      %shift_right_arithmetic3A_195 = vector.broadcast %shift_right_arithmetic3A_194 : i32 to vector<16xi32>
      %shift_right_arithmetic3A_196 = arith.shrsi %add3A_190, %shift_right_arithmetic3A_195 : vector<16xi32>
      %mul3A_197 = arith.constant 50 : i32
      %mul3A_198 = vector.broadcast %mul3A_197 : i32 to vector<16xi32>
      %mul3A_199 = arith.muli %and3A_193, %mul3A_198 : vector<16xi32>
      %add3A_200 = arith.addi %mul3A_199, %shift_right_arithmetic3A_196 : vector<16xi32>
      %gather3A_201 = tpu.vector_load_idx %arg19[%add3A_200] : memref<6400xi32, #tpu.memory_space<vmem>>[vector<16xi32>], vector<16xi32>,
      %mul3A_202 = arith.constant 16 : i32
      %mul3A_203 = arith.muli %scan3A_186, %mul3A_202 : i32
      %swap3A_204 = arith.index_cast %mul3A_203 : i32 to index
      %swap3A_205 = tpu.vector_load %arg20[%swap3A_204] {strides = array<i32>} : memref<6400xi32, #tpu.memory_space<vmem>>, vector<16xi32>,
      tpu.vector_store %arg20[%swap3A_204], %gather3A_201 {strides = array<i32>} : memref<6400xi32, #tpu.memory_space<vmem>>, vector<16xi32>,
      %scan3A_206 = arith.constant 0 : i32
      %scan3A_207 = arith.constant 6 : i32
      %scan3A_208 = arith.addi %scan3A_79, %scan3A_207 : i32
      %mul3A_209 = arith.constant 16 : i32
      %mul3A_210 = arith.muli %scan3A_208, %mul3A_209 : i32
      %add3A_211 = vector.broadcast %mul3A_210 : i32 to vector<16xi32>
      %add3A_212 = arith.addi %add3A_211, %iota3A : vector<16xi32>
      %and3A_213 = arith.constant 127 : i32
      %and3A_214 = vector.broadcast %and3A_213 : i32 to vector<16xi32>
      %and3A_215 = arith.andi %add3A_212, %and3A_214 : vector<16xi32>
      %shift_right_arithmetic3A_216 = arith.constant 7 : i32
      %shift_right_arithmetic3A_217 = vector.broadcast %shift_right_arithmetic3A_216 : i32 to vector<16xi32>
      %shift_right_arithmetic3A_218 = arith.shrsi %add3A_212, %shift_right_arithmetic3A_217 : vector<16xi32>
      %mul3A_219 = arith.constant 50 : i32
      %mul3A_220 = vector.broadcast %mul3A_219 : i32 to vector<16xi32>
      %mul3A_221 = arith.muli %and3A_215, %mul3A_220 : vector<16xi32>
      %add3A_222 = arith.addi %mul3A_221, %shift_right_arithmetic3A_218 : vector<16xi32>
      %gather3A_223 = tpu.vector_load_idx %arg19[%add3A_222] : memref<6400xi32, #tpu.memory_space<vmem>>[vector<16xi32>], vector<16xi32>,
      %mul3A_224 = arith.constant 16 : i32
      %mul3A_225 = arith.muli %scan3A_208, %mul3A_224 : i32
      %swap3A_226 = arith.index_cast %mul3A_225 : i32 to index
      %swap3A_227 = tpu.vector_load %arg20[%swap3A_226] {strides = array<i32>} : memref<6400xi32, #tpu.memory_space<vmem>>, vector<16xi32>,
      tpu.vector_store %arg20[%swap3A_226], %gather3A_223 {strides = array<i32>} : memref<6400xi32, #tpu.memory_space<vmem>>, vector<16xi32>,
      %scan3A_228 = arith.constant 0 : i32
      %scan3A_229 = arith.constant 7 : i32
      %scan3A_230 = arith.addi %scan3A_79, %scan3A_229 : i32
      %mul3A_231 = arith.constant 16 : i32
      %mul3A_232 = arith.muli %scan3A_230, %mul3A_231 : i32
      %add3A_233 = vector.broadcast %mul3A_232 : i32 to vector<16xi32>
      %add3A_234 = arith.addi %add3A_233, %iota3A : vector<16xi32>
      %and3A_235 = arith.constant 127 : i32
      %and3A_236 = vector.broadcast %and3A_235 : i32 to vector<16xi32>
      %and3A_237 = arith.andi %add3A_234, %and3A_236 : vector<16xi32>
      %shift_right_arithmetic3A_238 = arith.constant 7 : i32
      %shift_right_arithmetic3A_239 = vector.broadcast %shift_right_arithmetic3A_238 : i32 to vector<16xi32>
      %shift_right_arithmetic3A_240 = arith.shrsi %add3A_234, %shift_right_arithmetic3A_239 : vector<16xi32>
      %mul3A_241 = arith.constant 50 : i32
      %mul3A_242 = vector.broadcast %mul3A_241 : i32 to vector<16xi32>
      %mul3A_243 = arith.muli %and3A_237, %mul3A_242 : vector<16xi32>
      %add3A_244 = arith.addi %mul3A_243, %shift_right_arithmetic3A_240 : vector<16xi32>
      %gather3A_245 = tpu.vector_load_idx %arg19[%add3A_244] : memref<6400xi32, #tpu.memory_space<vmem>>[vector<16xi32>], vector<16xi32>,
      %mul3A_246 = arith.constant 16 : i32
      %mul3A_247 = arith.muli %scan3A_230, %mul3A_246 : i32
      %swap3A_248 = arith.index_cast %mul3A_247 : i32 to index
      %swap3A_249 = tpu.vector_load %arg20[%swap3A_248] {strides = array<i32>} : memref<6400xi32, #tpu.memory_space<vmem>>, vector<16xi32>,
      tpu.vector_store %arg20[%swap3A_248], %gather3A_245 {strides = array<i32>} : memref<6400xi32, #tpu.memory_space<vmem>>, vector<16xi32>,
      %scan3A_250 = arith.constant 0 : i32
      scf.yield %scan3A_250 : i32
    }
    %scan3A_58 = arith.constant 400 : i32
    %dma_start3A_59 = arith.constant 0 : i32
    %dma_start3A_60 = arith.constant 0 : i32
    %dma_start3A_61 = tpu.memref_slice %arg4[%dma_start3A_59, %dma_start3A_60] : memref<8192x16xf32, #tpu.memory_space<hbm>> -> memref<8192x16xf32, #tpu.memory_space<hbm>>
    tpu.enqueue_indirect_dma source(%dma_start3A_61 : memref<8192x16xf32, #tpu.memory_space<hbm>>) target(%arg21 : memref<6400x16xf32, #tpu.memory_space<vmem>>) offsets(%arg20 : memref<6400xi32, #tpu.memory_space<vmem>>) semaphore(%arg24 : memref<!tpu.dma_semaphore, #tpu.memory_space<semaphore_mem>>)
    %dma_wait3A_62 = arith.constant 0 : i32
    %dma_wait3A_63 = arith.constant 0 : i32
    %dma_wait3A_64 = tpu.memref_slice %arg4[%dma_wait3A_62, %dma_wait3A_63] : memref<8192x16xf32, #tpu.memory_space<hbm>> -> memref<8192x16xf32, #tpu.memory_space<hbm>>
    tpu.wait_indirect_dma semaphore(%arg24 : memref<!tpu.dma_semaphore, #tpu.memory_space<semaphore_mem>>) src(%dma_wait3A_64 : memref<8192x16xf32, #tpu.memory_space<hbm>>) dst(%arg21 : memref<6400x16xf32, #tpu.memory_space<vmem>>)
    "tpu.region"() ({
      %run_scoped3A = tpu.sem_alloc : memref<!tpu.dma_semaphore, #tpu.memory_space<semaphore_mem>>
      %dma_start3A_79 = arith.constant 0 : i32
      %dma_start3A_80 = tpu.memref_slice %arg16[%mul3A_2, %dma_start3A_79] : memref<204800x16xf32, #tpu.memory_space<hbm>> -> memref<6400x16xf32, #tpu.memory_space<hbm>>
      %dma_start3A_81 = arith.constant 0 : i32
      %dma_start3A_82 = tpu.memref_slice %arg16[%mul3A_2, %dma_start3A_81] : memref<204800x16xf32, #tpu.memory_space<hbm>> -> memref<6400x16xf32, #tpu.memory_space<hbm>>
      tpu.enqueue_dma source(%arg21 : memref<6400x16xf32, #tpu.memory_space<vmem>>) target(%dma_start3A_82 : memref<6400x16xf32, #tpu.memory_space<hbm>>) target_semaphore(%run_scoped3A : memref<!tpu.dma_semaphore, #tpu.memory_space<semaphore_mem>>)
      %dma_wait3A_83 = arith.constant 0 : i32
      %dma_wait3A_84 = tpu.memref_slice %arg16[%mul3A_2, %dma_wait3A_83] : memref<204800x16xf32, #tpu.memory_space<hbm>> -> memref<6400x16xf32, #tpu.memory_space<hbm>>
      %dma_wait3A_85 = arith.constant 0 : i32
      %dma_wait3A_86 = tpu.memref_slice %arg16[%mul3A_2, %dma_wait3A_85] : memref<204800x16xf32, #tpu.memory_space<hbm>> -> memref<6400x16xf32, #tpu.memory_space<hbm>>
      tpu.wait_dma2 semaphore(%run_scoped3A : memref<!tpu.dma_semaphore, #tpu.memory_space<semaphore_mem>>) src(%arg21 : memref<6400x16xf32, #tpu.memory_space<vmem>>) dst(%dma_wait3A_86 : memref<6400x16xf32, #tpu.memory_space<hbm>>)
      tpu.yield
    }) : () -> ()
    %mul3A_65 = arith.constant 128 : i32
    %mul3A_66 = arith.muli %add3A, %mul3A_65 : i32
    "tpu.region"() ({
      %run_scoped3A = tpu.sem_alloc : memref<!tpu.dma_semaphore, #tpu.memory_space<semaphore_mem>>
      %dma_start3A_79 = tpu.memref_slice %arg10[%mul3A_66] : memref<4096xi32, #tpu.memory_space<hbm>> -> memref<128xi32, #tpu.memory_space<hbm>>
      %dma_start3A_80 = tpu.memref_slice %arg10[%mul3A_66] : memref<4096xi32, #tpu.memory_space<hbm>> -> memref<128xi32, #tpu.memory_space<hbm>>
      tpu.enqueue_dma source(%dma_start3A_80 : memref<128xi32, #tpu.memory_space<hbm>>) target(%arg22 : memref<128xi32, #tpu.memory_space<vmem>>) target_semaphore(%run_scoped3A : memref<!tpu.dma_semaphore, #tpu.memory_space<semaphore_mem>>)
      %dma_wait3A_81 = tpu.memref_slice %arg10[%mul3A_66] : memref<4096xi32, #tpu.memory_space<hbm>> -> memref<128xi32, #tpu.memory_space<hbm>>
      %dma_wait3A_82 = tpu.memref_slice %arg10[%mul3A_66] : memref<4096xi32, #tpu.memory_space<hbm>> -> memref<128xi32, #tpu.memory_space<hbm>>
      tpu.wait_dma2 semaphore(%run_scoped3A : memref<!tpu.dma_semaphore, #tpu.memory_space<semaphore_mem>>) src(%dma_wait3A_82 : memref<128xi32, #tpu.memory_space<hbm>>) dst(%arg22 : memref<128xi32, #tpu.memory_space<vmem>>)
      tpu.yield
    }) : () -> ()
    %dma_start3A_67 = arith.constant 0 : i32
    %dma_start3A_68 = arith.constant 0 : i32
    %dma_start3A_69 = tpu.memref_slice %arg2[%dma_start3A_67, %dma_start3A_68] : memref<100000x16xf32, #tpu.memory_space<hbm>> -> memref<100000x16xf32, #tpu.memory_space<hbm>>
    tpu.enqueue_indirect_dma source(%dma_start3A_69 : memref<100000x16xf32, #tpu.memory_space<hbm>>) target(%arg23 : memref<128x16xf32, #tpu.memory_space<vmem>>) offsets(%arg22 : memref<128xi32, #tpu.memory_space<vmem>>) semaphore(%arg24 : memref<!tpu.dma_semaphore, #tpu.memory_space<semaphore_mem>>)
    %dma_wait3A_70 = arith.constant 0 : i32
    %dma_wait3A_71 = arith.constant 0 : i32
    %dma_wait3A_72 = tpu.memref_slice %arg2[%dma_wait3A_70, %dma_wait3A_71] : memref<100000x16xf32, #tpu.memory_space<hbm>> -> memref<100000x16xf32, #tpu.memory_space<hbm>>
    tpu.wait_indirect_dma semaphore(%arg24 : memref<!tpu.dma_semaphore, #tpu.memory_space<semaphore_mem>>) src(%dma_wait3A_72 : memref<100000x16xf32, #tpu.memory_space<hbm>>) dst(%arg23 : memref<128x16xf32, #tpu.memory_space<vmem>>)
    "tpu.region"() ({
      %run_scoped3A = tpu.sem_alloc : memref<!tpu.dma_semaphore, #tpu.memory_space<semaphore_mem>>
      %dma_start3A_79 = arith.constant 0 : i32
      %dma_start3A_80 = tpu.memref_slice %arg17[%mul3A_66, %dma_start3A_79] : memref<4096x16xf32, #tpu.memory_space<hbm>> -> memref<128x16xf32, #tpu.memory_space<hbm>>
      %dma_start3A_81 = arith.constant 0 : i32
      %dma_start3A_82 = tpu.memref_slice %arg17[%mul3A_66, %dma_start3A_81] : memref<4096x16xf32, #tpu.memory_space<hbm>> -> memref<128x16xf32, #tpu.memory_space<hbm>>
      tpu.enqueue_dma source(%arg23 : memref<128x16xf32, #tpu.memory_space<vmem>>) target(%dma_start3A_82 : memref<128x16xf32, #tpu.memory_space<hbm>>) target_semaphore(%run_scoped3A : memref<!tpu.dma_semaphore, #tpu.memory_space<semaphore_mem>>)
      %dma_wait3A_83 = arith.constant 0 : i32
      %dma_wait3A_84 = tpu.memref_slice %arg17[%mul3A_66, %dma_wait3A_83] : memref<4096x16xf32, #tpu.memory_space<hbm>> -> memref<128x16xf32, #tpu.memory_space<hbm>>
      %dma_wait3A_85 = arith.constant 0 : i32
      %dma_wait3A_86 = tpu.memref_slice %arg17[%mul3A_66, %dma_wait3A_85] : memref<4096x16xf32, #tpu.memory_space<hbm>> -> memref<128x16xf32, #tpu.memory_space<hbm>>
      tpu.wait_dma2 semaphore(%run_scoped3A : memref<!tpu.dma_semaphore, #tpu.memory_space<semaphore_mem>>) src(%arg23 : memref<128x16xf32, #tpu.memory_space<vmem>>) dst(%dma_wait3A_86 : memref<128x16xf32, #tpu.memory_space<hbm>>)
      tpu.yield
    }) : () -> ()
    "tpu.region"() ({
      %run_scoped3A = tpu.sem_alloc : memref<!tpu.dma_semaphore, #tpu.memory_space<semaphore_mem>>
      %dma_start3A_79 = tpu.memref_slice %arg11[%mul3A_66] : memref<4096xi32, #tpu.memory_space<hbm>> -> memref<128xi32, #tpu.memory_space<hbm>>
      %dma_start3A_80 = tpu.memref_slice %arg11[%mul3A_66] : memref<4096xi32, #tpu.memory_space<hbm>> -> memref<128xi32, #tpu.memory_space<hbm>>
      tpu.enqueue_dma source(%dma_start3A_80 : memref<128xi32, #tpu.memory_space<hbm>>) target(%arg22 : memref<128xi32, #tpu.memory_space<vmem>>) target_semaphore(%run_scoped3A : memref<!tpu.dma_semaphore, #tpu.memory_space<semaphore_mem>>)
      %dma_wait3A_81 = tpu.memref_slice %arg11[%mul3A_66] : memref<4096xi32, #tpu.memory_space<hbm>> -> memref<128xi32, #tpu.memory_space<hbm>>
      %dma_wait3A_82 = tpu.memref_slice %arg11[%mul3A_66] : memref<4096xi32, #tpu.memory_space<hbm>> -> memref<128xi32, #tpu.memory_space<hbm>>
      tpu.wait_dma2 semaphore(%run_scoped3A : memref<!tpu.dma_semaphore, #tpu.memory_space<semaphore_mem>>) src(%dma_wait3A_82 : memref<128xi32, #tpu.memory_space<hbm>>) dst(%arg22 : memref<128xi32, #tpu.memory_space<vmem>>)
      tpu.yield
    }) : () -> ()
    %dma_start3A_73 = arith.constant 0 : i32
    %dma_start3A_74 = arith.constant 0 : i32
    %dma_start3A_75 = tpu.memref_slice %arg3[%dma_start3A_73, %dma_start3A_74] : memref<100000x16xf32, #tpu.memory_space<hbm>> -> memref<100000x16xf32, #tpu.memory_space<hbm>>
    tpu.enqueue_indirect_dma source(%dma_start3A_75 : memref<100000x16xf32, #tpu.memory_space<hbm>>) target(%arg23 : memref<128x16xf32, #tpu.memory_space<vmem>>) offsets(%arg22 : memref<128xi32, #tpu.memory_space<vmem>>) semaphore(%arg24 : memref<!tpu.dma_semaphore, #tpu.memory_space<semaphore_mem>>)
    %dma_wait3A_76 = arith.constant 0 : i32
    %dma_wait3A_77 = arith.constant 0 : i32
    %dma_wait3A_78 = tpu.memref_slice %arg3[%dma_wait3A_76, %dma_wait3A_77] : memref<100000x16xf32, #tpu.memory_space<hbm>> -> memref<100000x16xf32, #tpu.memory_space<hbm>>
    tpu.wait_indirect_dma semaphore(%arg24 : memref<!tpu.dma_semaphore, #tpu.memory_space<semaphore_mem>>) src(%dma_wait3A_78 : memref<100000x16xf32, #tpu.memory_space<hbm>>) dst(%arg23 : memref<128x16xf32, #tpu.memory_space<vmem>>)
    "tpu.region"() ({
      %run_scoped3A = tpu.sem_alloc : memref<!tpu.dma_semaphore, #tpu.memory_space<semaphore_mem>>
      %dma_start3A_79 = arith.constant 0 : i32
      %dma_start3A_80 = tpu.memref_slice %arg18[%mul3A_66, %dma_start3A_79] : memref<4096x16xf32, #tpu.memory_space<hbm>> -> memref<128x16xf32, #tpu.memory_space<hbm>>
      %dma_start3A_81 = arith.constant 0 : i32
      %dma_start3A_82 = tpu.memref_slice %arg18[%mul3A_66, %dma_start3A_81] : memref<4096x16xf32, #tpu.memory_space<hbm>> -> memref<128x16xf32, #tpu.memory_space<hbm>>
      tpu.enqueue_dma source(%arg23 : memref<128x16xf32, #tpu.memory_space<vmem>>) target(%dma_start3A_82 : memref<128x16xf32, #tpu.memory_space<hbm>>) target_semaphore(%run_scoped3A : memref<!tpu.dma_semaphore, #tpu.memory_space<semaphore_mem>>)
      %dma_wait3A_83 = arith.constant 0 : i32
      %dma_wait3A_84 = tpu.memref_slice %arg18[%mul3A_66, %dma_wait3A_83] : memref<4096x16xf32, #tpu.memory_space<hbm>> -> memref<128x16xf32, #tpu.memory_space<hbm>>
      %dma_wait3A_85 = arith.constant 0 : i32
      %dma_wait3A_86 = tpu.memref_slice %arg18[%mul3A_66, %dma_wait3A_85] : memref<4096x16xf32, #tpu.memory_space<hbm>> -> memref<128x16xf32, #tpu.memory_space<hbm>>
      tpu.wait_dma2 semaphore(%run_scoped3A : memref<!tpu.dma_semaphore, #tpu.memory_space<semaphore_mem>>) src(%arg23 : memref<128x16xf32, #tpu.memory_space<vmem>>) dst(%dma_wait3A_86 : memref<128x16xf32, #tpu.memory_space<hbm>>)
      tpu.yield
    }) : () -> ()
    return
  }
}

module attributes {stable_mosaic.version = 14 : i64} {
  func.func @body(%arg0: i32, %arg1: memref<4x800x128xf32, #tpu.memory_space<vmem>>, %arg2: memref<4x800x128xf32, #tpu.memory_space<vmem>>, %arg3: memref<4x800x128xf32, #tpu.memory_space<vmem>>, %arg4: memref<4x800x128xf32, #tpu.memory_space<vmem>>, %arg5: memref<4x800x128xf32, #tpu.memory_space<vmem>>, %arg6: memref<4x16x128xf32, #tpu.memory_space<vmem>>, %arg7: memref<4x16x128xf32, #tpu.memory_space<vmem>>, %arg8: memref<8x128xf32, #tpu.memory_space<vmem>>, %arg9: memref<128x128xf32, #tpu.memory_space<vmem>>, %arg10: memref<128x128xf32, #tpu.memory_space<vmem>>, %arg11: memref<1x128xf32, #tpu.memory_space<vmem>>, %arg12: memref<128x128xf32, #tpu.memory_space<vmem>>, %arg13: memref<1x128xf32, #tpu.memory_space<vmem>>, %arg14: memref<128x128xf32, #tpu.memory_space<vmem>>, %arg15: memref<1x128xf32, #tpu.memory_space<vmem>>, %arg16: memref<128x128xf32, #tpu.memory_space<vmem>>, %arg17: memref<128x128xf32, #tpu.memory_space<vmem>>, %arg18: memref<1x128xf32, #tpu.memory_space<vmem>>, %arg19: memref<128x128xf32, #tpu.memory_space<vmem>>, %arg20: memref<1x128xf32, #tpu.memory_space<vmem>>, %arg21: memref<128x8xf32, #tpu.memory_space<vmem>>, %arg22: memref<1x8xf32, #tpu.memory_space<vmem>>, %arg23: memref<128x128xf32, #tpu.memory_space<vmem>>, %arg24: memref<128x128xf32, #tpu.memory_space<vmem>>, %arg25: memref<1x128xf32, #tpu.memory_space<vmem>>, %arg26: memref<128x128xf32, #tpu.memory_space<vmem>>, %arg27: memref<1x128xf32, #tpu.memory_space<vmem>>, %arg28: memref<128x128xf32, #tpu.memory_space<vmem>>, %arg29: memref<1x128xf32, #tpu.memory_space<vmem>>, %arg30: memref<128x128xf32, #tpu.memory_space<vmem>>, %arg31: memref<128x128xf32, #tpu.memory_space<vmem>>, %arg32: memref<1x128xf32, #tpu.memory_space<vmem>>, %arg33: memref<128x128xf32, #tpu.memory_space<vmem>>, %arg34: memref<1x128xf32, #tpu.memory_space<vmem>>, %arg35: memref<128x8xf32, #tpu.memory_space<vmem>>, %arg36: memref<1x8xf32, #tpu.memory_space<vmem>>, %arg37: memref<128x128xf32, #tpu.memory_space<vmem>>, %arg38: memref<128x128xf32, #tpu.memory_space<vmem>>, %arg39: memref<1x128xf32, #tpu.memory_space<vmem>>, %arg40: memref<128x128xf32, #tpu.memory_space<vmem>>, %arg41: memref<1x128xf32, #tpu.memory_space<vmem>>, %arg42: memref<128x8xf32, #tpu.memory_space<vmem>>, %arg43: memref<1x8xf32, #tpu.memory_space<vmem>>, %arg44: memref<128x128xf32, #tpu.memory_space<vmem>>, %arg45: memref<128x128xf32, #tpu.memory_space<vmem>>, %arg46: memref<1x128xf32, #tpu.memory_space<vmem>>, %arg47: memref<128x128xf32, #tpu.memory_space<vmem>>, %arg48: memref<1x128xf32, #tpu.memory_space<vmem>>, %arg49: memref<128x128xf32, #tpu.memory_space<vmem>>, %arg50: memref<1x128xf32, #tpu.memory_space<vmem>>, %arg51: memref<128x128xf32, #tpu.memory_space<vmem>>, %arg52: memref<1x128xf32, #tpu.memory_space<vmem>>, %arg53: memref<128x128xf32, #tpu.memory_space<vmem>>, %arg54: memref<1x128xf32, #tpu.memory_space<vmem>>, %arg55: memref<64x128xf32, #tpu.memory_space<vmem>>, %arg56: memref<64x128xf32, #tpu.memory_space<vmem>>) attributes {dimension_semantics = [#tpu.dimension_semantics<arbitrary>], iteration_bounds = array<i64: 8>, scalar_prefetch = 0 : i64, scratch_operands = 0 : i64, tpu.core_type = #tpu.core_type<tc>, window_params = [{transform_indices = @transform_0, window_bounds = array<i64: 4, 800, 128>}, {transform_indices = @transform_1, window_bounds = array<i64: 4, 800, 128>}, {transform_indices = @transform_2, window_bounds = array<i64: 4, 800, 128>}, {transform_indices = @transform_3, window_bounds = array<i64: 4, 800, 128>}, {transform_indices = @transform_4, window_bounds = array<i64: 4, 800, 128>}, {transform_indices = @transform_5, window_bounds = array<i64: 4, 16, 128>}, {transform_indices = @transform_6, window_bounds = array<i64: 4, 16, 128>}, {pipeline_mode = #tpu.pipeline_mode<synchronous>, transform_indices = @transform_7, window_bounds = array<i64: 8, 128>}, {pipeline_mode = #tpu.pipeline_mode<synchronous>, transform_indices = @transform_8, window_bounds = array<i64: 128, 128>}, {pipeline_mode = #tpu.pipeline_mode<synchronous>, transform_indices = @transform_9, window_bounds = array<i64: 128, 128>}, {pipeline_mode = #tpu.pipeline_mode<synchronous>, transform_indices = @transform_10, window_bounds = array<i64: 1, 128>}, {pipeline_mode = #tpu.pipeline_mode<synchronous>, transform_indices = @transform_11, window_bounds = array<i64: 128, 128>}, {pipeline_mode = #tpu.pipeline_mode<synchronous>, transform_indices = @transform_12, window_bounds = array<i64: 1, 128>}, {pipeline_mode = #tpu.pipeline_mode<synchronous>, transform_indices = @transform_13, window_bounds = array<i64: 128, 128>}, {pipeline_mode = #tpu.pipeline_mode<synchronous>, transform_indices = @transform_14, window_bounds = array<i64: 1, 128>}, {pipeline_mode = #tpu.pipeline_mode<synchronous>, transform_indices = @transform_15, window_bounds = array<i64: 128, 128>}, {pipeline_mode = #tpu.pipeline_mode<synchronous>, transform_indices = @transform_16, window_bounds = array<i64: 128, 128>}, {pipeline_mode = #tpu.pipeline_mode<synchronous>, transform_indices = @transform_17, window_bounds = array<i64: 1, 128>}, {pipeline_mode = #tpu.pipeline_mode<synchronous>, transform_indices = @transform_18, window_bounds = array<i64: 128, 128>}, {pipeline_mode = #tpu.pipeline_mode<synchronous>, transform_indices = @transform_19, window_bounds = array<i64: 1, 128>}, {pipeline_mode = #tpu.pipeline_mode<synchronous>, transform_indices = @transform_20, window_bounds = array<i64: 128, 8>}, {pipeline_mode = #tpu.pipeline_mode<synchronous>, transform_indices = @transform_21, window_bounds = array<i64: 1, 8>}, {pipeline_mode = #tpu.pipeline_mode<synchronous>, transform_indices = @transform_22, window_bounds = array<i64: 128, 128>}, {pipeline_mode = #tpu.pipeline_mode<synchronous>, transform_indices = @transform_23, window_bounds = array<i64: 128, 128>}, {pipeline_mode = #tpu.pipeline_mode<synchronous>, transform_indices = @transform_24, window_bounds = array<i64: 1, 128>}, {pipeline_mode = #tpu.pipeline_mode<synchronous>, transform_indices = @transform_25, window_bounds = array<i64: 128, 128>}, {pipeline_mode = #tpu.pipeline_mode<synchronous>, transform_indices = @transform_26, window_bounds = array<i64: 1, 128>}, {pipeline_mode = #tpu.pipeline_mode<synchronous>, transform_indices = @transform_27, window_bounds = array<i64: 128, 128>}, {pipeline_mode = #tpu.pipeline_mode<synchronous>, transform_indices = @transform_28, window_bounds = array<i64: 1, 128>}, {pipeline_mode = #tpu.pipeline_mode<synchronous>, transform_indices = @transform_29, window_bounds = array<i64: 128, 128>}, {pipeline_mode = #tpu.pipeline_mode<synchronous>, transform_indices = @transform_30, window_bounds = array<i64: 128, 128>}, {pipeline_mode = #tpu.pipeline_mode<synchronous>, transform_indices = @transform_31, window_bounds = array<i64: 1, 128>}, {pipeline_mode = #tpu.pipeline_mode<synchronous>, transform_indices = @transform_32, window_bounds = array<i64: 128, 128>}, {pipeline_mode = #tpu.pipeline_mode<synchronous>, transform_indices = @transform_33, window_bounds = array<i64: 1, 128>}, {pipeline_mode = #tpu.pipeline_mode<synchronous>, transform_indices = @transform_34, window_bounds = array<i64: 128, 8>}, {pipeline_mode = #tpu.pipeline_mode<synchronous>, transform_indices = @transform_35, window_bounds = array<i64: 1, 8>}, {pipeline_mode = #tpu.pipeline_mode<synchronous>, transform_indices = @transform_36, window_bounds = array<i64: 128, 128>}, {pipeline_mode = #tpu.pipeline_mode<synchronous>, transform_indices = @transform_37, window_bounds = array<i64: 128, 128>}, {pipeline_mode = #tpu.pipeline_mode<synchronous>, transform_indices = @transform_38, window_bounds = array<i64: 1, 128>}, {pipeline_mode = #tpu.pipeline_mode<synchronous>, transform_indices = @transform_39, window_bounds = array<i64: 128, 128>}, {pipeline_mode = #tpu.pipeline_mode<synchronous>, transform_indices = @transform_40, window_bounds = array<i64: 1, 128>}, {pipeline_mode = #tpu.pipeline_mode<synchronous>, transform_indices = @transform_41, window_bounds = array<i64: 128, 8>}, {pipeline_mode = #tpu.pipeline_mode<synchronous>, transform_indices = @transform_42, window_bounds = array<i64: 1, 8>}, {pipeline_mode = #tpu.pipeline_mode<synchronous>, transform_indices = @transform_43, window_bounds = array<i64: 128, 128>}, {pipeline_mode = #tpu.pipeline_mode<synchronous>, transform_indices = @transform_44, window_bounds = array<i64: 128, 128>}, {pipeline_mode = #tpu.pipeline_mode<synchronous>, transform_indices = @transform_45, window_bounds = array<i64: 1, 128>}, {pipeline_mode = #tpu.pipeline_mode<synchronous>, transform_indices = @transform_46, window_bounds = array<i64: 128, 128>}, {pipeline_mode = #tpu.pipeline_mode<synchronous>, transform_indices = @transform_47, window_bounds = array<i64: 1, 128>}, {pipeline_mode = #tpu.pipeline_mode<synchronous>, transform_indices = @transform_48, window_bounds = array<i64: 128, 128>}, {pipeline_mode = #tpu.pipeline_mode<synchronous>, transform_indices = @transform_49, window_bounds = array<i64: 1, 128>}, {pipeline_mode = #tpu.pipeline_mode<synchronous>, transform_indices = @transform_50, window_bounds = array<i64: 128, 128>}, {pipeline_mode = #tpu.pipeline_mode<synchronous>, transform_indices = @transform_51, window_bounds = array<i64: 1, 128>}, {pipeline_mode = #tpu.pipeline_mode<synchronous>, transform_indices = @transform_52, window_bounds = array<i64: 128, 128>}, {pipeline_mode = #tpu.pipeline_mode<synchronous>, transform_indices = @transform_53, window_bounds = array<i64: 1, 128>}, {transform_indices = @transform_54, window_bounds = array<i64: 64, 128>}, {transform_indices = @transform_55, window_bounds = array<i64: 64, 128>}]} {
    %get3A = arith.constant 0 : index
    %get3A_0 = arith.constant 0 : index
    %get3A_1 = vector.load %arg8[%get3A, %get3A_0] : memref<8x128xf32, #tpu.memory_space<vmem>>, vector<8x128xf32>
    %get3A_2 = arith.constant 0 : index
    %get3A_3 = arith.constant 0 : index
    %get3A_4 = arith.constant 0 : index
    %get3A_5 = vector.load %arg6[%get3A_2, %get3A_3, %get3A_4] : memref<4x16x128xf32, #tpu.memory_space<vmem>>, vector<4x16x128xf32>
    %reshape3A = vector.shape_cast %get3A_5 : vector<4x16x128xf32> to vector<64x128xf32>
    %get3A_6 = arith.constant 0 : index
    %get3A_7 = arith.constant 0 : index
    %get3A_8 = arith.constant 0 : index
    %get3A_9 = vector.load %arg7[%get3A_6, %get3A_7, %get3A_8] : memref<4x16x128xf32, #tpu.memory_space<vmem>>, vector<4x16x128xf32>
    %reshape3A_10 = vector.shape_cast %get3A_9 : vector<4x16x128xf32> to vector<64x128xf32>
    %get3A_11 = arith.constant 0 : index
    %get3A_12 = arith.constant 0 : index
    %get3A_13 = arith.constant 0 : index
    %get3A_14 = vector.load %arg1[%get3A_11, %get3A_12, %get3A_13] : memref<4x800x128xf32, #tpu.memory_space<vmem>>, vector<4x800x128xf32>
    %reshape3A_15 = vector.shape_cast %get3A_14 : vector<4x800x128xf32> to vector<3200x128xf32>
    %get3A_16 = arith.constant 0 : index
    %get3A_17 = arith.constant 0 : index
    %get3A_18 = arith.constant 0 : index
    %get3A_19 = vector.load %arg4[%get3A_16, %get3A_17, %get3A_18] : memref<4x800x128xf32, #tpu.memory_space<vmem>>, vector<4x800x128xf32>
    %reshape3A_20 = vector.shape_cast %get3A_19 : vector<4x800x128xf32> to vector<3200x128xf32>
    %get3A_21 = arith.constant 0 : index
    %get3A_22 = arith.constant 0 : index
    %get3A_23 = vector.load %arg9[%get3A_21, %get3A_22] : memref<128x128xf32, #tpu.memory_space<vmem>>, vector<128x128xf32>
    %dot_general3A = arith.constant dense<0.000000e+00> : vector<3200x128xf32>
    %dot_general3A_24 = tpu.matmul %reshape3A_15, %get3A_23, %dot_general3A {dimension_numbers = #tpu.dot_dimension_numbers<[1], [0], [0], [1], [0, 0, 1, 1], [], []>, transpose_lhs_hint = false} : vector<3200x128xf32>, vector<128x128xf32>, vector<3200x128xf32> -> vector<3200x128xf32>
    %get3A_25 = arith.constant 0 : index
    %get3A_26 = arith.constant 0 : index
    %get3A_27 = vector.load %arg10[%get3A_25, %get3A_26] : memref<128x128xf32, #tpu.memory_space<vmem>>, vector<128x128xf32>
    %dot_general3A_28 = arith.constant dense<0.000000e+00> : vector<3200x128xf32>
    %dot_general3A_29 = tpu.matmul %reshape3A_20, %get3A_27, %dot_general3A_28 {dimension_numbers = #tpu.dot_dimension_numbers<[1], [0], [0], [1], [0, 0, 1, 1], [], []>, transpose_lhs_hint = false} : vector<3200x128xf32>, vector<128x128xf32>, vector<3200x128xf32> -> vector<3200x128xf32>
    %add3A = arith.addf %dot_general3A_24, %dot_general3A_29 : vector<3200x128xf32>
    %get3A_30 = arith.constant 0 : index
    %get3A_31 = arith.constant 0 : index
    %get3A_32 = vector.load %arg11[%get3A_30, %get3A_31] : memref<1x128xf32, #tpu.memory_space<vmem>>, vector<1x128xf32>
    %add3A_33 = vector.broadcast %get3A_32 : vector<1x128xf32> to vector<3200x128xf32>
    %add3A_34 = arith.addf %add3A, %add3A_33 : vector<3200x128xf32>
    %max3A = arith.constant 0.000000e+00 : f32
    %max3A_35 = vector.broadcast %max3A : f32 to vector<3200x128xf32>
    %max3A_36 = arith.maximumf %add3A_34, %max3A_35 : vector<3200x128xf32>
    %get3A_37 = arith.constant 0 : index
    %get3A_38 = arith.constant 0 : index
    %get3A_39 = vector.load %arg12[%get3A_37, %get3A_38] : memref<128x128xf32, #tpu.memory_space<vmem>>, vector<128x128xf32>
    %dot_general3A_40 = arith.constant dense<0.000000e+00> : vector<3200x128xf32>
    %dot_general3A_41 = tpu.matmul %max3A_36, %get3A_39, %dot_general3A_40 {dimension_numbers = #tpu.dot_dimension_numbers<[1], [0], [0], [1], [0, 0, 1, 1], [], []>, transpose_lhs_hint = false} : vector<3200x128xf32>, vector<128x128xf32>, vector<3200x128xf32> -> vector<3200x128xf32>
    %get3A_42 = arith.constant 0 : index
    %get3A_43 = arith.constant 0 : index
    %get3A_44 = vector.load %arg13[%get3A_42, %get3A_43] : memref<1x128xf32, #tpu.memory_space<vmem>>, vector<1x128xf32>
    %add3A_45 = vector.broadcast %get3A_44 : vector<1x128xf32> to vector<3200x128xf32>
    %add3A_46 = arith.addf %dot_general3A_41, %add3A_45 : vector<3200x128xf32>
    %max3A_47 = arith.constant 0.000000e+00 : f32
    %max3A_48 = vector.broadcast %max3A_47 : f32 to vector<3200x128xf32>
    %max3A_49 = arith.maximumf %add3A_46, %max3A_48 : vector<3200x128xf32>
    %get3A_50 = arith.constant 0 : index
    %get3A_51 = arith.constant 0 : index
    %get3A_52 = vector.load %arg14[%get3A_50, %get3A_51] : memref<128x128xf32, #tpu.memory_space<vmem>>, vector<128x128xf32>
    %dot_general3A_53 = arith.constant dense<0.000000e+00> : vector<3200x128xf32>
    %dot_general3A_54 = tpu.matmul %max3A_49, %get3A_52, %dot_general3A_53 {dimension_numbers = #tpu.dot_dimension_numbers<[1], [0], [0], [1], [0, 0, 1, 1], [], []>, transpose_lhs_hint = false} : vector<3200x128xf32>, vector<128x128xf32>, vector<3200x128xf32> -> vector<3200x128xf32>
    %get3A_55 = arith.constant 0 : index
    %get3A_56 = arith.constant 0 : index
    %get3A_57 = vector.load %arg15[%get3A_55, %get3A_56] : memref<1x128xf32, #tpu.memory_space<vmem>>, vector<1x128xf32>
    %add3A_58 = vector.broadcast %get3A_57 : vector<1x128xf32> to vector<3200x128xf32>
    %add3A_59 = arith.addf %dot_general3A_54, %add3A_58 : vector<3200x128xf32>
    %get3A_60 = arith.constant 0 : index
    %get3A_61 = arith.constant 0 : index
    %get3A_62 = vector.load %arg17[%get3A_60, %get3A_61] : memref<128x128xf32, #tpu.memory_space<vmem>>, vector<128x128xf32>
    %dot_general3A_63 = arith.constant dense<0.000000e+00> : vector<64x128xf32>
    %dot_general3A_64 = tpu.matmul %reshape3A, %get3A_62, %dot_general3A_63 {dimension_numbers = #tpu.dot_dimension_numbers<[1], [0], [0], [1], [0, 0, 1, 1], [], []>, transpose_lhs_hint = false} : vector<64x128xf32>, vector<128x128xf32>, vector<64x128xf32> -> vector<64x128xf32>
    %get3A_65 = arith.constant 0 : index
    %get3A_66 = arith.constant 0 : index
    %get3A_67 = vector.load %arg18[%get3A_65, %get3A_66] : memref<1x128xf32, #tpu.memory_space<vmem>>, vector<1x128xf32>
    %add3A_68 = vector.broadcast %get3A_67 : vector<1x128xf32> to vector<64x128xf32>
    %add3A_69 = arith.addf %dot_general3A_64, %add3A_68 : vector<64x128xf32>
    %reshape3A_70 = vector.shape_cast %add3A_69 : vector<64x128xf32> to vector<4x1x16x128xf32>
    %get3A_71 = arith.constant 0 : index
    %get3A_72 = arith.constant 0 : index
    %get3A_73 = vector.load %arg16[%get3A_71, %get3A_72] : memref<128x128xf32, #tpu.memory_space<vmem>>, vector<128x128xf32>
    %dot_general3A_74 = arith.constant dense<0.000000e+00> : vector<3200x128xf32>
    %dot_general3A_75 = tpu.matmul %add3A_59, %get3A_73, %dot_general3A_74 {dimension_numbers = #tpu.dot_dimension_numbers<[1], [0], [0], [1], [0, 0, 1, 1], [], []>, transpose_lhs_hint = false} : vector<3200x128xf32>, vector<128x128xf32>, vector<3200x128xf32> -> vector<3200x128xf32>
    %reshape3A_76 = vector.shape_cast %dot_general3A_75 : vector<3200x128xf32> to vector<4x50x16x128xf32>
    %add3A_77 = vector.broadcast %reshape3A_70 : vector<4x1x16x128xf32> to vector<4x50x16x128xf32>
    %add3A_78 = arith.addf %reshape3A_76, %add3A_77 : vector<4x50x16x128xf32>
    %max3A_79 = arith.constant 0.000000e+00 : f32
    %max3A_80 = vector.broadcast %max3A_79 : f32 to vector<4x50x16x128xf32>
    %max3A_81 = arith.maximumf %add3A_78, %max3A_80 : vector<4x50x16x128xf32>
    %reshape3A_82 = vector.shape_cast %max3A_81 : vector<4x50x16x128xf32> to vector<3200x128xf32>
    %get3A_83 = arith.constant 0 : index
    %get3A_84 = arith.constant 0 : index
    %get3A_85 = vector.load %arg19[%get3A_83, %get3A_84] : memref<128x128xf32, #tpu.memory_space<vmem>>, vector<128x128xf32>
    %dot_general3A_86 = arith.constant dense<0.000000e+00> : vector<3200x128xf32>
    %dot_general3A_87 = tpu.matmul %reshape3A_82, %get3A_85, %dot_general3A_86 {dimension_numbers = #tpu.dot_dimension_numbers<[1], [0], [0], [1], [0, 0, 1, 1], [], []>, transpose_lhs_hint = false} : vector<3200x128xf32>, vector<128x128xf32>, vector<3200x128xf32> -> vector<3200x128xf32>
    %get3A_88 = arith.constant 0 : index
    %get3A_89 = arith.constant 0 : index
    %get3A_90 = vector.load %arg20[%get3A_88, %get3A_89] : memref<1x128xf32, #tpu.memory_space<vmem>>, vector<1x128xf32>
    %add3A_91 = vector.broadcast %get3A_90 : vector<1x128xf32> to vector<3200x128xf32>
    %add3A_92 = arith.addf %dot_general3A_87, %add3A_91 : vector<3200x128xf32>
    %max3A_93 = arith.constant 0.000000e+00 : f32
    %max3A_94 = vector.broadcast %max3A_93 : f32 to vector<3200x128xf32>
    %max3A_95 = arith.maximumf %add3A_92, %max3A_94 : vector<3200x128xf32>
    %get3A_96 = arith.constant 0 : index
    %get3A_97 = arith.constant 0 : index
    %get3A_98 = vector.load %arg21[%get3A_96, %get3A_97] : memref<128x8xf32, #tpu.memory_space<vmem>>, vector<128x8xf32>
    %dot_general3A_99 = arith.constant dense<0.000000e+00> : vector<3200x8xf32>
    %dot_general3A_100 = tpu.matmul %max3A_95, %get3A_98, %dot_general3A_99 {dimension_numbers = #tpu.dot_dimension_numbers<[1], [0], [0], [1], [0, 0, 1, 1], [], []>, transpose_lhs_hint = false} : vector<3200x128xf32>, vector<128x8xf32>, vector<3200x8xf32> -> vector<3200x8xf32>
    %get3A_101 = arith.constant 0 : index
    %get3A_102 = arith.constant 0 : index
    %get3A_103 = vector.load %arg22[%get3A_101, %get3A_102] : memref<1x8xf32, #tpu.memory_space<vmem>>, vector<1x8xf32>
    %add3A_104 = vector.broadcast %get3A_103 : vector<1x8xf32> to vector<3200x8xf32>
    %add3A_105 = arith.addf %dot_general3A_100, %add3A_104 : vector<3200x8xf32>
    %reshape3A_106 = vector.shape_cast %add3A_105 : vector<3200x8xf32> to vector<4x50x16x8xf32>
    %reduce_max3A = arith.constant dense<0xFF800000> : vector<4x16x8xf32>
    %reduce_max3A_107 = vector.multi_reduction <maximumf>, %reshape3A_106, %reduce_max3A [1] : vector<4x50x16x8xf32> to vector<4x16x8xf32>
    %max3A_108 = arith.constant 0xFF800000 : f32
    %max3A_109 = vector.broadcast %max3A_108 : f32 to vector<4x16x8xf32>
    %max3A_110 = arith.maximumf %max3A_109, %reduce_max3A_107 : vector<4x16x8xf32>
    %broadcast_in_dim3A = vector.shape_cast %max3A_110 : vector<4x16x8xf32> to vector<4x1x16x8xf32>
    %sub3A = vector.broadcast %broadcast_in_dim3A : vector<4x1x16x8xf32> to vector<4x50x16x8xf32>
    %sub3A_111 = arith.subf %reshape3A_106, %sub3A : vector<4x50x16x8xf32>
    %exp3A = math.exp %sub3A_111 : vector<4x50x16x8xf32>
    %reduce_sum3A = arith.constant dense<0.000000e+00> : vector<4x16x8xf32>
    %reduce_sum3A_112 = vector.multi_reduction <add>, %exp3A, %reduce_sum3A [1] : vector<4x50x16x8xf32> to vector<4x16x8xf32>
    %broadcast_in_dim3A_113 = vector.shape_cast %reduce_sum3A_112 : vector<4x16x8xf32> to vector<4x1x16x8xf32>
    %div3A = vector.broadcast %broadcast_in_dim3A_113 : vector<4x1x16x8xf32> to vector<4x50x16x8xf32>
    %div3A_114 = arith.divf %exp3A, %div3A : vector<4x50x16x8xf32>
    %reshape3A_115 = vector.shape_cast %div3A_114 : vector<4x50x16x8xf32> to vector<3200x8xf32>
    %dot_general3A_116 = arith.constant dense<0.000000e+00> : vector<3200x128xf32>
    %dot_general3A_117 = tpu.matmul %reshape3A_115, %get3A_1, %dot_general3A_116 {dimension_numbers = #tpu.dot_dimension_numbers<[1], [0], [0], [1], [0, 0, 1, 1], [], []>, precision = #tpu.contract_precision<fp32>, transpose_lhs_hint = false} : vector<3200x8xf32>, vector<8x128xf32>, vector<3200x128xf32> -> vector<3200x128xf32>
    %mul3A = arith.mulf %add3A_59, %dot_general3A_117 : vector<3200x128xf32>
    %reshape3A_118 = vector.shape_cast %mul3A : vector<3200x128xf32> to vector<4x50x16x128xf32>
    %reduce_sum3A_119 = arith.constant dense<0.000000e+00> : vector<4x16x128xf32>
    %reduce_sum3A_120 = vector.multi_reduction <add>, %reshape3A_118, %reduce_sum3A_119 [1] : vector<4x50x16x128xf32> to vector<4x16x128xf32>
    %reshape3A_121 = vector.shape_cast %reduce_sum3A_120 : vector<4x16x128xf32> to vector<64x128xf32>
    %get3A_122 = arith.constant 0 : index
    %get3A_123 = arith.constant 0 : index
    %get3A_124 = vector.load %arg51[%get3A_122, %get3A_123] : memref<128x128xf32, #tpu.memory_space<vmem>>, vector<128x128xf32>
    %dot_general3A_125 = arith.constant dense<0.000000e+00> : vector<64x128xf32>
    %dot_general3A_126 = tpu.matmul %reshape3A_121, %get3A_124, %dot_general3A_125 {dimension_numbers = #tpu.dot_dimension_numbers<[1], [0], [0], [1], [0, 0, 1, 1], [], []>, transpose_lhs_hint = false} : vector<64x128xf32>, vector<128x128xf32>, vector<64x128xf32> -> vector<64x128xf32>
    %get3A_127 = arith.constant 0 : index
    %get3A_128 = arith.constant 0 : index
    %get3A_129 = vector.load %arg52[%get3A_127, %get3A_128] : memref<1x128xf32, #tpu.memory_space<vmem>>, vector<1x128xf32>
    %add3A_130 = vector.broadcast %get3A_129 : vector<1x128xf32> to vector<64x128xf32>
    %add3A_131 = arith.addf %dot_general3A_126, %add3A_130 : vector<64x128xf32>
    %max3A_132 = arith.constant 0.000000e+00 : f32
    %max3A_133 = vector.broadcast %max3A_132 : f32 to vector<64x128xf32>
    %max3A_134 = arith.maximumf %add3A_131, %max3A_133 : vector<64x128xf32>
    %get3A_135 = arith.constant 0 : index
    %get3A_136 = arith.constant 0 : index
    %get3A_137 = vector.load %arg53[%get3A_135, %get3A_136] : memref<128x128xf32, #tpu.memory_space<vmem>>, vector<128x128xf32>
    %dot_general3A_138 = arith.constant dense<0.000000e+00> : vector<64x128xf32>
    %dot_general3A_139 = tpu.matmul %max3A_134, %get3A_137, %dot_general3A_138 {dimension_numbers = #tpu.dot_dimension_numbers<[1], [0], [0], [1], [0, 0, 1, 1], [], []>, transpose_lhs_hint = false} : vector<64x128xf32>, vector<128x128xf32>, vector<64x128xf32> -> vector<64x128xf32>
    %get3A_140 = arith.constant 0 : index
    %get3A_141 = arith.constant 0 : index
    %get3A_142 = vector.load %arg54[%get3A_140, %get3A_141] : memref<1x128xf32, #tpu.memory_space<vmem>>, vector<1x128xf32>
    %add3A_143 = vector.broadcast %get3A_142 : vector<1x128xf32> to vector<64x128xf32>
    %add3A_144 = arith.addf %dot_general3A_139, %add3A_143 : vector<64x128xf32>
    %max3A_145 = arith.constant 0.000000e+00 : f32
    %max3A_146 = vector.broadcast %max3A_145 : f32 to vector<64x128xf32>
    %max3A_147 = arith.maximumf %add3A_144, %max3A_146 : vector<64x128xf32>
    %swap3A = arith.constant 0 : index
    %swap3A_148 = arith.constant 0 : index
    %swap3A_149 = vector.load %arg56[%swap3A, %swap3A_148] : memref<64x128xf32, #tpu.memory_space<vmem>>, vector<64x128xf32>
    tpu.vector_store %arg56[%swap3A, %swap3A_148], %max3A_147 {strides = array<i32>} : memref<64x128xf32, #tpu.memory_space<vmem>>, vector<64x128xf32>,
    %get3A_150 = arith.constant 0 : index
    %get3A_151 = arith.constant 0 : index
    %get3A_152 = arith.constant 0 : index
    %get3A_153 = vector.load %arg2[%get3A_150, %get3A_151, %get3A_152] : memref<4x800x128xf32, #tpu.memory_space<vmem>>, vector<4x800x128xf32>
    %reshape3A_154 = vector.shape_cast %get3A_153 : vector<4x800x128xf32> to vector<3200x128xf32>
    %get3A_155 = arith.constant 0 : index
    %get3A_156 = arith.constant 0 : index
    %get3A_157 = arith.constant 0 : index
    %get3A_158 = vector.load %arg5[%get3A_155, %get3A_156, %get3A_157] : memref<4x800x128xf32, #tpu.memory_space<vmem>>, vector<4x800x128xf32>
    %reshape3A_159 = vector.shape_cast %get3A_158 : vector<4x800x128xf32> to vector<3200x128xf32>
    %get3A_160 = arith.constant 0 : index
    %get3A_161 = arith.constant 0 : index
    %get3A_162 = vector.load %arg23[%get3A_160, %get3A_161] : memref<128x128xf32, #tpu.memory_space<vmem>>, vector<128x128xf32>
    %dot_general3A_163 = arith.constant dense<0.000000e+00> : vector<3200x128xf32>
    %dot_general3A_164 = tpu.matmul %reshape3A_154, %get3A_162, %dot_general3A_163 {dimension_numbers = #tpu.dot_dimension_numbers<[1], [0], [0], [1], [0, 0, 1, 1], [], []>, transpose_lhs_hint = false} : vector<3200x128xf32>, vector<128x128xf32>, vector<3200x128xf32> -> vector<3200x128xf32>
    %get3A_165 = arith.constant 0 : index
    %get3A_166 = arith.constant 0 : index
    %get3A_167 = vector.load %arg24[%get3A_165, %get3A_166] : memref<128x128xf32, #tpu.memory_space<vmem>>, vector<128x128xf32>
    %dot_general3A_168 = arith.constant dense<0.000000e+00> : vector<3200x128xf32>
    %dot_general3A_169 = tpu.matmul %reshape3A_159, %get3A_167, %dot_general3A_168 {dimension_numbers = #tpu.dot_dimension_numbers<[1], [0], [0], [1], [0, 0, 1, 1], [], []>, transpose_lhs_hint = false} : vector<3200x128xf32>, vector<128x128xf32>, vector<3200x128xf32> -> vector<3200x128xf32>
    %add3A_170 = arith.addf %dot_general3A_164, %dot_general3A_169 : vector<3200x128xf32>
    %get3A_171 = arith.constant 0 : index
    %get3A_172 = arith.constant 0 : index
    %get3A_173 = vector.load %arg25[%get3A_171, %get3A_172] : memref<1x128xf32, #tpu.memory_space<vmem>>, vector<1x128xf32>
    %add3A_174 = vector.broadcast %get3A_173 : vector<1x128xf32> to vector<3200x128xf32>
    %add3A_175 = arith.addf %add3A_170, %add3A_174 : vector<3200x128xf32>
    %max3A_176 = arith.constant 0.000000e+00 : f32
    %max3A_177 = vector.broadcast %max3A_176 : f32 to vector<3200x128xf32>
    %max3A_178 = arith.maximumf %add3A_175, %max3A_177 : vector<3200x128xf32>
    %get3A_179 = arith.constant 0 : index
    %get3A_180 = arith.constant 0 : index
    %get3A_181 = vector.load %arg26[%get3A_179, %get3A_180] : memref<128x128xf32, #tpu.memory_space<vmem>>, vector<128x128xf32>
    %dot_general3A_182 = arith.constant dense<0.000000e+00> : vector<3200x128xf32>
    %dot_general3A_183 = tpu.matmul %max3A_178, %get3A_181, %dot_general3A_182 {dimension_numbers = #tpu.dot_dimension_numbers<[1], [0], [0], [1], [0, 0, 1, 1], [], []>, transpose_lhs_hint = false} : vector<3200x128xf32>, vector<128x128xf32>, vector<3200x128xf32> -> vector<3200x128xf32>
    %get3A_184 = arith.constant 0 : index
    %get3A_185 = arith.constant 0 : index
    %get3A_186 = vector.load %arg27[%get3A_184, %get3A_185] : memref<1x128xf32, #tpu.memory_space<vmem>>, vector<1x128xf32>
    %add3A_187 = vector.broadcast %get3A_186 : vector<1x128xf32> to vector<3200x128xf32>
    %add3A_188 = arith.addf %dot_general3A_183, %add3A_187 : vector<3200x128xf32>
    %max3A_189 = arith.constant 0.000000e+00 : f32
    %max3A_190 = vector.broadcast %max3A_189 : f32 to vector<3200x128xf32>
    %max3A_191 = arith.maximumf %add3A_188, %max3A_190 : vector<3200x128xf32>
    %get3A_192 = arith.constant 0 : index
    %get3A_193 = arith.constant 0 : index
    %get3A_194 = vector.load %arg28[%get3A_192, %get3A_193] : memref<128x128xf32, #tpu.memory_space<vmem>>, vector<128x128xf32>
    %dot_general3A_195 = arith.constant dense<0.000000e+00> : vector<3200x128xf32>
    %dot_general3A_196 = tpu.matmul %max3A_191, %get3A_194, %dot_general3A_195 {dimension_numbers = #tpu.dot_dimension_numbers<[1], [0], [0], [1], [0, 0, 1, 1], [], []>, transpose_lhs_hint = false} : vector<3200x128xf32>, vector<128x128xf32>, vector<3200x128xf32> -> vector<3200x128xf32>
    %get3A_197 = arith.constant 0 : index
    %get3A_198 = arith.constant 0 : index
    %get3A_199 = vector.load %arg29[%get3A_197, %get3A_198] : memref<1x128xf32, #tpu.memory_space<vmem>>, vector<1x128xf32>
    %add3A_200 = vector.broadcast %get3A_199 : vector<1x128xf32> to vector<3200x128xf32>
    %add3A_201 = arith.addf %dot_general3A_196, %add3A_200 : vector<3200x128xf32>
    %get3A_202 = arith.constant 0 : index
    %get3A_203 = arith.constant 0 : index
    %get3A_204 = vector.load %arg31[%get3A_202, %get3A_203] : memref<128x128xf32, #tpu.memory_space<vmem>>, vector<128x128xf32>
    %dot_general3A_205 = arith.constant dense<0.000000e+00> : vector<64x128xf32>
    %dot_general3A_206 = tpu.matmul %reshape3A_10, %get3A_204, %dot_general3A_205 {dimension_numbers = #tpu.dot_dimension_numbers<[1], [0], [0], [1], [0, 0, 1, 1], [], []>, transpose_lhs_hint = false} : vector<64x128xf32>, vector<128x128xf32>, vector<64x128xf32> -> vector<64x128xf32>
    %get3A_207 = arith.constant 0 : index
    %get3A_208 = arith.constant 0 : index
    %get3A_209 = vector.load %arg32[%get3A_207, %get3A_208] : memref<1x128xf32, #tpu.memory_space<vmem>>, vector<1x128xf32>
    %add3A_210 = vector.broadcast %get3A_209 : vector<1x128xf32> to vector<64x128xf32>
    %add3A_211 = arith.addf %dot_general3A_206, %add3A_210 : vector<64x128xf32>
    %reshape3A_212 = vector.shape_cast %add3A_211 : vector<64x128xf32> to vector<4x1x16x128xf32>
    %get3A_213 = arith.constant 0 : index
    %get3A_214 = arith.constant 0 : index
    %get3A_215 = vector.load %arg30[%get3A_213, %get3A_214] : memref<128x128xf32, #tpu.memory_space<vmem>>, vector<128x128xf32>
    %dot_general3A_216 = arith.constant dense<0.000000e+00> : vector<3200x128xf32>
    %dot_general3A_217 = tpu.matmul %add3A_201, %get3A_215, %dot_general3A_216 {dimension_numbers = #tpu.dot_dimension_numbers<[1], [0], [0], [1], [0, 0, 1, 1], [], []>, transpose_lhs_hint = false} : vector<3200x128xf32>, vector<128x128xf32>, vector<3200x128xf32> -> vector<3200x128xf32>
    %reshape3A_218 = vector.shape_cast %dot_general3A_217 : vector<3200x128xf32> to vector<4x50x16x128xf32>
    %add3A_219 = vector.broadcast %reshape3A_212 : vector<4x1x16x128xf32> to vector<4x50x16x128xf32>
    %add3A_220 = arith.addf %reshape3A_218, %add3A_219 : vector<4x50x16x128xf32>
    %max3A_221 = arith.constant 0.000000e+00 : f32
    %max3A_222 = vector.broadcast %max3A_221 : f32 to vector<4x50x16x128xf32>
    %max3A_223 = arith.maximumf %add3A_220, %max3A_222 : vector<4x50x16x128xf32>
    %reshape3A_224 = vector.shape_cast %max3A_223 : vector<4x50x16x128xf32> to vector<3200x128xf32>
    %get3A_225 = arith.constant 0 : index
    %get3A_226 = arith.constant 0 : index
    %get3A_227 = vector.load %arg33[%get3A_225, %get3A_226] : memref<128x128xf32, #tpu.memory_space<vmem>>, vector<128x128xf32>
    %dot_general3A_228 = arith.constant dense<0.000000e+00> : vector<3200x128xf32>
    %dot_general3A_229 = tpu.matmul %reshape3A_224, %get3A_227, %dot_general3A_228 {dimension_numbers = #tpu.dot_dimension_numbers<[1], [0], [0], [1], [0, 0, 1, 1], [], []>, transpose_lhs_hint = false} : vector<3200x128xf32>, vector<128x128xf32>, vector<3200x128xf32> -> vector<3200x128xf32>
    %get3A_230 = arith.constant 0 : index
    %get3A_231 = arith.constant 0 : index
    %get3A_232 = vector.load %arg34[%get3A_230, %get3A_231] : memref<1x128xf32, #tpu.memory_space<vmem>>, vector<1x128xf32>
    %add3A_233 = vector.broadcast %get3A_232 : vector<1x128xf32> to vector<3200x128xf32>
    %add3A_234 = arith.addf %dot_general3A_229, %add3A_233 : vector<3200x128xf32>
    %max3A_235 = arith.constant 0.000000e+00 : f32
    %max3A_236 = vector.broadcast %max3A_235 : f32 to vector<3200x128xf32>
    %max3A_237 = arith.maximumf %add3A_234, %max3A_236 : vector<3200x128xf32>
    %get3A_238 = arith.constant 0 : index
    %get3A_239 = arith.constant 0 : index
    %get3A_240 = vector.load %arg35[%get3A_238, %get3A_239] : memref<128x8xf32, #tpu.memory_space<vmem>>, vector<128x8xf32>
    %dot_general3A_241 = arith.constant dense<0.000000e+00> : vector<3200x8xf32>
    %dot_general3A_242 = tpu.matmul %max3A_237, %get3A_240, %dot_general3A_241 {dimension_numbers = #tpu.dot_dimension_numbers<[1], [0], [0], [1], [0, 0, 1, 1], [], []>, transpose_lhs_hint = false} : vector<3200x128xf32>, vector<128x8xf32>, vector<3200x8xf32> -> vector<3200x8xf32>
    %get3A_243 = arith.constant 0 : index
    %get3A_244 = arith.constant 0 : index
    %get3A_245 = vector.load %arg36[%get3A_243, %get3A_244] : memref<1x8xf32, #tpu.memory_space<vmem>>, vector<1x8xf32>
    %add3A_246 = vector.broadcast %get3A_245 : vector<1x8xf32> to vector<3200x8xf32>
    %add3A_247 = arith.addf %dot_general3A_242, %add3A_246 : vector<3200x8xf32>
    %reshape3A_248 = vector.shape_cast %add3A_247 : vector<3200x8xf32> to vector<4x50x16x8xf32>
    %reduce_max3A_249 = arith.constant dense<0xFF800000> : vector<4x16x8xf32>
    %reduce_max3A_250 = vector.multi_reduction <maximumf>, %reshape3A_248, %reduce_max3A_249 [1] : vector<4x50x16x8xf32> to vector<4x16x8xf32>
    %max3A_251 = arith.constant 0xFF800000 : f32
    %max3A_252 = vector.broadcast %max3A_251 : f32 to vector<4x16x8xf32>
    %max3A_253 = arith.maximumf %max3A_252, %reduce_max3A_250 : vector<4x16x8xf32>
    %broadcast_in_dim3A_254 = vector.shape_cast %max3A_253 : vector<4x16x8xf32> to vector<4x1x16x8xf32>
    %sub3A_255 = vector.broadcast %broadcast_in_dim3A_254 : vector<4x1x16x8xf32> to vector<4x50x16x8xf32>
    %sub3A_256 = arith.subf %reshape3A_248, %sub3A_255 : vector<4x50x16x8xf32>
    %exp3A_257 = math.exp %sub3A_256 : vector<4x50x16x8xf32>
    %reduce_sum3A_258 = arith.constant dense<0.000000e+00> : vector<4x16x8xf32>
    %reduce_sum3A_259 = vector.multi_reduction <add>, %exp3A_257, %reduce_sum3A_258 [1] : vector<4x50x16x8xf32> to vector<4x16x8xf32>
    %broadcast_in_dim3A_260 = vector.shape_cast %reduce_sum3A_259 : vector<4x16x8xf32> to vector<4x1x16x8xf32>
    %div3A_261 = vector.broadcast %broadcast_in_dim3A_260 : vector<4x1x16x8xf32> to vector<4x50x16x8xf32>
    %div3A_262 = arith.divf %exp3A_257, %div3A_261 : vector<4x50x16x8xf32>
    %reshape3A_263 = vector.shape_cast %div3A_262 : vector<4x50x16x8xf32> to vector<3200x8xf32>
    %dot_general3A_264 = arith.constant dense<0.000000e+00> : vector<3200x128xf32>
    %dot_general3A_265 = tpu.matmul %reshape3A_263, %get3A_1, %dot_general3A_264 {dimension_numbers = #tpu.dot_dimension_numbers<[1], [0], [0], [1], [0, 0, 1, 1], [], []>, precision = #tpu.contract_precision<fp32>, transpose_lhs_hint = false} : vector<3200x8xf32>, vector<8x128xf32>, vector<3200x128xf32> -> vector<3200x128xf32>
    %mul3A_266 = arith.mulf %add3A_201, %dot_general3A_265 : vector<3200x128xf32>
    %reshape3A_267 = vector.shape_cast %mul3A_266 : vector<3200x128xf32> to vector<4x50x16x128xf32>
    %reduce_sum3A_268 = arith.constant dense<0.000000e+00> : vector<4x16x128xf32>
    %reduce_sum3A_269 = vector.multi_reduction <add>, %reshape3A_267, %reduce_sum3A_268 [1] : vector<4x50x16x128xf32> to vector<4x16x128xf32>
    %reshape3A_270 = vector.shape_cast %reduce_sum3A_269 : vector<4x16x128xf32> to vector<64x128xf32>
    %get3A_271 = arith.constant 0 : index
    %get3A_272 = arith.constant 0 : index
    %get3A_273 = arith.constant 0 : index
    %get3A_274 = vector.load %arg3[%get3A_271, %get3A_272, %get3A_273] : memref<4x800x128xf32, #tpu.memory_space<vmem>>, vector<4x800x128xf32>
    %reshape3A_275 = vector.shape_cast %get3A_274 : vector<4x800x128xf32> to vector<3200x128xf32>
    %get3A_276 = arith.constant 0 : index
    %get3A_277 = arith.constant 0 : index
    %get3A_278 = vector.load %arg38[%get3A_276, %get3A_277] : memref<128x128xf32, #tpu.memory_space<vmem>>, vector<128x128xf32>
    %dot_general3A_279 = arith.constant dense<0.000000e+00> : vector<64x128xf32>
    %dot_general3A_280 = tpu.matmul %reshape3A_10, %get3A_278, %dot_general3A_279 {dimension_numbers = #tpu.dot_dimension_numbers<[1], [0], [0], [1], [0, 0, 1, 1], [], []>, transpose_lhs_hint = false} : vector<64x128xf32>, vector<128x128xf32>, vector<64x128xf32> -> vector<64x128xf32>
    %get3A_281 = arith.constant 0 : index
    %get3A_282 = arith.constant 0 : index
    %get3A_283 = vector.load %arg39[%get3A_281, %get3A_282] : memref<1x128xf32, #tpu.memory_space<vmem>>, vector<1x128xf32>
    %add3A_284 = vector.broadcast %get3A_283 : vector<1x128xf32> to vector<64x128xf32>
    %add3A_285 = arith.addf %dot_general3A_280, %add3A_284 : vector<64x128xf32>
    %reshape3A_286 = vector.shape_cast %add3A_285 : vector<64x128xf32> to vector<4x1x16x128xf32>
    %get3A_287 = arith.constant 0 : index
    %get3A_288 = arith.constant 0 : index
    %get3A_289 = vector.load %arg37[%get3A_287, %get3A_288] : memref<128x128xf32, #tpu.memory_space<vmem>>, vector<128x128xf32>
    %dot_general3A_290 = arith.constant dense<0.000000e+00> : vector<3200x128xf32>
    %dot_general3A_291 = tpu.matmul %reshape3A_275, %get3A_289, %dot_general3A_290 {dimension_numbers = #tpu.dot_dimension_numbers<[1], [0], [0], [1], [0, 0, 1, 1], [], []>, transpose_lhs_hint = false} : vector<3200x128xf32>, vector<128x128xf32>, vector<3200x128xf32> -> vector<3200x128xf32>
    %reshape3A_292 = vector.shape_cast %dot_general3A_291 : vector<3200x128xf32> to vector<4x50x16x128xf32>
    %add3A_293 = vector.broadcast %reshape3A_286 : vector<4x1x16x128xf32> to vector<4x50x16x128xf32>
    %add3A_294 = arith.addf %reshape3A_292, %add3A_293 : vector<4x50x16x128xf32>
    %max3A_295 = arith.constant 0.000000e+00 : f32
    %max3A_296 = vector.broadcast %max3A_295 : f32 to vector<4x50x16x128xf32>
    %max3A_297 = arith.maximumf %add3A_294, %max3A_296 : vector<4x50x16x128xf32>
    %reshape3A_298 = vector.shape_cast %max3A_297 : vector<4x50x16x128xf32> to vector<3200x128xf32>
    %get3A_299 = arith.constant 0 : index
    %get3A_300 = arith.constant 0 : index
    %get3A_301 = vector.load %arg40[%get3A_299, %get3A_300] : memref<128x128xf32, #tpu.memory_space<vmem>>, vector<128x128xf32>
    %dot_general3A_302 = arith.constant dense<0.000000e+00> : vector<3200x128xf32>
    %dot_general3A_303 = tpu.matmul %reshape3A_298, %get3A_301, %dot_general3A_302 {dimension_numbers = #tpu.dot_dimension_numbers<[1], [0], [0], [1], [0, 0, 1, 1], [], []>, transpose_lhs_hint = false} : vector<3200x128xf32>, vector<128x128xf32>, vector<3200x128xf32> -> vector<3200x128xf32>
    %get3A_304 = arith.constant 0 : index
    %get3A_305 = arith.constant 0 : index
    %get3A_306 = vector.load %arg41[%get3A_304, %get3A_305] : memref<1x128xf32, #tpu.memory_space<vmem>>, vector<1x128xf32>
    %add3A_307 = vector.broadcast %get3A_306 : vector<1x128xf32> to vector<3200x128xf32>
    %add3A_308 = arith.addf %dot_general3A_303, %add3A_307 : vector<3200x128xf32>
    %max3A_309 = arith.constant 0.000000e+00 : f32
    %max3A_310 = vector.broadcast %max3A_309 : f32 to vector<3200x128xf32>
    %max3A_311 = arith.maximumf %add3A_308, %max3A_310 : vector<3200x128xf32>
    %get3A_312 = arith.constant 0 : index
    %get3A_313 = arith.constant 0 : index
    %get3A_314 = vector.load %arg42[%get3A_312, %get3A_313] : memref<128x8xf32, #tpu.memory_space<vmem>>, vector<128x8xf32>
    %dot_general3A_315 = arith.constant dense<0.000000e+00> : vector<3200x8xf32>
    %dot_general3A_316 = tpu.matmul %max3A_311, %get3A_314, %dot_general3A_315 {dimension_numbers = #tpu.dot_dimension_numbers<[1], [0], [0], [1], [0, 0, 1, 1], [], []>, transpose_lhs_hint = false} : vector<3200x128xf32>, vector<128x8xf32>, vector<3200x8xf32> -> vector<3200x8xf32>
    %get3A_317 = arith.constant 0 : index
    %get3A_318 = arith.constant 0 : index
    %get3A_319 = vector.load %arg43[%get3A_317, %get3A_318] : memref<1x8xf32, #tpu.memory_space<vmem>>, vector<1x8xf32>
    %add3A_320 = vector.broadcast %get3A_319 : vector<1x8xf32> to vector<3200x8xf32>
    %add3A_321 = arith.addf %dot_general3A_316, %add3A_320 : vector<3200x8xf32>
    %reshape3A_322 = vector.shape_cast %add3A_321 : vector<3200x8xf32> to vector<4x50x16x8xf32>
    %reduce_max3A_323 = arith.constant dense<0xFF800000> : vector<4x16x8xf32>
    %reduce_max3A_324 = vector.multi_reduction <maximumf>, %reshape3A_322, %reduce_max3A_323 [1] : vector<4x50x16x8xf32> to vector<4x16x8xf32>
    %max3A_325 = arith.constant 0xFF800000 : f32
    %max3A_326 = vector.broadcast %max3A_325 : f32 to vector<4x16x8xf32>
    %max3A_327 = arith.maximumf %max3A_326, %reduce_max3A_324 : vector<4x16x8xf32>
    %broadcast_in_dim3A_328 = vector.shape_cast %max3A_327 : vector<4x16x8xf32> to vector<4x1x16x8xf32>
    %sub3A_329 = vector.broadcast %broadcast_in_dim3A_328 : vector<4x1x16x8xf32> to vector<4x50x16x8xf32>
    %sub3A_330 = arith.subf %reshape3A_322, %sub3A_329 : vector<4x50x16x8xf32>
    %exp3A_331 = math.exp %sub3A_330 : vector<4x50x16x8xf32>
    %reduce_sum3A_332 = arith.constant dense<0.000000e+00> : vector<4x16x8xf32>
    %reduce_sum3A_333 = vector.multi_reduction <add>, %exp3A_331, %reduce_sum3A_332 [1] : vector<4x50x16x8xf32> to vector<4x16x8xf32>
    %broadcast_in_dim3A_334 = vector.shape_cast %reduce_sum3A_333 : vector<4x16x8xf32> to vector<4x1x16x8xf32>
    %div3A_335 = vector.broadcast %broadcast_in_dim3A_334 : vector<4x1x16x8xf32> to vector<4x50x16x8xf32>
    %div3A_336 = arith.divf %exp3A_331, %div3A_335 : vector<4x50x16x8xf32>
    %reshape3A_337 = vector.shape_cast %div3A_336 : vector<4x50x16x8xf32> to vector<3200x8xf32>
    %dot_general3A_338 = arith.constant dense<0.000000e+00> : vector<3200x128xf32>
    %dot_general3A_339 = tpu.matmul %reshape3A_337, %get3A_1, %dot_general3A_338 {dimension_numbers = #tpu.dot_dimension_numbers<[1], [0], [0], [1], [0, 0, 1, 1], [], []>, precision = #tpu.contract_precision<fp32>, transpose_lhs_hint = false} : vector<3200x8xf32>, vector<8x128xf32>, vector<3200x128xf32> -> vector<3200x128xf32>
    %mul3A_340 = arith.mulf %reshape3A_275, %dot_general3A_339 : vector<3200x128xf32>
    %reshape3A_341 = vector.shape_cast %mul3A_340 : vector<3200x128xf32> to vector<4x50x16x128xf32>
    %reduce_sum3A_342 = arith.constant dense<0.000000e+00> : vector<4x16x128xf32>
    %reduce_sum3A_343 = vector.multi_reduction <add>, %reshape3A_341, %reduce_sum3A_342 [1] : vector<4x50x16x128xf32> to vector<4x16x128xf32>
    %reshape3A_344 = vector.shape_cast %reduce_sum3A_343 : vector<4x16x128xf32> to vector<64x128xf32>
    %get3A_345 = arith.constant 0 : index
    %get3A_346 = arith.constant 0 : index
    %get3A_347 = vector.load %arg44[%get3A_345, %get3A_346] : memref<128x128xf32, #tpu.memory_space<vmem>>, vector<128x128xf32>
    %dot_general3A_348 = arith.constant dense<0.000000e+00> : vector<64x128xf32>
    %dot_general3A_349 = tpu.matmul %reshape3A_270, %get3A_347, %dot_general3A_348 {dimension_numbers = #tpu.dot_dimension_numbers<[1], [0], [0], [1], [0, 0, 1, 1], [], []>, transpose_lhs_hint = false} : vector<64x128xf32>, vector<128x128xf32>, vector<64x128xf32> -> vector<64x128xf32>
    %get3A_350 = arith.constant 0 : index
    %get3A_351 = arith.constant 0 : index
    %get3A_352 = vector.load %arg45[%get3A_350, %get3A_351] : memref<128x128xf32, #tpu.memory_space<vmem>>, vector<128x128xf32>
    %dot_general3A_353 = arith.constant dense<0.000000e+00> : vector<64x128xf32>
    %dot_general3A_354 = tpu.matmul %reshape3A_344, %get3A_352, %dot_general3A_353 {dimension_numbers = #tpu.dot_dimension_numbers<[1], [0], [0], [1], [0, 0, 1, 1], [], []>, transpose_lhs_hint = false} : vector<64x128xf32>, vector<128x128xf32>, vector<64x128xf32> -> vector<64x128xf32>
    %add3A_355 = arith.addf %dot_general3A_349, %dot_general3A_354 : vector<64x128xf32>
    %get3A_356 = arith.constant 0 : index
    %get3A_357 = arith.constant 0 : index
    %get3A_358 = vector.load %arg46[%get3A_356, %get3A_357] : memref<1x128xf32, #tpu.memory_space<vmem>>, vector<1x128xf32>
    %add3A_359 = vector.broadcast %get3A_358 : vector<1x128xf32> to vector<64x128xf32>
    %add3A_360 = arith.addf %add3A_355, %add3A_359 : vector<64x128xf32>
    %max3A_361 = arith.constant 0.000000e+00 : f32
    %max3A_362 = vector.broadcast %max3A_361 : f32 to vector<64x128xf32>
    %max3A_363 = arith.maximumf %add3A_360, %max3A_362 : vector<64x128xf32>
    %get3A_364 = arith.constant 0 : index
    %get3A_365 = arith.constant 0 : index
    %get3A_366 = vector.load %arg47[%get3A_364, %get3A_365] : memref<128x128xf32, #tpu.memory_space<vmem>>, vector<128x128xf32>
    %dot_general3A_367 = arith.constant dense<0.000000e+00> : vector<64x128xf32>
    %dot_general3A_368 = tpu.matmul %max3A_363, %get3A_366, %dot_general3A_367 {dimension_numbers = #tpu.dot_dimension_numbers<[1], [0], [0], [1], [0, 0, 1, 1], [], []>, transpose_lhs_hint = false} : vector<64x128xf32>, vector<128x128xf32>, vector<64x128xf32> -> vector<64x128xf32>
    %get3A_369 = arith.constant 0 : index
    %get3A_370 = arith.constant 0 : index
    %get3A_371 = vector.load %arg48[%get3A_369, %get3A_370] : memref<1x128xf32, #tpu.memory_space<vmem>>, vector<1x128xf32>
    %add3A_372 = vector.broadcast %get3A_371 : vector<1x128xf32> to vector<64x128xf32>
    %add3A_373 = arith.addf %dot_general3A_368, %add3A_372 : vector<64x128xf32>
    %max3A_374 = arith.constant 0.000000e+00 : f32
    %max3A_375 = vector.broadcast %max3A_374 : f32 to vector<64x128xf32>
    %max3A_376 = arith.maximumf %add3A_373, %max3A_375 : vector<64x128xf32>
    %get3A_377 = arith.constant 0 : index
    %get3A_378 = arith.constant 0 : index
    %get3A_379 = vector.load %arg49[%get3A_377, %get3A_378] : memref<128x128xf32, #tpu.memory_space<vmem>>, vector<128x128xf32>
    %dot_general3A_380 = arith.constant dense<0.000000e+00> : vector<64x128xf32>
    %dot_general3A_381 = tpu.matmul %max3A_376, %get3A_379, %dot_general3A_380 {dimension_numbers = #tpu.dot_dimension_numbers<[1], [0], [0], [1], [0, 0, 1, 1], [], []>, transpose_lhs_hint = false} : vector<64x128xf32>, vector<128x128xf32>, vector<64x128xf32> -> vector<64x128xf32>
    %get3A_382 = arith.constant 0 : index
    %get3A_383 = arith.constant 0 : index
    %get3A_384 = vector.load %arg50[%get3A_382, %get3A_383] : memref<1x128xf32, #tpu.memory_space<vmem>>, vector<1x128xf32>
    %add3A_385 = vector.broadcast %get3A_384 : vector<1x128xf32> to vector<64x128xf32>
    %add3A_386 = arith.addf %dot_general3A_381, %add3A_385 : vector<64x128xf32>
    %swap3A_387 = arith.constant 0 : index
    %swap3A_388 = arith.constant 0 : index
    %swap3A_389 = vector.load %arg55[%swap3A_387, %swap3A_388] : memref<64x128xf32, #tpu.memory_space<vmem>>, vector<64x128xf32>
    tpu.vector_store %arg55[%swap3A_387, %swap3A_388], %add3A_386 {strides = array<i32>} : memref<64x128xf32, #tpu.memory_space<vmem>>, vector<64x128xf32>,
    return
  }
  func.func @transform_0(%arg0: i32) -> (i32, i32, i32) {
    %c0_i32 = arith.constant 0 : i32
    %c0_i32_0 = arith.constant 0 : i32
    %c0_i32_1 = arith.constant 0 : i32
    return %arg0, %c0_i32, %c0_i32_0 : i32, i32, i32
  }
  func.func @transform_1(%arg0: i32) -> (i32, i32, i32) {
    %c0_i32 = arith.constant 0 : i32
    %c0_i32_0 = arith.constant 0 : i32
    %c0_i32_1 = arith.constant 0 : i32
    return %arg0, %c0_i32, %c0_i32_0 : i32, i32, i32
  }
  func.func @transform_2(%arg0: i32) -> (i32, i32, i32) {
    %c0_i32 = arith.constant 0 : i32
    %c0_i32_0 = arith.constant 0 : i32
    %c0_i32_1 = arith.constant 0 : i32
    return %arg0, %c0_i32, %c0_i32_0 : i32, i32, i32
  }
  func.func @transform_3(%arg0: i32) -> (i32, i32, i32) {
    %c0_i32 = arith.constant 0 : i32
    %c0_i32_0 = arith.constant 0 : i32
    %c0_i32_1 = arith.constant 0 : i32
    return %arg0, %c0_i32, %c0_i32_0 : i32, i32, i32
  }
  func.func @transform_4(%arg0: i32) -> (i32, i32, i32) {
    %c0_i32 = arith.constant 0 : i32
    %c0_i32_0 = arith.constant 0 : i32
    %c0_i32_1 = arith.constant 0 : i32
    return %arg0, %c0_i32, %c0_i32_0 : i32, i32, i32
  }
  func.func @transform_5(%arg0: i32) -> (i32, i32, i32) {
    %c0_i32 = arith.constant 0 : i32
    %c0_i32_0 = arith.constant 0 : i32
    %c0_i32_1 = arith.constant 0 : i32
    return %arg0, %c0_i32, %c0_i32_0 : i32, i32, i32
  }
  func.func @transform_6(%arg0: i32) -> (i32, i32, i32) {
    %c0_i32 = arith.constant 0 : i32
    %c0_i32_0 = arith.constant 0 : i32
    %c0_i32_1 = arith.constant 0 : i32
    return %arg0, %c0_i32, %c0_i32_0 : i32, i32, i32
  }
  func.func @transform_7(%arg0: i32) -> (i32, i32) {
    %c0_i32 = arith.constant 0 : i32
    %c0_i32_0 = arith.constant 0 : i32
    %c0_i32_1 = arith.constant 0 : i32
    return %c0_i32, %c0_i32_0 : i32, i32
  }
  func.func @transform_8(%arg0: i32) -> (i32, i32) {
    %c0_i32 = arith.constant 0 : i32
    %c0_i32_0 = arith.constant 0 : i32
    %c0_i32_1 = arith.constant 0 : i32
    return %c0_i32, %c0_i32_0 : i32, i32
  }
  func.func @transform_9(%arg0: i32) -> (i32, i32) {
    %c0_i32 = arith.constant 0 : i32
    %c0_i32_0 = arith.constant 0 : i32
    %c0_i32_1 = arith.constant 0 : i32
    return %c0_i32, %c0_i32_0 : i32, i32
  }
  func.func @transform_10(%arg0: i32) -> (i32, i32) {
    %c0_i32 = arith.constant 0 : i32
    %c0_i32_0 = arith.constant 0 : i32
    %c0_i32_1 = arith.constant 0 : i32
    return %c0_i32, %c0_i32_0 : i32, i32
  }
  func.func @transform_11(%arg0: i32) -> (i32, i32) {
    %c0_i32 = arith.constant 0 : i32
    %c0_i32_0 = arith.constant 0 : i32
    %c0_i32_1 = arith.constant 0 : i32
    return %c0_i32, %c0_i32_0 : i32, i32
  }
  func.func @transform_12(%arg0: i32) -> (i32, i32) {
    %c0_i32 = arith.constant 0 : i32
    %c0_i32_0 = arith.constant 0 : i32
    %c0_i32_1 = arith.constant 0 : i32
    return %c0_i32, %c0_i32_0 : i32, i32
  }
  func.func @transform_13(%arg0: i32) -> (i32, i32) {
    %c0_i32 = arith.constant 0 : i32
    %c0_i32_0 = arith.constant 0 : i32
    %c0_i32_1 = arith.constant 0 : i32
    return %c0_i32, %c0_i32_0 : i32, i32
  }
  func.func @transform_14(%arg0: i32) -> (i32, i32) {
    %c0_i32 = arith.constant 0 : i32
    %c0_i32_0 = arith.constant 0 : i32
    %c0_i32_1 = arith.constant 0 : i32
    return %c0_i32, %c0_i32_0 : i32, i32
  }
  func.func @transform_15(%arg0: i32) -> (i32, i32) {
    %c0_i32 = arith.constant 0 : i32
    %c0_i32_0 = arith.constant 0 : i32
    %c0_i32_1 = arith.constant 0 : i32
    return %c0_i32, %c0_i32_0 : i32, i32
  }
  func.func @transform_16(%arg0: i32) -> (i32, i32) {
    %c0_i32 = arith.constant 0 : i32
    %c0_i32_0 = arith.constant 0 : i32
    %c0_i32_1 = arith.constant 0 : i32
    return %c0_i32, %c0_i32_0 : i32, i32
  }
  func.func @transform_17(%arg0: i32) -> (i32, i32) {
    %c0_i32 = arith.constant 0 : i32
    %c0_i32_0 = arith.constant 0 : i32
    %c0_i32_1 = arith.constant 0 : i32
    return %c0_i32, %c0_i32_0 : i32, i32
  }
  func.func @transform_18(%arg0: i32) -> (i32, i32) {
    %c0_i32 = arith.constant 0 : i32
    %c0_i32_0 = arith.constant 0 : i32
    %c0_i32_1 = arith.constant 0 : i32
    return %c0_i32, %c0_i32_0 : i32, i32
  }
  func.func @transform_19(%arg0: i32) -> (i32, i32) {
    %c0_i32 = arith.constant 0 : i32
    %c0_i32_0 = arith.constant 0 : i32
    %c0_i32_1 = arith.constant 0 : i32
    return %c0_i32, %c0_i32_0 : i32, i32
  }
  func.func @transform_20(%arg0: i32) -> (i32, i32) {
    %c0_i32 = arith.constant 0 : i32
    %c0_i32_0 = arith.constant 0 : i32
    %c0_i32_1 = arith.constant 0 : i32
    return %c0_i32, %c0_i32_0 : i32, i32
  }
  func.func @transform_21(%arg0: i32) -> (i32, i32) {
    %c0_i32 = arith.constant 0 : i32
    %c0_i32_0 = arith.constant 0 : i32
    %c0_i32_1 = arith.constant 0 : i32
    return %c0_i32, %c0_i32_0 : i32, i32
  }
  func.func @transform_22(%arg0: i32) -> (i32, i32) {
    %c0_i32 = arith.constant 0 : i32
    %c0_i32_0 = arith.constant 0 : i32
    %c0_i32_1 = arith.constant 0 : i32
    return %c0_i32, %c0_i32_0 : i32, i32
  }
  func.func @transform_23(%arg0: i32) -> (i32, i32) {
    %c0_i32 = arith.constant 0 : i32
    %c0_i32_0 = arith.constant 0 : i32
    %c0_i32_1 = arith.constant 0 : i32
    return %c0_i32, %c0_i32_0 : i32, i32
  }
  func.func @transform_24(%arg0: i32) -> (i32, i32) {
    %c0_i32 = arith.constant 0 : i32
    %c0_i32_0 = arith.constant 0 : i32
    %c0_i32_1 = arith.constant 0 : i32
    return %c0_i32, %c0_i32_0 : i32, i32
  }
  func.func @transform_25(%arg0: i32) -> (i32, i32) {
    %c0_i32 = arith.constant 0 : i32
    %c0_i32_0 = arith.constant 0 : i32
    %c0_i32_1 = arith.constant 0 : i32
    return %c0_i32, %c0_i32_0 : i32, i32
  }
  func.func @transform_26(%arg0: i32) -> (i32, i32) {
    %c0_i32 = arith.constant 0 : i32
    %c0_i32_0 = arith.constant 0 : i32
    %c0_i32_1 = arith.constant 0 : i32
    return %c0_i32, %c0_i32_0 : i32, i32
  }
  func.func @transform_27(%arg0: i32) -> (i32, i32) {
    %c0_i32 = arith.constant 0 : i32
    %c0_i32_0 = arith.constant 0 : i32
    %c0_i32_1 = arith.constant 0 : i32
    return %c0_i32, %c0_i32_0 : i32, i32
  }
  func.func @transform_28(%arg0: i32) -> (i32, i32) {
    %c0_i32 = arith.constant 0 : i32
    %c0_i32_0 = arith.constant 0 : i32
    %c0_i32_1 = arith.constant 0 : i32
    return %c0_i32, %c0_i32_0 : i32, i32
  }
  func.func @transform_29(%arg0: i32) -> (i32, i32) {
    %c0_i32 = arith.constant 0 : i32
    %c0_i32_0 = arith.constant 0 : i32
    %c0_i32_1 = arith.constant 0 : i32
    return %c0_i32, %c0_i32_0 : i32, i32
  }
  func.func @transform_30(%arg0: i32) -> (i32, i32) {
    %c0_i32 = arith.constant 0 : i32
    %c0_i32_0 = arith.constant 0 : i32
    %c0_i32_1 = arith.constant 0 : i32
    return %c0_i32, %c0_i32_0 : i32, i32
  }
  func.func @transform_31(%arg0: i32) -> (i32, i32) {
    %c0_i32 = arith.constant 0 : i32
    %c0_i32_0 = arith.constant 0 : i32
    %c0_i32_1 = arith.constant 0 : i32
    return %c0_i32, %c0_i32_0 : i32, i32
  }
  func.func @transform_32(%arg0: i32) -> (i32, i32) {
    %c0_i32 = arith.constant 0 : i32
    %c0_i32_0 = arith.constant 0 : i32
    %c0_i32_1 = arith.constant 0 : i32
    return %c0_i32, %c0_i32_0 : i32, i32
  }
  func.func @transform_33(%arg0: i32) -> (i32, i32) {
    %c0_i32 = arith.constant 0 : i32
    %c0_i32_0 = arith.constant 0 : i32
    %c0_i32_1 = arith.constant 0 : i32
    return %c0_i32, %c0_i32_0 : i32, i32
  }
  func.func @transform_34(%arg0: i32) -> (i32, i32) {
    %c0_i32 = arith.constant 0 : i32
    %c0_i32_0 = arith.constant 0 : i32
    %c0_i32_1 = arith.constant 0 : i32
    return %c0_i32, %c0_i32_0 : i32, i32
  }
  func.func @transform_35(%arg0: i32) -> (i32, i32) {
    %c0_i32 = arith.constant 0 : i32
    %c0_i32_0 = arith.constant 0 : i32
    %c0_i32_1 = arith.constant 0 : i32
    return %c0_i32, %c0_i32_0 : i32, i32
  }
  func.func @transform_36(%arg0: i32) -> (i32, i32) {
    %c0_i32 = arith.constant 0 : i32
    %c0_i32_0 = arith.constant 0 : i32
    %c0_i32_1 = arith.constant 0 : i32
    return %c0_i32, %c0_i32_0 : i32, i32
  }
  func.func @transform_37(%arg0: i32) -> (i32, i32) {
    %c0_i32 = arith.constant 0 : i32
    %c0_i32_0 = arith.constant 0 : i32
    %c0_i32_1 = arith.constant 0 : i32
    return %c0_i32, %c0_i32_0 : i32, i32
  }
  func.func @transform_38(%arg0: i32) -> (i32, i32) {
    %c0_i32 = arith.constant 0 : i32
    %c0_i32_0 = arith.constant 0 : i32
    %c0_i32_1 = arith.constant 0 : i32
    return %c0_i32, %c0_i32_0 : i32, i32
  }
  func.func @transform_39(%arg0: i32) -> (i32, i32) {
    %c0_i32 = arith.constant 0 : i32
    %c0_i32_0 = arith.constant 0 : i32
    %c0_i32_1 = arith.constant 0 : i32
    return %c0_i32, %c0_i32_0 : i32, i32
  }
  func.func @transform_40(%arg0: i32) -> (i32, i32) {
    %c0_i32 = arith.constant 0 : i32
    %c0_i32_0 = arith.constant 0 : i32
    %c0_i32_1 = arith.constant 0 : i32
    return %c0_i32, %c0_i32_0 : i32, i32
  }
  func.func @transform_41(%arg0: i32) -> (i32, i32) {
    %c0_i32 = arith.constant 0 : i32
    %c0_i32_0 = arith.constant 0 : i32
    %c0_i32_1 = arith.constant 0 : i32
    return %c0_i32, %c0_i32_0 : i32, i32
  }
  func.func @transform_42(%arg0: i32) -> (i32, i32) {
    %c0_i32 = arith.constant 0 : i32
    %c0_i32_0 = arith.constant 0 : i32
    %c0_i32_1 = arith.constant 0 : i32
    return %c0_i32, %c0_i32_0 : i32, i32
  }
  func.func @transform_43(%arg0: i32) -> (i32, i32) {
    %c0_i32 = arith.constant 0 : i32
    %c0_i32_0 = arith.constant 0 : i32
    %c0_i32_1 = arith.constant 0 : i32
    return %c0_i32, %c0_i32_0 : i32, i32
  }
  func.func @transform_44(%arg0: i32) -> (i32, i32) {
    %c0_i32 = arith.constant 0 : i32
    %c0_i32_0 = arith.constant 0 : i32
    %c0_i32_1 = arith.constant 0 : i32
    return %c0_i32, %c0_i32_0 : i32, i32
  }
  func.func @transform_45(%arg0: i32) -> (i32, i32) {
    %c0_i32 = arith.constant 0 : i32
    %c0_i32_0 = arith.constant 0 : i32
    %c0_i32_1 = arith.constant 0 : i32
    return %c0_i32, %c0_i32_0 : i32, i32
  }
  func.func @transform_46(%arg0: i32) -> (i32, i32) {
    %c0_i32 = arith.constant 0 : i32
    %c0_i32_0 = arith.constant 0 : i32
    %c0_i32_1 = arith.constant 0 : i32
    return %c0_i32, %c0_i32_0 : i32, i32
  }
  func.func @transform_47(%arg0: i32) -> (i32, i32) {
    %c0_i32 = arith.constant 0 : i32
    %c0_i32_0 = arith.constant 0 : i32
    %c0_i32_1 = arith.constant 0 : i32
    return %c0_i32, %c0_i32_0 : i32, i32
  }
  func.func @transform_48(%arg0: i32) -> (i32, i32) {
    %c0_i32 = arith.constant 0 : i32
    %c0_i32_0 = arith.constant 0 : i32
    %c0_i32_1 = arith.constant 0 : i32
    return %c0_i32, %c0_i32_0 : i32, i32
  }
  func.func @transform_49(%arg0: i32) -> (i32, i32) {
    %c0_i32 = arith.constant 0 : i32
    %c0_i32_0 = arith.constant 0 : i32
    %c0_i32_1 = arith.constant 0 : i32
    return %c0_i32, %c0_i32_0 : i32, i32
  }
  func.func @transform_50(%arg0: i32) -> (i32, i32) {
    %c0_i32 = arith.constant 0 : i32
    %c0_i32_0 = arith.constant 0 : i32
    %c0_i32_1 = arith.constant 0 : i32
    return %c0_i32, %c0_i32_0 : i32, i32
  }
  func.func @transform_51(%arg0: i32) -> (i32, i32) {
    %c0_i32 = arith.constant 0 : i32
    %c0_i32_0 = arith.constant 0 : i32
    %c0_i32_1 = arith.constant 0 : i32
    return %c0_i32, %c0_i32_0 : i32, i32
  }
  func.func @transform_52(%arg0: i32) -> (i32, i32) {
    %c0_i32 = arith.constant 0 : i32
    %c0_i32_0 = arith.constant 0 : i32
    %c0_i32_1 = arith.constant 0 : i32
    return %c0_i32, %c0_i32_0 : i32, i32
  }
  func.func @transform_53(%arg0: i32) -> (i32, i32) {
    %c0_i32 = arith.constant 0 : i32
    %c0_i32_0 = arith.constant 0 : i32
    %c0_i32_1 = arith.constant 0 : i32
    return %c0_i32, %c0_i32_0 : i32, i32
  }
  func.func @transform_54(%arg0: i32) -> (i32, i32) {
    %c0_i32 = arith.constant 0 : i32
    %c0_i32_0 = arith.constant 0 : i32
    return %arg0, %c0_i32 : i32, i32
  }
  func.func @transform_55(%arg0: i32) -> (i32, i32) {
    %c0_i32 = arith.constant 0 : i32
    %c0_i32_0 = arith.constant 0 : i32
    return %arg0, %c0_i32 : i32, i32
  }
}

module attributes {stable_mosaic.version = 14 : i64} {
  func.func @body(%arg0: memref<512x128xf32, #tpu.memory_space<vmem>>, %arg1: memref<512x128xf32, #tpu.memory_space<vmem>>, %arg2: memref<128x128xf32, #tpu.memory_space<vmem>>, %arg3: memref<128x128xf32, #tpu.memory_space<vmem>>, %arg4: memref<1x128xf32, #tpu.memory_space<vmem>>, %arg5: memref<128x128xf32, #tpu.memory_space<vmem>>, %arg6: memref<1x128xf32, #tpu.memory_space<vmem>>, %arg7: memref<128x128xf32, #tpu.memory_space<vmem>>, %arg8: memref<1x128xf32, #tpu.memory_space<vmem>>, %arg9: memref<128x128xf32, #tpu.memory_space<vmem>>, %arg10: memref<1x128xf32, #tpu.memory_space<vmem>>, %arg11: memref<128x128xf32, #tpu.memory_space<vmem>>, %arg12: memref<128x128xf32, #tpu.memory_space<vmem>>, %arg13: memref<1x128xf32, #tpu.memory_space<vmem>>, %arg14: memref<128x128xf32, #tpu.memory_space<vmem>>, %arg15: memref<1x128xf32, #tpu.memory_space<vmem>>, %arg16: memref<128x8xf32, #tpu.memory_space<vmem>>, %arg17: memref<1x8xf32, #tpu.memory_space<vmem>>, %arg18: memref<1x128xf32, #tpu.memory_space<vmem>>, %arg19: memref<1x128xf32, #tpu.memory_space<vmem>>, %arg20: memref<1x128xf32, #tpu.memory_space<vmem>>, %arg21: memref<1x128xf32, #tpu.memory_space<vmem>>, %arg22: memref<1x128xf32, #tpu.memory_space<vmem>>, %arg23: memref<1x128xf32, #tpu.memory_space<vmem>>, %arg24: memref<1x128xf32, #tpu.memory_space<vmem>>, %arg25: memref<1x128xf32, #tpu.memory_space<vmem>>, %arg26: memref<512x8xf32, #tpu.memory_space<vmem>>) attributes {dimension_semantics = [], scalar_prefetch = 0 : i64, scratch_operands = 0 : i64, tpu.core_type = #tpu.core_type<tc>} {
    %get3A = arith.constant 0 : index
    %get3A_0 = arith.constant 0 : index
    %get3A_1 = vector.load %arg2[%get3A, %get3A_0] : memref<128x128xf32, #tpu.memory_space<vmem>>, vector<128x128xf32>
    %get3A_2 = arith.constant 0 : index
    %get3A_3 = arith.constant 0 : index
    %get3A_4 = vector.load %arg0[%get3A_2, %get3A_3] : memref<512x128xf32, #tpu.memory_space<vmem>>, vector<512x128xf32>
    %get3A_5 = arith.constant 0 : index
    %get3A_6 = arith.constant 0 : index
    %get3A_7 = vector.load %arg3[%get3A_5, %get3A_6] : memref<128x128xf32, #tpu.memory_space<vmem>>, vector<128x128xf32>
    %dot_general3A = arith.constant dense<0.000000e+00> : vector<512x128xf32>
    %dot_general3A_8 = tpu.matmul %get3A_4, %get3A_7, %dot_general3A {dimension_numbers = #tpu.dot_dimension_numbers<[1], [0], [0], [1], [0, 0, 1, 1], [], []>, transpose_lhs_hint = false} : vector<512x128xf32>, vector<128x128xf32>, vector<512x128xf32> -> vector<512x128xf32>
    %get3A_9 = arith.constant 0 : index
    %get3A_10 = arith.constant 0 : index
    %get3A_11 = vector.load %arg4[%get3A_9, %get3A_10] : memref<1x128xf32, #tpu.memory_space<vmem>>, vector<1x128xf32>
    %add3A = vector.broadcast %get3A_11 : vector<1x128xf32> to vector<512x128xf32>
    %add3A_12 = arith.addf %dot_general3A_8, %add3A : vector<512x128xf32>
    %reduce_sum3A = arith.constant dense<0.000000e+00> : vector<128xf32>
    %reduce_sum3A_13 = vector.multi_reduction <add>, %add3A_12, %reduce_sum3A [0] : vector<512x128xf32> to vector<128xf32>
    %broadcast_in_dim3A = vector.shape_cast %reduce_sum3A_13 : vector<128xf32> to vector<1x128xf32>
    %div3A = arith.constant 5.120000e+02 : f32
    %div3A_14 = vector.broadcast %div3A : f32 to vector<1x128xf32>
    %div3A_15 = arith.divf %broadcast_in_dim3A, %div3A_14 : vector<1x128xf32>
    %dot_general3A_16 = arith.constant dense<0.000000e+00> : vector<1x128xf32>
    %dot_general3A_17 = tpu.matmul %div3A_15, %get3A_1, %dot_general3A_16 {dimension_numbers = #tpu.dot_dimension_numbers<[1], [0], [0], [1], [0, 0, 1, 1], [], []>, precision = #tpu.contract_precision<fp32>, transpose_lhs_hint = false} : vector<1x128xf32>, vector<128x128xf32>, vector<1x128xf32> -> vector<1x128xf32>
    %sub3A = vector.broadcast %dot_general3A_17 : vector<1x128xf32> to vector<512x128xf32>
    %sub3A_18 = arith.subf %add3A_12, %sub3A : vector<512x128xf32>
    %mul3A = arith.mulf %sub3A_18, %sub3A_18 : vector<512x128xf32>
    %reduce_sum3A_19 = arith.constant dense<0.000000e+00> : vector<128xf32>
    %reduce_sum3A_20 = vector.multi_reduction <add>, %mul3A, %reduce_sum3A_19 [0] : vector<512x128xf32> to vector<128xf32>
    %broadcast_in_dim3A_21 = vector.shape_cast %reduce_sum3A_20 : vector<128xf32> to vector<1x128xf32>
    %div3A_22 = arith.constant 5.120000e+02 : f32
    %div3A_23 = vector.broadcast %div3A_22 : f32 to vector<1x128xf32>
    %div3A_24 = arith.divf %broadcast_in_dim3A_21, %div3A_23 : vector<1x128xf32>
    %dot_general3A_25 = arith.constant dense<0.000000e+00> : vector<1x128xf32>
    %dot_general3A_26 = tpu.matmul %div3A_24, %get3A_1, %dot_general3A_25 {dimension_numbers = #tpu.dot_dimension_numbers<[1], [0], [0], [1], [0, 0, 1, 1], [], []>, precision = #tpu.contract_precision<fp32>, transpose_lhs_hint = false} : vector<1x128xf32>, vector<128x128xf32>, vector<1x128xf32> -> vector<1x128xf32>
    %get3A_27 = arith.constant 0 : index
    %get3A_28 = arith.constant 0 : index
    %get3A_29 = vector.load %arg18[%get3A_27, %get3A_28] : memref<1x128xf32, #tpu.memory_space<vmem>>, vector<1x128xf32>
    %mul3A_30 = vector.broadcast %get3A_29 : vector<1x128xf32> to vector<512x128xf32>
    %mul3A_31 = arith.mulf %mul3A_30, %sub3A_18 : vector<512x128xf32>
    %add3A_32 = arith.constant 9.99999974E-6 : f32
    %add3A_33 = vector.broadcast %add3A_32 : f32 to vector<1x128xf32>
    %add3A_34 = arith.addf %dot_general3A_26, %add3A_33 : vector<1x128xf32>
    %sqrt3A = math.sqrt %add3A_34 : vector<1x128xf32>
    %div3A_35 = vector.broadcast %sqrt3A : vector<1x128xf32> to vector<512x128xf32>
    %div3A_36 = arith.divf %mul3A_31, %div3A_35 : vector<512x128xf32>
    %get3A_37 = arith.constant 0 : index
    %get3A_38 = arith.constant 0 : index
    %get3A_39 = vector.load %arg19[%get3A_37, %get3A_38] : memref<1x128xf32, #tpu.memory_space<vmem>>, vector<1x128xf32>
    %add3A_40 = vector.broadcast %get3A_39 : vector<1x128xf32> to vector<512x128xf32>
    %add3A_41 = arith.addf %div3A_36, %add3A_40 : vector<512x128xf32>
    %max3A = arith.constant 0.000000e+00 : f32
    %max3A_42 = vector.broadcast %max3A : f32 to vector<512x128xf32>
    %max3A_43 = arith.maximumf %add3A_41, %max3A_42 : vector<512x128xf32>
    %get3A_44 = arith.constant 0 : index
    %get3A_45 = arith.constant 0 : index
    %get3A_46 = vector.load %arg5[%get3A_44, %get3A_45] : memref<128x128xf32, #tpu.memory_space<vmem>>, vector<128x128xf32>
    %dot_general3A_47 = arith.constant dense<0.000000e+00> : vector<512x128xf32>
    %dot_general3A_48 = tpu.matmul %max3A_43, %get3A_46, %dot_general3A_47 {dimension_numbers = #tpu.dot_dimension_numbers<[1], [0], [0], [1], [0, 0, 1, 1], [], []>, transpose_lhs_hint = false} : vector<512x128xf32>, vector<128x128xf32>, vector<512x128xf32> -> vector<512x128xf32>
    %get3A_49 = arith.constant 0 : index
    %get3A_50 = arith.constant 0 : index
    %get3A_51 = vector.load %arg6[%get3A_49, %get3A_50] : memref<1x128xf32, #tpu.memory_space<vmem>>, vector<1x128xf32>
    %add3A_52 = vector.broadcast %get3A_51 : vector<1x128xf32> to vector<512x128xf32>
    %add3A_53 = arith.addf %dot_general3A_48, %add3A_52 : vector<512x128xf32>
    %get3A_54 = arith.constant 0 : index
    %get3A_55 = arith.constant 0 : index
    %get3A_56 = vector.load %arg1[%get3A_54, %get3A_55] : memref<512x128xf32, #tpu.memory_space<vmem>>, vector<512x128xf32>
    %get3A_57 = arith.constant 0 : index
    %get3A_58 = arith.constant 0 : index
    %get3A_59 = vector.load %arg7[%get3A_57, %get3A_58] : memref<128x128xf32, #tpu.memory_space<vmem>>, vector<128x128xf32>
    %dot_general3A_60 = arith.constant dense<0.000000e+00> : vector<512x128xf32>
    %dot_general3A_61 = tpu.matmul %get3A_56, %get3A_59, %dot_general3A_60 {dimension_numbers = #tpu.dot_dimension_numbers<[1], [0], [0], [1], [0, 0, 1, 1], [], []>, transpose_lhs_hint = false} : vector<512x128xf32>, vector<128x128xf32>, vector<512x128xf32> -> vector<512x128xf32>
    %get3A_62 = arith.constant 0 : index
    %get3A_63 = arith.constant 0 : index
    %get3A_64 = vector.load %arg8[%get3A_62, %get3A_63] : memref<1x128xf32, #tpu.memory_space<vmem>>, vector<1x128xf32>
    %add3A_65 = vector.broadcast %get3A_64 : vector<1x128xf32> to vector<512x128xf32>
    %add3A_66 = arith.addf %dot_general3A_61, %add3A_65 : vector<512x128xf32>
    %reduce_sum3A_67 = arith.constant dense<0.000000e+00> : vector<128xf32>
    %reduce_sum3A_68 = vector.multi_reduction <add>, %add3A_66, %reduce_sum3A_67 [0] : vector<512x128xf32> to vector<128xf32>
    %broadcast_in_dim3A_69 = vector.shape_cast %reduce_sum3A_68 : vector<128xf32> to vector<1x128xf32>
    %div3A_70 = arith.constant 5.120000e+02 : f32
    %div3A_71 = vector.broadcast %div3A_70 : f32 to vector<1x128xf32>
    %div3A_72 = arith.divf %broadcast_in_dim3A_69, %div3A_71 : vector<1x128xf32>
    %dot_general3A_73 = arith.constant dense<0.000000e+00> : vector<1x128xf32>
    %dot_general3A_74 = tpu.matmul %div3A_72, %get3A_1, %dot_general3A_73 {dimension_numbers = #tpu.dot_dimension_numbers<[1], [0], [0], [1], [0, 0, 1, 1], [], []>, precision = #tpu.contract_precision<fp32>, transpose_lhs_hint = false} : vector<1x128xf32>, vector<128x128xf32>, vector<1x128xf32> -> vector<1x128xf32>
    %sub3A_75 = vector.broadcast %dot_general3A_74 : vector<1x128xf32> to vector<512x128xf32>
    %sub3A_76 = arith.subf %add3A_66, %sub3A_75 : vector<512x128xf32>
    %mul3A_77 = arith.mulf %sub3A_76, %sub3A_76 : vector<512x128xf32>
    %reduce_sum3A_78 = arith.constant dense<0.000000e+00> : vector<128xf32>
    %reduce_sum3A_79 = vector.multi_reduction <add>, %mul3A_77, %reduce_sum3A_78 [0] : vector<512x128xf32> to vector<128xf32>
    %broadcast_in_dim3A_80 = vector.shape_cast %reduce_sum3A_79 : vector<128xf32> to vector<1x128xf32>
    %div3A_81 = arith.constant 5.120000e+02 : f32
    %div3A_82 = vector.broadcast %div3A_81 : f32 to vector<1x128xf32>
    %div3A_83 = arith.divf %broadcast_in_dim3A_80, %div3A_82 : vector<1x128xf32>
    %dot_general3A_84 = arith.constant dense<0.000000e+00> : vector<1x128xf32>
    %dot_general3A_85 = tpu.matmul %div3A_83, %get3A_1, %dot_general3A_84 {dimension_numbers = #tpu.dot_dimension_numbers<[1], [0], [0], [1], [0, 0, 1, 1], [], []>, precision = #tpu.contract_precision<fp32>, transpose_lhs_hint = false} : vector<1x128xf32>, vector<128x128xf32>, vector<1x128xf32> -> vector<1x128xf32>
    %get3A_86 = arith.constant 0 : index
    %get3A_87 = arith.constant 0 : index
    %get3A_88 = vector.load %arg20[%get3A_86, %get3A_87] : memref<1x128xf32, #tpu.memory_space<vmem>>, vector<1x128xf32>
    %mul3A_89 = vector.broadcast %get3A_88 : vector<1x128xf32> to vector<512x128xf32>
    %mul3A_90 = arith.mulf %mul3A_89, %sub3A_76 : vector<512x128xf32>
    %add3A_91 = arith.constant 9.99999974E-6 : f32
    %add3A_92 = vector.broadcast %add3A_91 : f32 to vector<1x128xf32>
    %add3A_93 = arith.addf %dot_general3A_85, %add3A_92 : vector<1x128xf32>
    %sqrt3A_94 = math.sqrt %add3A_93 : vector<1x128xf32>
    %div3A_95 = vector.broadcast %sqrt3A_94 : vector<1x128xf32> to vector<512x128xf32>
    %div3A_96 = arith.divf %mul3A_90, %div3A_95 : vector<512x128xf32>
    %get3A_97 = arith.constant 0 : index
    %get3A_98 = arith.constant 0 : index
    %get3A_99 = vector.load %arg21[%get3A_97, %get3A_98] : memref<1x128xf32, #tpu.memory_space<vmem>>, vector<1x128xf32>
    %add3A_100 = vector.broadcast %get3A_99 : vector<1x128xf32> to vector<512x128xf32>
    %add3A_101 = arith.addf %div3A_96, %add3A_100 : vector<512x128xf32>
    %max3A_102 = arith.constant 0.000000e+00 : f32
    %max3A_103 = vector.broadcast %max3A_102 : f32 to vector<512x128xf32>
    %max3A_104 = arith.maximumf %add3A_101, %max3A_103 : vector<512x128xf32>
    %get3A_105 = arith.constant 0 : index
    %get3A_106 = arith.constant 0 : index
    %get3A_107 = vector.load %arg9[%get3A_105, %get3A_106] : memref<128x128xf32, #tpu.memory_space<vmem>>, vector<128x128xf32>
    %dot_general3A_108 = arith.constant dense<0.000000e+00> : vector<512x128xf32>
    %dot_general3A_109 = tpu.matmul %max3A_104, %get3A_107, %dot_general3A_108 {dimension_numbers = #tpu.dot_dimension_numbers<[1], [0], [0], [1], [0, 0, 1, 1], [], []>, transpose_lhs_hint = false} : vector<512x128xf32>, vector<128x128xf32>, vector<512x128xf32> -> vector<512x128xf32>
    %get3A_110 = arith.constant 0 : index
    %get3A_111 = arith.constant 0 : index
    %get3A_112 = vector.load %arg10[%get3A_110, %get3A_111] : memref<1x128xf32, #tpu.memory_space<vmem>>, vector<1x128xf32>
    %add3A_113 = vector.broadcast %get3A_112 : vector<1x128xf32> to vector<512x128xf32>
    %add3A_114 = arith.addf %dot_general3A_109, %add3A_113 : vector<512x128xf32>
    %get3A_115 = arith.constant 0 : index
    %get3A_116 = arith.constant 0 : index
    %get3A_117 = vector.load %arg11[%get3A_115, %get3A_116] : memref<128x128xf32, #tpu.memory_space<vmem>>, vector<128x128xf32>
    %dot_general3A_118 = arith.constant dense<0.000000e+00> : vector<512x128xf32>
    %dot_general3A_119 = tpu.matmul %add3A_53, %get3A_117, %dot_general3A_118 {dimension_numbers = #tpu.dot_dimension_numbers<[1], [0], [0], [1], [0, 0, 1, 1], [], []>, transpose_lhs_hint = false} : vector<512x128xf32>, vector<128x128xf32>, vector<512x128xf32> -> vector<512x128xf32>
    %get3A_120 = arith.constant 0 : index
    %get3A_121 = arith.constant 0 : index
    %get3A_122 = vector.load %arg12[%get3A_120, %get3A_121] : memref<128x128xf32, #tpu.memory_space<vmem>>, vector<128x128xf32>
    %dot_general3A_123 = arith.constant dense<0.000000e+00> : vector<512x128xf32>
    %dot_general3A_124 = tpu.matmul %add3A_114, %get3A_122, %dot_general3A_123 {dimension_numbers = #tpu.dot_dimension_numbers<[1], [0], [0], [1], [0, 0, 1, 1], [], []>, transpose_lhs_hint = false} : vector<512x128xf32>, vector<128x128xf32>, vector<512x128xf32> -> vector<512x128xf32>
    %add3A_125 = arith.addf %dot_general3A_119, %dot_general3A_124 : vector<512x128xf32>
    %get3A_126 = arith.constant 0 : index
    %get3A_127 = arith.constant 0 : index
    %get3A_128 = vector.load %arg13[%get3A_126, %get3A_127] : memref<1x128xf32, #tpu.memory_space<vmem>>, vector<1x128xf32>
    %add3A_129 = vector.broadcast %get3A_128 : vector<1x128xf32> to vector<512x128xf32>
    %add3A_130 = arith.addf %add3A_125, %add3A_129 : vector<512x128xf32>
    %reduce_sum3A_131 = arith.constant dense<0.000000e+00> : vector<128xf32>
    %reduce_sum3A_132 = vector.multi_reduction <add>, %add3A_130, %reduce_sum3A_131 [0] : vector<512x128xf32> to vector<128xf32>
    %broadcast_in_dim3A_133 = vector.shape_cast %reduce_sum3A_132 : vector<128xf32> to vector<1x128xf32>
    %div3A_134 = arith.constant 5.120000e+02 : f32
    %div3A_135 = vector.broadcast %div3A_134 : f32 to vector<1x128xf32>
    %div3A_136 = arith.divf %broadcast_in_dim3A_133, %div3A_135 : vector<1x128xf32>
    %dot_general3A_137 = arith.constant dense<0.000000e+00> : vector<1x128xf32>
    %dot_general3A_138 = tpu.matmul %div3A_136, %get3A_1, %dot_general3A_137 {dimension_numbers = #tpu.dot_dimension_numbers<[1], [0], [0], [1], [0, 0, 1, 1], [], []>, precision = #tpu.contract_precision<fp32>, transpose_lhs_hint = false} : vector<1x128xf32>, vector<128x128xf32>, vector<1x128xf32> -> vector<1x128xf32>
    %sub3A_139 = vector.broadcast %dot_general3A_138 : vector<1x128xf32> to vector<512x128xf32>
    %sub3A_140 = arith.subf %add3A_130, %sub3A_139 : vector<512x128xf32>
    %mul3A_141 = arith.mulf %sub3A_140, %sub3A_140 : vector<512x128xf32>
    %reduce_sum3A_142 = arith.constant dense<0.000000e+00> : vector<128xf32>
    %reduce_sum3A_143 = vector.multi_reduction <add>, %mul3A_141, %reduce_sum3A_142 [0] : vector<512x128xf32> to vector<128xf32>
    %broadcast_in_dim3A_144 = vector.shape_cast %reduce_sum3A_143 : vector<128xf32> to vector<1x128xf32>
    %div3A_145 = arith.constant 5.120000e+02 : f32
    %div3A_146 = vector.broadcast %div3A_145 : f32 to vector<1x128xf32>
    %div3A_147 = arith.divf %broadcast_in_dim3A_144, %div3A_146 : vector<1x128xf32>
    %dot_general3A_148 = arith.constant dense<0.000000e+00> : vector<1x128xf32>
    %dot_general3A_149 = tpu.matmul %div3A_147, %get3A_1, %dot_general3A_148 {dimension_numbers = #tpu.dot_dimension_numbers<[1], [0], [0], [1], [0, 0, 1, 1], [], []>, precision = #tpu.contract_precision<fp32>, transpose_lhs_hint = false} : vector<1x128xf32>, vector<128x128xf32>, vector<1x128xf32> -> vector<1x128xf32>
    %get3A_150 = arith.constant 0 : index
    %get3A_151 = arith.constant 0 : index
    %get3A_152 = vector.load %arg22[%get3A_150, %get3A_151] : memref<1x128xf32, #tpu.memory_space<vmem>>, vector<1x128xf32>
    %mul3A_153 = vector.broadcast %get3A_152 : vector<1x128xf32> to vector<512x128xf32>
    %mul3A_154 = arith.mulf %mul3A_153, %sub3A_140 : vector<512x128xf32>
    %add3A_155 = arith.constant 9.99999974E-6 : f32
    %add3A_156 = vector.broadcast %add3A_155 : f32 to vector<1x128xf32>
    %add3A_157 = arith.addf %dot_general3A_149, %add3A_156 : vector<1x128xf32>
    %sqrt3A_158 = math.sqrt %add3A_157 : vector<1x128xf32>
    %div3A_159 = vector.broadcast %sqrt3A_158 : vector<1x128xf32> to vector<512x128xf32>
    %div3A_160 = arith.divf %mul3A_154, %div3A_159 : vector<512x128xf32>
    %get3A_161 = arith.constant 0 : index
    %get3A_162 = arith.constant 0 : index
    %get3A_163 = vector.load %arg23[%get3A_161, %get3A_162] : memref<1x128xf32, #tpu.memory_space<vmem>>, vector<1x128xf32>
    %add3A_164 = vector.broadcast %get3A_163 : vector<1x128xf32> to vector<512x128xf32>
    %add3A_165 = arith.addf %div3A_160, %add3A_164 : vector<512x128xf32>
    %max3A_166 = arith.constant 0.000000e+00 : f32
    %max3A_167 = vector.broadcast %max3A_166 : f32 to vector<512x128xf32>
    %max3A_168 = arith.maximumf %add3A_165, %max3A_167 : vector<512x128xf32>
    %get3A_169 = arith.constant 0 : index
    %get3A_170 = arith.constant 0 : index
    %get3A_171 = vector.load %arg14[%get3A_169, %get3A_170] : memref<128x128xf32, #tpu.memory_space<vmem>>, vector<128x128xf32>
    %dot_general3A_172 = arith.constant dense<0.000000e+00> : vector<512x128xf32>
    %dot_general3A_173 = tpu.matmul %max3A_168, %get3A_171, %dot_general3A_172 {dimension_numbers = #tpu.dot_dimension_numbers<[1], [0], [0], [1], [0, 0, 1, 1], [], []>, transpose_lhs_hint = false} : vector<512x128xf32>, vector<128x128xf32>, vector<512x128xf32> -> vector<512x128xf32>
    %get3A_174 = arith.constant 0 : index
    %get3A_175 = arith.constant 0 : index
    %get3A_176 = vector.load %arg15[%get3A_174, %get3A_175] : memref<1x128xf32, #tpu.memory_space<vmem>>, vector<1x128xf32>
    %add3A_177 = vector.broadcast %get3A_176 : vector<1x128xf32> to vector<512x128xf32>
    %add3A_178 = arith.addf %dot_general3A_173, %add3A_177 : vector<512x128xf32>
    %reduce_sum3A_179 = arith.constant dense<0.000000e+00> : vector<128xf32>
    %reduce_sum3A_180 = vector.multi_reduction <add>, %add3A_178, %reduce_sum3A_179 [0] : vector<512x128xf32> to vector<128xf32>
    %broadcast_in_dim3A_181 = vector.shape_cast %reduce_sum3A_180 : vector<128xf32> to vector<1x128xf32>
    %div3A_182 = arith.constant 5.120000e+02 : f32
    %div3A_183 = vector.broadcast %div3A_182 : f32 to vector<1x128xf32>
    %div3A_184 = arith.divf %broadcast_in_dim3A_181, %div3A_183 : vector<1x128xf32>
    %dot_general3A_185 = arith.constant dense<0.000000e+00> : vector<1x128xf32>
    %dot_general3A_186 = tpu.matmul %div3A_184, %get3A_1, %dot_general3A_185 {dimension_numbers = #tpu.dot_dimension_numbers<[1], [0], [0], [1], [0, 0, 1, 1], [], []>, precision = #tpu.contract_precision<fp32>, transpose_lhs_hint = false} : vector<1x128xf32>, vector<128x128xf32>, vector<1x128xf32> -> vector<1x128xf32>
    %sub3A_187 = vector.broadcast %dot_general3A_186 : vector<1x128xf32> to vector<512x128xf32>
    %sub3A_188 = arith.subf %add3A_178, %sub3A_187 : vector<512x128xf32>
    %mul3A_189 = arith.mulf %sub3A_188, %sub3A_188 : vector<512x128xf32>
    %reduce_sum3A_190 = arith.constant dense<0.000000e+00> : vector<128xf32>
    %reduce_sum3A_191 = vector.multi_reduction <add>, %mul3A_189, %reduce_sum3A_190 [0] : vector<512x128xf32> to vector<128xf32>
    %broadcast_in_dim3A_192 = vector.shape_cast %reduce_sum3A_191 : vector<128xf32> to vector<1x128xf32>
    %div3A_193 = arith.constant 5.120000e+02 : f32
    %div3A_194 = vector.broadcast %div3A_193 : f32 to vector<1x128xf32>
    %div3A_195 = arith.divf %broadcast_in_dim3A_192, %div3A_194 : vector<1x128xf32>
    %dot_general3A_196 = arith.constant dense<0.000000e+00> : vector<1x128xf32>
    %dot_general3A_197 = tpu.matmul %div3A_195, %get3A_1, %dot_general3A_196 {dimension_numbers = #tpu.dot_dimension_numbers<[1], [0], [0], [1], [0, 0, 1, 1], [], []>, precision = #tpu.contract_precision<fp32>, transpose_lhs_hint = false} : vector<1x128xf32>, vector<128x128xf32>, vector<1x128xf32> -> vector<1x128xf32>
    %get3A_198 = arith.constant 0 : index
    %get3A_199 = arith.constant 0 : index
    %get3A_200 = vector.load %arg24[%get3A_198, %get3A_199] : memref<1x128xf32, #tpu.memory_space<vmem>>, vector<1x128xf32>
    %mul3A_201 = vector.broadcast %get3A_200 : vector<1x128xf32> to vector<512x128xf32>
    %mul3A_202 = arith.mulf %mul3A_201, %sub3A_188 : vector<512x128xf32>
    %add3A_203 = arith.constant 9.99999974E-6 : f32
    %add3A_204 = vector.broadcast %add3A_203 : f32 to vector<1x128xf32>
    %add3A_205 = arith.addf %dot_general3A_197, %add3A_204 : vector<1x128xf32>
    %sqrt3A_206 = math.sqrt %add3A_205 : vector<1x128xf32>
    %div3A_207 = vector.broadcast %sqrt3A_206 : vector<1x128xf32> to vector<512x128xf32>
    %div3A_208 = arith.divf %mul3A_202, %div3A_207 : vector<512x128xf32>
    %get3A_209 = arith.constant 0 : index
    %get3A_210 = arith.constant 0 : index
    %get3A_211 = vector.load %arg25[%get3A_209, %get3A_210] : memref<1x128xf32, #tpu.memory_space<vmem>>, vector<1x128xf32>
    %add3A_212 = vector.broadcast %get3A_211 : vector<1x128xf32> to vector<512x128xf32>
    %add3A_213 = arith.addf %div3A_208, %add3A_212 : vector<512x128xf32>
    %max3A_214 = arith.constant 0.000000e+00 : f32
    %max3A_215 = vector.broadcast %max3A_214 : f32 to vector<512x128xf32>
    %max3A_216 = arith.maximumf %add3A_213, %max3A_215 : vector<512x128xf32>
    %get3A_217 = arith.constant 0 : index
    %get3A_218 = arith.constant 0 : index
    %get3A_219 = vector.load %arg16[%get3A_217, %get3A_218] : memref<128x8xf32, #tpu.memory_space<vmem>>, vector<128x8xf32>
    %dot_general3A_220 = arith.constant dense<0.000000e+00> : vector<512x8xf32>
    %dot_general3A_221 = tpu.matmul %max3A_216, %get3A_219, %dot_general3A_220 {dimension_numbers = #tpu.dot_dimension_numbers<[1], [0], [0], [1], [0, 0, 1, 1], [], []>, transpose_lhs_hint = false} : vector<512x128xf32>, vector<128x8xf32>, vector<512x8xf32> -> vector<512x8xf32>
    %get3A_222 = arith.constant 0 : index
    %get3A_223 = arith.constant 0 : index
    %get3A_224 = vector.load %arg17[%get3A_222, %get3A_223] : memref<1x8xf32, #tpu.memory_space<vmem>>, vector<1x8xf32>
    %add3A_225 = vector.broadcast %get3A_224 : vector<1x8xf32> to vector<512x8xf32>
    %add3A_226 = arith.addf %dot_general3A_221, %add3A_225 : vector<512x8xf32>
    %swap3A = arith.constant 0 : index
    %swap3A_227 = arith.constant 0 : index
    %swap3A_228 = vector.load %arg26[%swap3A, %swap3A_227] : memref<512x8xf32, #tpu.memory_space<vmem>>, vector<512x8xf32>
    tpu.vector_store %arg26[%swap3A, %swap3A_227], %add3A_226 {strides = array<i32>} : memref<512x8xf32, #tpu.memory_space<vmem>>, vector<512x8xf32>,
    return
  }
}

</mosaic_0001>

<sc_bundles>
// kernel: kernel.5.cloned.1.call-start
scs
__scs_entry_jumppad:
0x0: {  	(pc) =	sbr.rel $0x88, $3  }
0x1: {  	(tag) =	ssettag $0x0;
	lr =	simm.s32 $0x1  }
0x2: {  	[smem:$0x3F59] =	sst lr;
	_ =	strace $0xD0000000  }
0x3: {  	_ = 	snop  }
0x4: {  	_ = 	snop  }
0x5: {  	_ = 	snop  }
0x6: {  	_ = 	snop  }
0x7: {  	_ = 	snop  }
__scs_overlays_trampoline_lowered:
0x8: {  	[smem:$0x3F68] =	sst s0  }
0x9: {  	[smem:$0x3F69] =	sst s1  }
0xa: {  	[smem:$0x3F6A] =	sst s2  }
0xb: {  	[smem:$0x3F6B] =	sst s3  }
0xc: {  	[smem:$0x3F6C] =	sst s4  }
0xd: {  	[smem:$0x3F6D] =	sst s5  }
0xe: {  	[smem:$0x3F6E] =	sst s6  }
0xf: {  	[smem:$0x3F6F] =	sst s7  }
0x10: {  	[smem:$0x3F70] =	sst s8  }
0x11: {  	[smem:$0x3F71] =	sst s9;
	s0 =	simm.s32 @!p0 $0x0  }
0x12: {  	s1 =	sld [smem:$0x3F57];
	s0 =	simm.s32 @p0 $0x1  }
0x13: {  	[smem:$0x3F72] =	sst s0;
	s0 =	simm.s32 @!p1 $0x0  }
0x14: {  	s2 =	sld [smem:$0x3F56];
	s0 =	simm.s32 @p1 $0x1  }
0x15: {  	[smem:$0x3F73] =	sst s0;
	s0 =	simm.s32 @!p2 $0x0  }
0x16: {  	s3 =	sld [smem:$0x3FDB];
	s0 =	simm.s32 @p2 $0x1  }
0x17: {  	s4 =	simm.s32 $0x1BF5;
	[smem:$0x3F75] =	sst s0  }
0x18: {  	s0 =	sld [smem:$0x3F58];
	_ =	swait.ge [sflag:s4], $0x0  }
0x19: {  	s7 =	sld [smem:$0x3F59]  }
0x1a: {  	s8 =	sadd.s32 $0xFFFFE003, lr  }
0x1b: {  	s9 =	sadd.s32 $0xFFFFFEF7, lr;
	s5 =	simm.s32 $0xFFFFFFFF;
	p2 =	slt.u32 s8, $0xFFFFF086  }
0x1c: {  	p1 =	slt.u32 s9, $0xF7A;
	s5 =	simm.s32 @!p2 $0x0  }
0x1d: {  	s5 =	simm.s32 @p1 $0x1;
	p0 =	seq.s32 s7, s2  }
0x1e: {  	s7 =	smul.u32 @!p0 $0xF7A, s2;
	p2 =	seq.s32 @!p0 s5, $0x0  }
0x1f: {  	s9 =	smul.u32 $0xF7A, s1;
	s8 =	simm.s32 @!p0 $0x1BF5;
	p2 =	por !p2, p0  }
0x20: {  	[sflag:s8] =	ssyncset.s32 @!p0 $0xFFFFF086;
	s6 =	sadd.s32 @!p0 s3, s7;
	s7 =	simm.s32 @!p0 $0x108  }
0x21: {  	s3 =	sadd.s32 s3, s9;
	s6 =	sadd.s32 @!p0 $0x88, s6;
	s7 =	simm.s32 @p2 $0x1082  }
0x22: {  	[simem:s7], [sflag:s8] =	dma.local @!p0 [hbm:s6], $0xF7A  }
0x23: {  	s9 =	sor.u32 $0xD0000000, s2;
	s6 =	simm.s32 $0x108;
	_ =	swait.ge @!p0 [sflag:s8], $0x0  }
0x24: {  	s3 =	sadd.s32 $0x88, s3;
	s6 =	simm.s32 @!p1 $0x1082;
	[sflag:s4] =	ssyncset.s32 $0xFFFFF086  }
0x25: {  	[simem:s6], [sflag:s4] =	dma.local [hbm:s3], $0xF7A  }
0x26: {  	[smem:$0x3F59] =	sst s1;
	(tag) =	ssettag s2;
	_ =	strace s9  }
0x27: {  	s1 =	sld [smem:$0x3F69]  }
0x28: {  	s2 =	sld [smem:$0x3F6A]  }
0x29: {  	s4 =	sld [smem:$0x3F6C]  }
0x2a: {  	p0 =	seq.s32 s5, $0x0;
	s5 =	sld [smem:$0x3F6D]  }
0x2b: {  	s6 =	sld [smem:$0x3F6E]  }
0x2c: {  	s7 =	sld [smem:$0x3F6F]  }
0x2d: {  	s3 =	simm.s32 $0x108;
	s8 =	sld [smem:$0x3F70]  }
0x2e: {  	s3 =	simm.s32 @!p0 $0x1082;
	s9 =	sld [smem:$0x3F71]  }
0x2f: {  	lr =	sadd.s32 s0, s3;
	s0 =	sld [smem:$0x3F68]  }
0x30: {  	s3 =	sld [smem:$0x3F6B]  }
0x31: {  	[smem:$0x3F74] =	sst s10  }
0x32: {  	s10 =	sld [smem:$0x3F72];
	_ =	sdelay $0x3  }
0x33: {  	p0 =	seq.s32 s10, $0x1;
	s10 =	sld [smem:$0x3F74];
	_ =	sdelay $0x3  }
0x34: {  	[smem:$0x3F74] =	sst s10  }
0x35: {  	s10 =	sld [smem:$0x3F73];
	_ =	sdelay $0x3  }
0x36: {  	p1 =	seq.s32 s10, $0x1;
	s10 =	sld [smem:$0x3F74];
	_ =	sdelay $0x3  }
0x37: {  	[smem:$0x3F74] =	sst s10  }
0x38: {  	s10 =	sld [smem:$0x3F75]  }
0x39: {  	_ = 	snop;
	(pc) =	sbr.ind lr, $3  }
0x3a: {  	_ = 	snop  }
0x3b: {  	_ = 	snop  }
0x3c: {  	p2 =	seq.s32 s10, $0x1;
	s10 =	sld [smem:$0x3F74]  }
0x3d: {  	_ =	shalt  }
0x3e: {  	_ =	shalt  }
0x3f: {  	_ =	shalt  }
0x40: {  	_ =	shalt  }
0x41: {  	_ =	shalt  }
0x42: {  	_ =	shalt  }
0x43: {  	_ =	shalt  }
0x44: {  	_ =	shalt  }
0x45: {  	_ =	shalt  }
0x46: {  	_ =	shalt  }
0x47: {  	_ =	shalt  }
0x48: {  	_ =	shalt  }
0x49: {  	_ =	shalt  }
0x4a: {  	_ =	shalt  }
0x4b: {  	_ =	shalt  }
0x4c: {  	_ =	shalt  }
0x4d: {  	_ =	shalt  }
0x4e: {  	_ =	shalt  }
0x4f: {  	_ =	shalt  }
0x50: {  	_ =	shalt  }
0x51: {  	_ =	shalt  }
0x52: {  	_ =	shalt  }
0x53: {  	_ =	shalt  }
0x54: {  	_ =	shalt  }
0x55: {  	_ =	shalt  }
0x56: {  	_ =	shalt  }
0x57: {  	_ =	shalt  }
0x58: {  	_ =	shalt  }
0x59: {  	_ =	shalt  }
0x5a: {  	_ =	shalt  }
0x5b: {  	_ =	shalt  }
0x5c: {  	_ =	shalt  }
0x5d: {  	_ =	shalt  }
0x5e: {  	_ =	shalt  }
0x5f: {  	_ =	shalt  }
0x60: {  	_ =	shalt  }
0x61: {  	_ =	shalt  }
0x62: {  	_ =	shalt  }
0x63: {  	_ =	shalt  }
0x64: {  	_ =	shalt  }
0x65: {  	_ =	shalt  }
0x66: {  	_ =	shalt  }
0x67: {  	_ =	shalt  }
0x68: {  	_ =	shalt  }
0x69: {  	_ =	shalt  }
0x6a: {  	_ =	shalt  }
0x6b: {  	_ =	shalt  }
0x6c: {  	_ =	shalt  }
0x6d: {  	_ =	shalt  }
0x6e: {  	_ =	shalt  }
0x6f: {  	_ =	shalt  }
0x70: {  	_ =	shalt  }
0x71: {  	_ =	shalt  }
0x72: {  	_ =	shalt  }
0x73: {  	_ =	shalt  }
0x74: {  	_ =	shalt  }
0x75: {  	_ =	shalt  }
0x76: {  	_ =	shalt  }
0x77: {  	_ =	shalt  }
0x78: {  	_ =	shalt  }
0x79: {  	_ =	shalt  }
0x7a: {  	_ =	shalt  }
0x7b: {  	_ =	shalt  }
0x7c: {  	_ =	shalt  }
0x7d: {  	_ =	shalt  }
0x7e: {  	_ =	shalt  }
0x7f: {  	_ =	shalt  }
0x80: {  	_ =	shalt  }
0x81: {  	_ =	shalt  }
0x82: {  	_ =	shalt  }
0x83: {  	_ =	shalt  }
0x84: {  	_ =	shalt  }
0x85: {  	_ =	shalt  }
0x86: {  	_ =	shalt  }
0x87: {  	_ =	shalt  }
.Lfunc_end0:
.L_simem_size_0:
called_computation_lowered:
.L_overlay_start_0:
0x88: {  	s2 =	sld [smem:$0x3FD9]  }
0x89: {  	s3 =	sld [smem:$0x3FFE];
	_ =	sdelay $0x1  }
0x8a: {  	s1 =	srdreg.scid  }
0x8b: {  	s0 =	sand.u32 $0x1, s1  }
0x8c: {  	s17 =	sshll.u32 s0, $0xA;
	s2 =	sadd.s32 s3, s2  }
0x8d: {  	s2 =	sadd.s32 s2, s17  }
0x8e: {  	[smem:$0x3F80] =	sst s2  }
0x8f: {  	_ = 	snop  }
0x90: {  	s2 =	sld [smem:$0x3FC9]  }
0x91: {  	s18 =	sld [smem:$0x3FC8];
	(tm) =	ssettm $0x1  }
0x92: {  	s4 =	sld [smem:$0x3FFB];
	_ =	sdelay $0x3  }
0x93: {  	_ =	strace s4  }
0x94: {  	s4 =	sld [smem:$0x3FFC];
	_ =	sdelay $0x3  }
0x95: {  	_ =	strace s4  }
0x96: {  	s4 =	sld [smem:$0x3FFD];
	_ =	sdelay $0x3  }
0x97: {  	_ =	strace s4  }
0x98: {  	_ =	strace $0x8FFFFFFF  }
0x99: {  	s19 =	sld [smem:$0x3FDB];
	_ =	sdelay $0x1  }
0x9a: {  	s5 =	simm.s32 $_scs_section_size  }
0x9b: {  	s6 =	simm.s32 $_size__tile_overlayer_lowered;
	s7 =	simm.s32 $_tile_overlayer_lowered  }
0x9c: {  	s22 =	simm.s32 $0x1BFF;
	s21 =	sshll.u32 s7, $0x1;
	s4 =	sadd.s32 s5, s19  }
0x9d: {  	s8 =	simm.s32 $0x0;
	s20 =	sshll.u32 s6, $0x1;
	s6 =	sadd.s32 s21, s4  }
0x9e: {  	[timem:s8], [sflag:s22] =	dma.local [hbm:s6], s20  }
0x9f: {  	_ =	swait.ge [sflag:s22], s20  }
0xa0: {  	s5 =	ssub.s32 $0x0, s20;
	[sflag:s22] =	ssyncset.done $0x0  }
0xa1: {  	[sflag:s22] =	ssyncadd.s32 s5;
	_ =	sdelay $0x1  }
0xa2: {  	s23 =	simm.s32 $0x1B8B  }
0xa3: {  	_ =	swait.ge [sflag:s23], $0x1  }
0xa4: {  	[sflag:s23] =	ssyncset.done $0x0  }
0xa5: {  	s25 =	simm.s32 $0x1B8E;
	s24 =	sld [smem:$0x3FFE];
	[sflag:s23] =	ssyncadd.s32 $0xFFFFFFFF  }
0xa6: {  	s26 =	simm.s32 $execute0_lowered;
	[smem:$0x3FD2] =	sst s25  }
0xa7: {  	s6 =	sshll.u32 s26, $0x1;
	_ =	strace $0x80000046;
	[dreg:$0x1] =	wrdreg $0xFFFFFFFF  }
0xa8: {  	s28 =	simm.s32 $_size_execute0_lowered;
	s4 =	sadd.s32 s4, s6;
	[dreg:$0x0] =	wrdreg $0x0  }
0xa9: {  	s6 =	sshll.u32 s28, $0x1;
	[dreg:$0x2] =	wrdreg s4  }
0xaa: {  	[dreg:$0x3] =	wrdreg s6  }
0xab: {  	[dreg:$0x4] =	wrdreg $0xC0  }
0xac: {  	_ =	task [dreg:s8], $0x5FFFF  }
0xad: {  	[dreg:$0x1] =	wrdreg $0xFFFFFFFF  }
0xae: {  	[dreg:$0x0] =	wrdreg $0x60  }
0xaf: {  	[dreg:$0x2] =	wrdreg s24  }
0xb0: {  	[dreg:$0x3] =	wrdreg s2  }
0xb1: {  	[dreg:$0x4] =	wrdreg s18  }
0xb2: {  	[dreg:$0x5] =	wrdreg $0x9  }
0xb3: {  	_ =	task.clear_ibuf [dreg:s8], $0x6FFFF;
	_ =	strace $0x90000046  }
0xb4: {  	s29 =	simm.s32 $0x9;
	_ =	strace $0x80000048  }
0xb5: {  	_ =	swait.ge [sflag:s29], $0x1  }
0xb6: {  	[sflag:s29] =	ssyncadd.s32 $0xFFFFFFFF  }
0xb7: {  	_ =	strace $0x90000048  }
0xb8: {  	_ =	sfence  }
0xb9: {  	s30 =	sld [smem:$0x0];
	_ =	sdelay $0x2  }
0xba: {  	s31 =	sshll.u32 s1, $0xD;
	s1 =	sshrl.u32 s1, $0x2  }
0xbb: {  	s3 =	sand.u32 $0x4000, s31;
	s1 =	sadd.s32 s1, s30  }
0xbc: {  	s0 =	sor.u32 s3, s0;
	s1 =	sshll.u32 s1, $0x11  }
0xbd: {  	s0 =	sor.u32 s1, s0  }
0xbe: {  	s0 =	sadd.s32 $0x8F2B, s0  }
0xbf: {  	[sflag:s0] =	ssyncadd.remote.s32 $0x1  }
0xc0: {  	_ =	sfence.sel $0xFFFF  }
0xc1: {  	[dreg:$0x0] =	wrdreg $0xFFFFFFFF;
	(pc) =	sbr.abs _section_cstart, $3  }
0xc2: {  	[dreg:$0x1] =	wrdreg $0xFFFFFFFF  }
0xc3: {  	_ =	task.clear_ibuf [dreg:s8], $0x2FFFF;
	_ =	strace $0x9FFFFFFF  }
0xc4: {  	(tm) =	ssettm $0x7FFFFFFF  }
0xc5: {  	_ =	shalt  }
tec
execute0_lowered:
.L_overlay_start_1:
0x0: {  	(tag) =	ssettag $0x1  }
0x1: {  	s0 =	rddreg [dreg:$0x0]  }
0x2: {  	s16 =	rddreg [dreg:$0x1]  }
0x3: {  	s18 =	rddreg [dreg:$0x2];
	s2 =	simm.s32 $0x0;
	s3 =	srdreg.scid  }
0x4: {  	s1 =	stileid.u32;
	s21 =	simm.s32 $0x2;
	s22 =	simm.s32 $0x1900  }
0x5: {  	s23 =	simm.s32 $0x3200;
	s24 =	simm.s32 $0x1;
	s25 =	simm.s32 $0x1C200  }
0x6: {  	s26 =	simm.s32 $0x80;
	s28 =	simm.s32 $0x1C280;
	s29 =	simm.s32 $0x0  }
0x7: {  	[smem:$0x7FF] =	sst s2;
	s6 =	sand.u32 $0x1, s3;
	s30 =	sshll.u32 s1, $0x1  }
0x8: {  	s3 =	sadd.s32 $0x191000, s0;
	s4 =	sadd.s32 $0x1C1E00, s0;
	s14 =	sor.u32 s6, s30  }
0x9: {  	s5 =	sadd.s32 $0xA600, s0;
	s6 =	ssub.s32 $0x2, s6;
	s7 =	smul.u32 $0x320, s14  }
0xa: {  	_ =	strace $0x80000047;
	s8 =	smul.u32 $0x3200, s14;
	s9 =	sshrl.u32 s6, $0x1  }
0xb: {  	s31 =	sshll.u32 s14, $0x8;
	s19 =	sshll.u32 s14, $0x4;
	s20 =	ssub.s32 s6, s9  }
0xc: {  	v0 =	vlaneseq.u32;
	s16 =	sadd.s32 s16, s19;
	s18 =	sadd.s32 s18, s19;
	s15 =	sadd.s32 s7, s0  }
0xd: {  	v0 =	vmul.u32 $0x32, v0;
	s17 =	sadd.s32 s8, s0;
	s0 =	sadd.s32 s31, s0;
	s20 =	smax.u32 s20, $0x1  }
0xe: {  	s6 =	sadd.s32 $0xE600, s15;
	s7 =	sadd.s32 $0x2DA00, s17;
	s8 =	sadd.s32 $0x14A00, s15  }
0xf: {  	v1 =	vadd.s32 $0x320, v0;
	v2 =	vadd.s32 $0x640, v0;
	v3 =	vadd.s32 $0x960, v0;
	s9 =	sadd.s32 $0x95A00, s17;
	s10 =	sadd.s32 $0x1AE00, s15;
	s11 =	sadd.s32 $0xF9A00, s17  }
0x10: {  	v4 =	vadd.s32 $0xC80, v0;
	v5 =	vadd.s32 $0xFA0, v0;
	s12 =	sadd.s32 $0x21200, s15;
	s13 =	sadd.s32 $0x1F2C00, s17;
	s14 =	sadd.s32 $0x27600, s15  }
0x11: {  	v6 =	vadd.s32 $0x12C0, v0;
	v7 =	vadd.s32 $0x15E0, v0;
	s15 =	sadd.s32 $0x256C00, s17;
	s17 =	sadd.s32 $0x91A00, s0;
	s19 =	sadd.s32 $0x93A00, s0  }
.LBB2_1:
0x12: {  	v8 =	vmov s2  }
0x13: {  	v8 =	vshra.s32 v8, $0x7  }
0x14: {  	v8 =	vbroadcast v8, $0x0;
	_ =	sdelay $0x1  }
0x15: {  	[tilespmem:s2], [sflag:$0x2] =	stream.linear.gather [hbm4b:s6+s2], $0x1900, $0x38;
	v8 =	vadd.s32 v0, v8;
	[tilespmem:$0x1CA80] =	vst v63  }
0x16: {  	s0 =	simm.s32 $0x10  }
0x17: {  	_ =	swait.ge [sflag:s21], $0x1900;
	v9 =	vmov s0  }
0x18: {  	[sflag:s21] =	ssyncset.done $0x0;
	v9 =	vshra.s32 v9, $0x7  }
0x19: {  	[sflag:s21] =	ssyncadd.s32 $0xFFFFE700;
	v9 =	vbroadcast v9, $0x0  }
0x1a: {  	v8 =	vld.idx.msk [tilespmem:v8+s2+$0x0], $0xffff  }
0x1b: {  	v9 =	vadd.s32 v1, v9  }
0x1c: {  	s1 =	simm.s32 $0x20  }
0x1d: {  	v10 =	vmov s1  }
0x1e: {  	s30 =	simm.s32 $0x1940;
	v10 =	vshra.s32 v10, $0x7  }
0x1f: {  	[tilespmem:s30+$0xFFFFFFC0] =	vst v8;
	v8 =	vbroadcast v10, $0x0  }
0x20: {  	v9 =	vld.idx.msk [tilespmem:v9+s2+$0x0], $0xffff  }
0x21: {  	v8 =	vadd.s32 v2, v8  }
0x22: {  	s1 =	simm.s32 $0x30  }
0x23: {  	v10 =	vmov s1  }
0x24: {  	v10 =	vshra.s32 v10, $0x7  }
0x25: {  	[tilespmem:s30+$0xFFFFFFD0] =	vst v9;
	v9 =	vbroadcast v10, $0x0  }
0x26: {  	v8 =	vld.idx.msk [tilespmem:v8+s2+$0x0], $0xffff  }
0x27: {  	v9 =	vadd.s32 v3, v9  }
0x28: {  	s1 =	simm.s32 $0x40  }
0x29: {  	v10 =	vmov s1  }
0x2a: {  	v10 =	vshra.s32 v10, $0x7  }
0x2b: {  	[tilespmem:s30+$0xFFFFFFE0] =	vst v8;
	v8 =	vbroadcast v10, $0x0  }
0x2c: {  	v9 =	vld.idx.msk [tilespmem:v9+s2+$0x0], $0xffff  }
0x2d: {  	v8 =	vadd.s32 v4, v8  }
0x2e: {  	s1 =	simm.s32 $0x50  }
0x2f: {  	v10 =	vmov s1  }
0x30: {  	v10 =	vshra.s32 v10, $0x7  }
0x31: {  	[tilespmem:s30+$0xFFFFFFF0] =	vst v9;
	v9 =	vbroadcast v10, $0x0  }
0x32: {  	v8 =	vld.idx.msk [tilespmem:v8+s2+$0x0], $0xffff  }
0x33: {  	v9 =	vadd.s32 v5, v9  }
0x34: {  	s1 =	simm.s32 $0x60  }
0x35: {  	v10 =	vmov s1  }
0x36: {  	v10 =	vshra.s32 v10, $0x7  }
0x37: {  	[tilespmem:s30+$0x0] =	vst v8;
	v8 =	vbroadcast v10, $0x0  }
0x38: {  	v9 =	vld.idx.msk [tilespmem:v9+s2+$0x0], $0xffff  }
0x39: {  	v8 =	vadd.s32 v6, v8  }
0x3a: {  	s1 =	simm.s32 $0x70  }
0x3b: {  	v10 =	vmov s1  }
0x3c: {  	v10 =	vshra.s32 v10, $0x7  }
0x3d: {  	v10 =	vbroadcast v10, $0x0;
	[tilespmem:s30+$0x10] =	vst v9  }
0x3e: {  	v8 =	vld.idx.msk [tilespmem:v8+s2+$0x0], $0xffff  }
0x3f: {  	v9 =	vadd.s32 v7, v10;
	_ =	sdelay $0x1  }
0x40: {  	s31 =	simm.s32 $0x0;
	s0 =	simm.s32 $0x80  }
.LBB2_2:
0x41: {  	v10 =	vmov s0;
	s31 =	sadd.s32 $0x8, s31  }
0x42: {  	v10 =	vshra.s32 v10, $0x7;
	p0 =	slt.u32 s31, $0x188;
	[tilespmem:s30+$0x20] =	vst v8  }
0x43: {  	v8 =	vbroadcast v10, $0x0;
	v9 =	vld.idx.msk [tilespmem:v9+s2+$0x0], $0xffff;
	_ =	sdelay $0x1  }
0x44: {  	v8 =	vadd.s32 v0, v8;
	_ =	sdelay $0x1  }
0x45: {  	s1 =	sadd.s32 $0x10, s0  }
0x46: {  	v10 =	vmov s1  }
0x47: {  	v10 =	vshra.s32 v10, $0x7;
	[tilespmem:s30+$0x30] =	vst v9  }
0x48: {  	v9 =	vbroadcast v10, $0x0;
	v8 =	vld.idx.msk [tilespmem:v8+s2+$0x0], $0xffff;
	_ =	sdelay $0x1  }
0x49: {  	v9 =	vadd.s32 v1, v9;
	_ =	sdelay $0x1  }
0x4a: {  	s1 =	sadd.s32 $0x20, s0  }
0x4b: {  	v10 =	vmov s1;
	s30 =	sadd.s32 $0x80, s30  }
0x4c: {  	[tilespmem:s30+$0xFFFFFFC0] =	vst v8;
	v8 =	vshra.s32 v10, $0x7  }
0x4d: {  	v9 =	vld.idx.msk [tilespmem:v9+s2+$0x0], $0xffff;
	v8 =	vbroadcast v8, $0x0;
	_ =	sdelay $0x1  }
0x4e: {  	v8 =	vadd.s32 v2, v8;
	_ =	sdelay $0x1  }
0x4f: {  	s1 =	sadd.s32 $0x30, s0  }
0x50: {  	v10 =	vmov s1  }
0x51: {  	[tilespmem:s30+$0xFFFFFFD0] =	vst v9;
	v9 =	vshra.s32 v10, $0x7  }
0x52: {  	v8 =	vld.idx.msk [tilespmem:v8+s2+$0x0], $0xffff;
	v9 =	vbroadcast v9, $0x0;
	_ =	sdelay $0x1  }
0x53: {  	v9 =	vadd.s32 v3, v9;
	_ =	sdelay $0x1  }
0x54: {  	s1 =	sadd.s32 $0x40, s0  }
0x55: {  	v10 =	vmov s1  }
0x56: {  	[tilespmem:s30+$0xFFFFFFE0] =	vst v8;
	v8 =	vshra.s32 v10, $0x7  }
0x57: {  	v9 =	vld.idx.msk [tilespmem:v9+s2+$0x0], $0xffff;
	v8 =	vbroadcast v8, $0x0;
	_ =	sdelay $0x1  }
0x58: {  	v8 =	vadd.s32 v4, v8;
	_ =	sdelay $0x1  }
0x59: {  	s1 =	sadd.s32 $0x50, s0  }
0x5a: {  	v10 =	vmov s1  }
0x5b: {  	[tilespmem:s30+$0xFFFFFFF0] =	vst v9;
	v9 =	vshra.s32 v10, $0x7  }
0x5c: {  	v8 =	vld.idx.msk [tilespmem:v8+s2+$0x0], $0xffff;
	v9 =	vbroadcast v9, $0x0;
	_ =	sdelay $0x1  }
0x5d: {  	v9 =	vadd.s32 v5, v9;
	_ =	sdelay $0x1  }
0x5e: {  	s1 =	sadd.s32 $0x60, s0  }
0x5f: {  	v10 =	vmov s1  }
0x60: {  	[tilespmem:s30+$0x0] =	vst v8;
	v8 =	vshra.s32 v10, $0x7  }
0x61: {  	v9 =	vld.idx.msk [tilespmem:v9+s2+$0x0], $0xffff;
	v8 =	vbroadcast v8, $0x0;
	_ =	sdelay $0x1  }
0x62: {  	v8 =	vadd.s32 v6, v8;
	_ =	sdelay $0x1  }
0x63: {  	s1 =	sadd.s32 $0x70, s0  }
0x64: {  	v10 =	vmov s1  }
0x65: {  	[tilespmem:s30+$0x10] =	vst v9;
	v9 =	vshra.s32 v10, $0x7  }
.Ltmp0:
0x66: {  	v8 =	vld.idx.msk [tilespmem:v8+s2+$0x0], $0xffff;
	v9 =	vbroadcast v9, $0x0;
	(pc) =	sbr.rel @p0 .LBB2_2-.Ltmp0, $3  }
0x67: {  	_ = 	snop  }
0x68: {  	v9 =	vadd.s32 v7, v9;
	_ =	sdelay $0x1  }
0x69: {  	s0 =	sadd.s32 $0x80, s0  }
0x6a: {  	_ =	sdelay $0x2  }
0x6b: {  	[tilespmem:s30+$0x20] =	vst v8  }
0x6c: {  	v8 =	vld.idx.msk [tilespmem:v9+s2+$0x0], $0xffff;
	_ =	sdelay $0x4  }
0x6d: {  	[tilespmem:s30+$0x30] =	vst v8  }
0x6e: {  	[tilespmem:s23], [sflag:$0x1] =	stream.indirect.gather [hbm4b:s3+s22], $0x10, s22, s22, $0xb8;
	[tilespmem:$0x1CA80] =	vst v63  }
0x6f: {  	_ =	swait.ge [sflag:s24], $0x19000  }
0x70: {  	s0 =	simm.s32 $0x0;
	[sflag:s24] =	ssyncset.done $0x0  }
0x71: {  	v8 =	vmov s0;
	[sflag:s24] =	ssyncadd.s32 $0xFFFE7000  }
0x72: {  	v8 =	vshra.s32 v8, $0x7;
	[hbm4b:s7+s0] =	stream.linear.scatter [tilespmem:s23], [sflag:$0x2], $0x19000, $0x38;
	[tilespmem:$0x1CA80] =	vst v63  }
0x73: {  	v8 =	vbroadcast v8, $0x0;
	_ =	swait.ge [sflag:s21], $0x19000  }
0x74: {  	[sflag:s21] =	ssyncset.done $0x0  }
0x75: {  	s1 =	simm.s32 $0x10;
	v8 =	vadd.s32 v0, v8;
	[sflag:s21] =	ssyncadd.s32 $0xFFFE7000  }
0x76: {  	[tilespmem:s0], [sflag:$0x2] =	stream.linear.gather [hbm4b:s8+s0], $0x1900, $0x38;
	[tilespmem:$0x1CA80] =	vst v63  }
0x77: {  	v9 =	vmov s1;
	_ =	swait.ge [sflag:s21], $0x1900  }
0x78: {  	v9 =	vshra.s32 v9, $0x7;
	[sflag:s21] =	ssyncset.done $0x0  }
0x79: {  	v9 =	vbroadcast v9, $0x0;
	[sflag:s21] =	ssyncadd.s32 $0xFFFFE700  }
0x7a: {  	v8 =	vld.idx.msk [tilespmem:v8+s2+$0x0], $0xffff  }
0x7b: {  	v9 =	vadd.s32 v1, v9  }
0x7c: {  	s1 =	simm.s32 $0x20  }
0x7d: {  	v10 =	vmov s1  }
0x7e: {  	v10 =	vshra.s32 v10, $0x7;
	s30 =	simm.s32 $0x1940  }
0x7f: {  	[tilespmem:s30+$0xFFFFFFC0] =	vst v8;
	v8 =	vbroadcast v10, $0x0  }
0x80: {  	v9 =	vld.idx.msk [tilespmem:v9+s2+$0x0], $0xffff  }
0x81: {  	v8 =	vadd.s32 v2, v8  }
0x82: {  	s1 =	simm.s32 $0x30  }
0x83: {  	v10 =	vmov s1  }
0x84: {  	v10 =	vshra.s32 v10, $0x7  }
0x85: {  	[tilespmem:s30+$0xFFFFFFD0] =	vst v9;
	v9 =	vbroadcast v10, $0x0  }
0x86: {  	v8 =	vld.idx.msk [tilespmem:v8+s2+$0x0], $0xffff  }
0x87: {  	v9 =	vadd.s32 v3, v9  }
0x88: {  	s1 =	simm.s32 $0x40  }
0x89: {  	v10 =	vmov s1  }
0x8a: {  	v10 =	vshra.s32 v10, $0x7  }
0x8b: {  	[tilespmem:s30+$0xFFFFFFE0] =	vst v8;
	v8 =	vbroadcast v10, $0x0  }
0x8c: {  	v9 =	vld.idx.msk [tilespmem:v9+s2+$0x0], $0xffff  }
0x8d: {  	v8 =	vadd.s32 v4, v8  }
0x8e: {  	s1 =	simm.s32 $0x50  }
0x8f: {  	v10 =	vmov s1  }
0x90: {  	v10 =	vshra.s32 v10, $0x7  }
0x91: {  	[tilespmem:s30+$0xFFFFFFF0] =	vst v9;
	v9 =	vbroadcast v10, $0x0  }
0x92: {  	v8 =	vld.idx.msk [tilespmem:v8+s2+$0x0], $0xffff  }
0x93: {  	v9 =	vadd.s32 v5, v9  }
0x94: {  	s1 =	simm.s32 $0x60  }
0x95: {  	v10 =	vmov s1  }
0x96: {  	v10 =	vshra.s32 v10, $0x7  }
0x97: {  	[tilespmem:s30+$0x0] =	vst v8;
	v8 =	vbroadcast v10, $0x0  }
0x98: {  	v9 =	vld.idx.msk [tilespmem:v9+s2+$0x0], $0xffff  }
0x99: {  	v8 =	vadd.s32 v6, v8  }
0x9a: {  	s1 =	simm.s32 $0x70  }
0x9b: {  	v10 =	vmov s1  }
0x9c: {  	v10 =	vshra.s32 v10, $0x7  }
0x9d: {  	v10 =	vbroadcast v10, $0x0;
	[tilespmem:s30+$0x10] =	vst v9  }
0x9e: {  	v8 =	vld.idx.msk [tilespmem:v8+s2+$0x0], $0xffff  }
0x9f: {  	v9 =	vadd.s32 v7, v10;
	_ =	sdelay $0x1  }
0xa0: {  	s31 =	simm.s32 $0x0;
	s0 =	simm.s32 $0x80  }
.LBB2_4:
0xa1: {  	v10 =	vmov s0;
	s31 =	sadd.s32 $0x8, s31  }
0xa2: {  	v10 =	vshra.s32 v10, $0x7;
	p0 =	slt.u32 s31, $0x188;
	[tilespmem:s30+$0x20] =	vst v8  }
0xa3: {  	v8 =	vbroadcast v10, $0x0;
	v9 =	vld.idx.msk [tilespmem:v9+s2+$0x0], $0xffff;
	_ =	sdelay $0x1  }
0xa4: {  	v8 =	vadd.s32 v0, v8;
	_ =	sdelay $0x1  }
0xa5: {  	s1 =	sadd.s32 $0x10, s0  }
0xa6: {  	v10 =	vmov s1  }
0xa7: {  	v10 =	vshra.s32 v10, $0x7;
	[tilespmem:s30+$0x30] =	vst v9  }
0xa8: {  	v9 =	vbroadcast v10, $0x0;
	v8 =	vld.idx.msk [tilespmem:v8+s2+$0x0], $0xffff;
	_ =	sdelay $0x1  }
0xa9: {  	v9 =	vadd.s32 v1, v9;
	_ =	sdelay $0x1  }
0xaa: {  	s1 =	sadd.s32 $0x20, s0  }
0xab: {  	v10 =	vmov s1;
	s30 =	sadd.s32 $0x80, s30  }
0xac: {  	[tilespmem:s30+$0xFFFFFFC0] =	vst v8;
	v8 =	vshra.s32 v10, $0x7  }
0xad: {  	v9 =	vld.idx.msk [tilespmem:v9+s2+$0x0], $0xffff;
	v8 =	vbroadcast v8, $0x0;
	_ =	sdelay $0x1  }
0xae: {  	v8 =	vadd.s32 v2, v8;
	_ =	sdelay $0x1  }
0xaf: {  	s1 =	sadd.s32 $0x30, s0  }
0xb0: {  	v10 =	vmov s1  }
0xb1: {  	[tilespmem:s30+$0xFFFFFFD0] =	vst v9;
	v9 =	vshra.s32 v10, $0x7  }
0xb2: {  	v8 =	vld.idx.msk [tilespmem:v8+s2+$0x0], $0xffff;
	v9 =	vbroadcast v9, $0x0;
	_ =	sdelay $0x1  }
0xb3: {  	v9 =	vadd.s32 v3, v9;
	_ =	sdelay $0x1  }
0xb4: {  	s1 =	sadd.s32 $0x40, s0  }
0xb5: {  	v10 =	vmov s1  }
0xb6: {  	[tilespmem:s30+$0xFFFFFFE0] =	vst v8;
	v8 =	vshra.s32 v10, $0x7  }
0xb7: {  	v9 =	vld.idx.msk [tilespmem:v9+s2+$0x0], $0xffff;
	v8 =	vbroadcast v8, $0x0;
	_ =	sdelay $0x1  }
0xb8: {  	v8 =	vadd.s32 v4, v8;
	_ =	sdelay $0x1  }
0xb9: {  	s1 =	sadd.s32 $0x50, s0  }
0xba: {  	v10 =	vmov s1  }
0xbb: {  	[tilespmem:s30+$0xFFFFFFF0] =	vst v9;
	v9 =	vshra.s32 v10, $0x7  }
0xbc: {  	v8 =	vld.idx.msk [tilespmem:v8+s2+$0x0], $0xffff;
	v9 =	vbroadcast v9, $0x0;
	_ =	sdelay $0x1  }
0xbd: {  	v9 =	vadd.s32 v5, v9;
	_ =	sdelay $0x1  }
0xbe: {  	s1 =	sadd.s32 $0x60, s0  }
0xbf: {  	v10 =	vmov s1  }
0xc0: {  	[tilespmem:s30+$0x0] =	vst v8;
	v8 =	vshra.s32 v10, $0x7  }
0xc1: {  	v9 =	vld.idx.msk [tilespmem:v9+s2+$0x0], $0xffff;
	v8 =	vbroadcast v8, $0x0;
	_ =	sdelay $0x1  }
0xc2: {  	v8 =	vadd.s32 v6, v8;
	_ =	sdelay $0x1  }
0xc3: {  	s1 =	sadd.s32 $0x70, s0  }
0xc4: {  	v10 =	vmov s1  }
0xc5: {  	[tilespmem:s30+$0x10] =	vst v9;
	v9 =	vshra.s32 v10, $0x7  }
.Ltmp1:
0xc6: {  	v8 =	vld.idx.msk [tilespmem:v8+s2+$0x0], $0xffff;
	v9 =	vbroadcast v9, $0x0;
	(pc) =	sbr.rel @p0 .LBB2_4-.Ltmp1, $3  }
0xc7: {  	_ = 	snop  }
0xc8: {  	v9 =	vadd.s32 v7, v9;
	_ =	sdelay $0x1  }
0xc9: {  	s0 =	sadd.s32 $0x80, s0  }
0xca: {  	_ =	sdelay $0x2  }
0xcb: {  	[tilespmem:s30+$0x20] =	vst v8  }
0xcc: {  	v8 =	vld.idx.msk [tilespmem:v9+s2+$0x0], $0xffff;
	_ =	sdelay $0x4  }
0xcd: {  	[tilespmem:s30+$0x30] =	vst v8  }
0xce: {  	[tilespmem:s23], [sflag:$0x1] =	stream.indirect.gather [hbm4b:s4+s22], $0x10, s22, s22, $0xb8;
	[tilespmem:$0x1CA80] =	vst v63  }
0xcf: {  	_ =	swait.ge [sflag:s24], $0x19000  }
0xd0: {  	s0 =	simm.s32 $0x0;
	[sflag:s24] =	ssyncset.done $0x0  }
0xd1: {  	v8 =	vmov s0;
	[sflag:s24] =	ssyncadd.s32 $0xFFFE7000  }
0xd2: {  	v8 =	vshra.s32 v8, $0x7;
	[hbm4b:s9+s0] =	stream.linear.scatter [tilespmem:s23], [sflag:$0x2], $0x19000, $0x38;
	[tilespmem:$0x1CA80] =	vst v63  }
0xd3: {  	v8 =	vbroadcast v8, $0x0;
	_ =	swait.ge [sflag:s21], $0x19000  }
0xd4: {  	[sflag:s21] =	ssyncset.done $0x0  }
0xd5: {  	s1 =	simm.s32 $0x10;
	v8 =	vadd.s32 v0, v8;
	[sflag:s21] =	ssyncadd.s32 $0xFFFE7000  }
0xd6: {  	[tilespmem:s0], [sflag:$0x2] =	stream.linear.gather [hbm4b:s10+s0], $0x1900, $0x38;
	[tilespmem:$0x1CA80] =	vst v63  }
0xd7: {  	v9 =	vmov s1;
	_ =	swait.ge [sflag:s21], $0x1900  }
0xd8: {  	v9 =	vshra.s32 v9, $0x7;
	[sflag:s21] =	ssyncset.done $0x0  }
0xd9: {  	v9 =	vbroadcast v9, $0x0;
	[sflag:s21] =	ssyncadd.s32 $0xFFFFE700  }
0xda: {  	v8 =	vld.idx.msk [tilespmem:v8+s2+$0x0], $0xffff  }
0xdb: {  	v9 =	vadd.s32 v1, v9  }
0xdc: {  	s1 =	simm.s32 $0x20  }
0xdd: {  	v10 =	vmov s1  }
0xde: {  	v10 =	vshra.s32 v10, $0x7;
	s30 =	simm.s32 $0x1940  }
0xdf: {  	[tilespmem:s30+$0xFFFFFFC0] =	vst v8;
	v8 =	vbroadcast v10, $0x0  }
0xe0: {  	v9 =	vld.idx.msk [tilespmem:v9+s2+$0x0], $0xffff  }
0xe1: {  	v8 =	vadd.s32 v2, v8  }
0xe2: {  	s1 =	simm.s32 $0x30  }
0xe3: {  	v10 =	vmov s1  }
0xe4: {  	v10 =	vshra.s32 v10, $0x7  }
0xe5: {  	[tilespmem:s30+$0xFFFFFFD0] =	vst v9;
	v9 =	vbroadcast v10, $0x0  }
0xe6: {  	v8 =	vld.idx.msk [tilespmem:v8+s2+$0x0], $0xffff  }
0xe7: {  	v9 =	vadd.s32 v3, v9  }
0xe8: {  	s1 =	simm.s32 $0x40  }
0xe9: {  	v10 =	vmov s1  }
0xea: {  	v10 =	vshra.s32 v10, $0x7  }
0xeb: {  	[tilespmem:s30+$0xFFFFFFE0] =	vst v8;
	v8 =	vbroadcast v10, $0x0  }
0xec: {  	v9 =	vld.idx.msk [tilespmem:v9+s2+$0x0], $0xffff  }
0xed: {  	v8 =	vadd.s32 v4, v8  }
0xee: {  	s1 =	simm.s32 $0x50  }
0xef: {  	v10 =	vmov s1  }
0xf0: {  	v10 =	vshra.s32 v10, $0x7  }
0xf1: {  	[tilespmem:s30+$0xFFFFFFF0] =	vst v9;
	v9 =	vbroadcast v10, $0x0  }
0xf2: {  	v8 =	vld.idx.msk [tilespmem:v8+s2+$0x0], $0xffff  }
0xf3: {  	v9 =	vadd.s32 v5, v9  }
0xf4: {  	s1 =	simm.s32 $0x60  }
0xf5: {  	v10 =	vmov s1  }
0xf6: {  	v10 =	vshra.s32 v10, $0x7  }
0xf7: {  	[tilespmem:s30+$0x0] =	vst v8;
	v8 =	vbroadcast v10, $0x0  }
0xf8: {  	v9 =	vld.idx.msk [tilespmem:v9+s2+$0x0], $0xffff  }
0xf9: {  	v8 =	vadd.s32 v6, v8  }
0xfa: {  	s1 =	simm.s32 $0x70  }
0xfb: {  	v10 =	vmov s1  }
0xfc: {  	v10 =	vshra.s32 v10, $0x7  }
0xfd: {  	v10 =	vbroadcast v10, $0x0;
	[tilespmem:s30+$0x10] =	vst v9  }
0xfe: {  	v8 =	vld.idx.msk [tilespmem:v8+s2+$0x0], $0xffff  }
0xff: {  	v9 =	vadd.s32 v7, v10;
	_ =	sdelay $0x1  }
0x100: {  	s31 =	simm.s32 $0x0;
	s0 =	simm.s32 $0x80  }
.LBB2_6:
0x101: {  	v10 =	vmov s0;
	s31 =	sadd.s32 $0x8, s31  }
0x102: {  	v10 =	vshra.s32 v10, $0x7;
	p0 =	slt.u32 s31, $0x188;
	[tilespmem:s30+$0x20] =	vst v8  }
0x103: {  	v8 =	vbroadcast v10, $0x0;
	v9 =	vld.idx.msk [tilespmem:v9+s2+$0x0], $0xffff;
	_ =	sdelay $0x1  }
0x104: {  	v8 =	vadd.s32 v0, v8;
	_ =	sdelay $0x1  }
0x105: {  	s1 =	sadd.s32 $0x10, s0  }
0x106: {  	v10 =	vmov s1  }
0x107: {  	v10 =	vshra.s32 v10, $0x7;
	[tilespmem:s30+$0x30] =	vst v9  }
0x108: {  	v9 =	vbroadcast v10, $0x0;
	v8 =	vld.idx.msk [tilespmem:v8+s2+$0x0], $0xffff;
	_ =	sdelay $0x1  }
0x109: {  	v9 =	vadd.s32 v1, v9;
	_ =	sdelay $0x1  }
0x10a: {  	s1 =	sadd.s32 $0x20, s0  }
0x10b: {  	v10 =	vmov s1;
	s30 =	sadd.s32 $0x80, s30  }
0x10c: {  	[tilespmem:s30+$0xFFFFFFC0] =	vst v8;
	v8 =	vshra.s32 v10, $0x7  }
0x10d: {  	v9 =	vld.idx.msk [tilespmem:v9+s2+$0x0], $0xffff;
	v8 =	vbroadcast v8, $0x0;
	_ =	sdelay $0x1  }
0x10e: {  	v8 =	vadd.s32 v2, v8;
	_ =	sdelay $0x1  }
0x10f: {  	s1 =	sadd.s32 $0x30, s0  }
0x110: {  	v10 =	vmov s1  }
0x111: {  	[tilespmem:s30+$0xFFFFFFD0] =	vst v9;
	v9 =	vshra.s32 v10, $0x7  }
0x112: {  	v8 =	vld.idx.msk [tilespmem:v8+s2+$0x0], $0xffff;
	v9 =	vbroadcast v9, $0x0;
	_ =	sdelay $0x1  }
0x113: {  	v9 =	vadd.s32 v3, v9;
	_ =	sdelay $0x1  }
0x114: {  	s1 =	sadd.s32 $0x40, s0  }
0x115: {  	v10 =	vmov s1  }
0x116: {  	[tilespmem:s30+$0xFFFFFFE0] =	vst v8;
	v8 =	vshra.s32 v10, $0x7  }
0x117: {  	v9 =	vld.idx.msk [tilespmem:v9+s2+$0x0], $0xffff;
	v8 =	vbroadcast v8, $0x0;
	_ =	sdelay $0x1  }
0x118: {  	v8 =	vadd.s32 v4, v8;
	_ =	sdelay $0x1  }
0x119: {  	s1 =	sadd.s32 $0x50, s0  }
0x11a: {  	v10 =	vmov s1  }
0x11b: {  	[tilespmem:s30+$0xFFFFFFF0] =	vst v9;
	v9 =	vshra.s32 v10, $0x7  }
0x11c: {  	v8 =	vld.idx.msk [tilespmem:v8+s2+$0x0], $0xffff;
	v9 =	vbroadcast v9, $0x0;
	_ =	sdelay $0x1  }
0x11d: {  	v9 =	vadd.s32 v5, v9;
	_ =	sdelay $0x1  }
0x11e: {  	s1 =	sadd.s32 $0x60, s0  }
0x11f: {  	v10 =	vmov s1  }
0x120: {  	[tilespmem:s30+$0x0] =	vst v8;
	v8 =	vshra.s32 v10, $0x7  }
0x121: {  	v9 =	vld.idx.msk [tilespmem:v9+s2+$0x0], $0xffff;
	v8 =	vbroadcast v8, $0x0;
	_ =	sdelay $0x1  }
0x122: {  	v8 =	vadd.s32 v6, v8;
	_ =	sdelay $0x1  }
0x123: {  	s1 =	sadd.s32 $0x70, s0  }
0x124: {  	v10 =	vmov s1  }
0x125: {  	[tilespmem:s30+$0x10] =	vst v9;
	v9 =	vshra.s32 v10, $0x7  }
.Ltmp2:
0x126: {  	v8 =	vld.idx.msk [tilespmem:v8+s2+$0x0], $0xffff;
	v9 =	vbroadcast v9, $0x0;
	(pc) =	sbr.rel @p0 .LBB2_6-.Ltmp2, $3  }
0x127: {  	_ = 	snop  }
0x128: {  	v9 =	vadd.s32 v7, v9;
	_ =	sdelay $0x1  }
0x129: {  	s0 =	sadd.s32 $0x80, s0  }
0x12a: {  	_ =	sdelay $0x2  }
0x12b: {  	[tilespmem:s30+$0x20] =	vst v8  }
0x12c: {  	v8 =	vld.idx.msk [tilespmem:v9+s2+$0x0], $0xffff;
	_ =	sdelay $0x4  }
0x12d: {  	[tilespmem:s30+$0x30] =	vst v8  }
0x12e: {  	[tilespmem:s23], [sflag:$0x1] =	stream.indirect.gather [hbm4b:s3+s22], $0x10, s22, s22, $0xb8;
	[tilespmem:$0x1CA80] =	vst v63  }
0x12f: {  	_ =	swait.ge [sflag:s24], $0x19000  }
0x130: {  	s0 =	simm.s32 $0x0;
	[sflag:s24] =	ssyncset.done $0x0  }
0x131: {  	v8 =	vmov s0;
	[sflag:s24] =	ssyncadd.s32 $0xFFFE7000  }
0x132: {  	v8 =	vshra.s32 v8, $0x7;
	[hbm4b:s11+s0] =	stream.linear.scatter [tilespmem:s23], [sflag:$0x2], $0x19000, $0x38;
	[tilespmem:$0x1CA80] =	vst v63  }
0x133: {  	v8 =	vbroadcast v8, $0x0;
	_ =	swait.ge [sflag:s21], $0x19000  }
0x134: {  	[sflag:s21] =	ssyncset.done $0x0  }
0x135: {  	s1 =	simm.s32 $0x10;
	v8 =	vadd.s32 v0, v8;
	[sflag:s21] =	ssyncadd.s32 $0xFFFE7000  }
0x136: {  	[tilespmem:s0], [sflag:$0x2] =	stream.linear.gather [hbm4b:s12+s0], $0x1900, $0x38;
	[tilespmem:$0x1CA80] =	vst v63  }
0x137: {  	v9 =	vmov s1;
	_ =	swait.ge [sflag:s21], $0x1900  }
0x138: {  	v9 =	vshra.s32 v9, $0x7;
	[sflag:s21] =	ssyncset.done $0x0  }
0x139: {  	v9 =	vbroadcast v9, $0x0;
	[sflag:s21] =	ssyncadd.s32 $0xFFFFE700  }
0x13a: {  	v8 =	vld.idx.msk [tilespmem:v8+s2+$0x0], $0xffff  }
0x13b: {  	v9 =	vadd.s32 v1, v9  }
0x13c: {  	s1 =	simm.s32 $0x20  }
0x13d: {  	v10 =	vmov s1  }
0x13e: {  	v10 =	vshra.s32 v10, $0x7;
	s30 =	simm.s32 $0x1940  }
0x13f: {  	[tilespmem:s30+$0xFFFFFFC0] =	vst v8;
	v8 =	vbroadcast v10, $0x0  }
0x140: {  	v9 =	vld.idx.msk [tilespmem:v9+s2+$0x0], $0xffff  }
0x141: {  	v8 =	vadd.s32 v2, v8  }
0x142: {  	s1 =	simm.s32 $0x30  }
0x143: {  	v10 =	vmov s1  }
0x144: {  	v10 =	vshra.s32 v10, $0x7  }
0x145: {  	[tilespmem:s30+$0xFFFFFFD0] =	vst v9;
	v9 =	vbroadcast v10, $0x0  }
0x146: {  	v8 =	vld.idx.msk [tilespmem:v8+s2+$0x0], $0xffff  }
0x147: {  	v9 =	vadd.s32 v3, v9  }
0x148: {  	s1 =	simm.s32 $0x40  }
0x149: {  	v10 =	vmov s1  }
0x14a: {  	v10 =	vshra.s32 v10, $0x7  }
0x14b: {  	[tilespmem:s30+$0xFFFFFFE0] =	vst v8;
	v8 =	vbroadcast v10, $0x0  }
0x14c: {  	v9 =	vld.idx.msk [tilespmem:v9+s2+$0x0], $0xffff  }
0x14d: {  	v8 =	vadd.s32 v4, v8  }
0x14e: {  	s1 =	simm.s32 $0x50  }
0x14f: {  	v10 =	vmov s1  }
0x150: {  	v10 =	vshra.s32 v10, $0x7  }
0x151: {  	[tilespmem:s30+$0xFFFFFFF0] =	vst v9;
	v9 =	vbroadcast v10, $0x0  }
0x152: {  	v8 =	vld.idx.msk [tilespmem:v8+s2+$0x0], $0xffff  }
0x153: {  	v9 =	vadd.s32 v5, v9  }
0x154: {  	s1 =	simm.s32 $0x60  }
0x155: {  	v10 =	vmov s1  }
0x156: {  	v10 =	vshra.s32 v10, $0x7  }
0x157: {  	[tilespmem:s30+$0x0] =	vst v8;
	v8 =	vbroadcast v10, $0x0  }
0x158: {  	v9 =	vld.idx.msk [tilespmem:v9+s2+$0x0], $0xffff  }
0x159: {  	v8 =	vadd.s32 v6, v8  }
0x15a: {  	s1 =	simm.s32 $0x70  }
0x15b: {  	v10 =	vmov s1  }
0x15c: {  	v10 =	vshra.s32 v10, $0x7  }
0x15d: {  	v10 =	vbroadcast v10, $0x0;
	[tilespmem:s30+$0x10] =	vst v9  }
0x15e: {  	v8 =	vld.idx.msk [tilespmem:v8+s2+$0x0], $0xffff  }
0x15f: {  	v9 =	vadd.s32 v7, v10;
	_ =	sdelay $0x1  }
0x160: {  	s31 =	simm.s32 $0x0;
	s0 =	simm.s32 $0x80  }
.LBB2_8:
0x161: {  	v10 =	vmov s0;
	s31 =	sadd.s32 $0x8, s31  }
0x162: {  	v10 =	vshra.s32 v10, $0x7;
	p0 =	slt.u32 s31, $0x188;
	[tilespmem:s30+$0x20] =	vst v8  }
0x163: {  	v8 =	vbroadcast v10, $0x0;
	v9 =	vld.idx.msk [tilespmem:v9+s2+$0x0], $0xffff;
	_ =	sdelay $0x1  }
0x164: {  	v8 =	vadd.s32 v0, v8;
	_ =	sdelay $0x1  }
0x165: {  	s1 =	sadd.s32 $0x10, s0  }
0x166: {  	v10 =	vmov s1  }
0x167: {  	v10 =	vshra.s32 v10, $0x7;
	[tilespmem:s30+$0x30] =	vst v9  }
0x168: {  	v9 =	vbroadcast v10, $0x0;
	v8 =	vld.idx.msk [tilespmem:v8+s2+$0x0], $0xffff;
	_ =	sdelay $0x1  }
0x169: {  	v9 =	vadd.s32 v1, v9;
	_ =	sdelay $0x1  }
0x16a: {  	s1 =	sadd.s32 $0x20, s0  }
0x16b: {  	v10 =	vmov s1;
	s30 =	sadd.s32 $0x80, s30  }
0x16c: {  	[tilespmem:s30+$0xFFFFFFC0] =	vst v8;
	v8 =	vshra.s32 v10, $0x7  }
0x16d: {  	v9 =	vld.idx.msk [tilespmem:v9+s2+$0x0], $0xffff;
	v8 =	vbroadcast v8, $0x0;
	_ =	sdelay $0x1  }
0x16e: {  	v8 =	vadd.s32 v2, v8;
	_ =	sdelay $0x1  }
0x16f: {  	s1 =	sadd.s32 $0x30, s0  }
0x170: {  	v10 =	vmov s1  }
0x171: {  	[tilespmem:s30+$0xFFFFFFD0] =	vst v9;
	v9 =	vshra.s32 v10, $0x7  }
0x172: {  	v8 =	vld.idx.msk [tilespmem:v8+s2+$0x0], $0xffff;
	v9 =	vbroadcast v9, $0x0;
	_ =	sdelay $0x1  }
0x173: {  	v9 =	vadd.s32 v3, v9;
	_ =	sdelay $0x1  }
0x174: {  	s1 =	sadd.s32 $0x40, s0  }
0x175: {  	v10 =	vmov s1  }
0x176: {  	[tilespmem:s30+$0xFFFFFFE0] =	vst v8;
	v8 =	vshra.s32 v10, $0x7  }
0x177: {  	v9 =	vld.idx.msk [tilespmem:v9+s2+$0x0], $0xffff;
	v8 =	vbroadcast v8, $0x0;
	_ =	sdelay $0x1  }
0x178: {  	v8 =	vadd.s32 v4, v8;
	_ =	sdelay $0x1  }
0x179: {  	s1 =	sadd.s32 $0x50, s0  }
0x17a: {  	v10 =	vmov s1  }
0x17b: {  	[tilespmem:s30+$0xFFFFFFF0] =	vst v9;
	v9 =	vshra.s32 v10, $0x7  }
0x17c: {  	v8 =	vld.idx.msk [tilespmem:v8+s2+$0x0], $0xffff;
	v9 =	vbroadcast v9, $0x0;
	_ =	sdelay $0x1  }
0x17d: {  	v9 =	vadd.s32 v5, v9;
	_ =	sdelay $0x1  }
0x17e: {  	s1 =	sadd.s32 $0x60, s0  }
0x17f: {  	v10 =	vmov s1  }
0x180: {  	[tilespmem:s30+$0x0] =	vst v8;
	v8 =	vshra.s32 v10, $0x7  }
0x181: {  	v9 =	vld.idx.msk [tilespmem:v9+s2+$0x0], $0xffff;
	v8 =	vbroadcast v8, $0x0;
	_ =	sdelay $0x1  }
0x182: {  	v8 =	vadd.s32 v6, v8;
	_ =	sdelay $0x1  }
0x183: {  	s1 =	sadd.s32 $0x70, s0  }
0x184: {  	v10 =	vmov s1  }
0x185: {  	[tilespmem:s30+$0x10] =	vst v9;
	v9 =	vshra.s32 v10, $0x7  }
.Ltmp3:
0x186: {  	v8 =	vld.idx.msk [tilespmem:v8+s2+$0x0], $0xffff;
	v9 =	vbroadcast v9, $0x0;
	(pc) =	sbr.rel @p0 .LBB2_8-.Ltmp3, $3  }
0x187: {  	_ = 	snop  }
0x188: {  	v9 =	vadd.s32 v7, v9;
	_ =	sdelay $0x1  }
0x189: {  	s0 =	sadd.s32 $0x80, s0  }
0x18a: {  	_ =	sdelay $0x2  }
0x18b: {  	[tilespmem:s30+$0x20] =	vst v8  }
0x18c: {  	v8 =	vld.idx.msk [tilespmem:v9+s2+$0x0], $0xffff;
	_ =	sdelay $0x4  }
0x18d: {  	[tilespmem:s30+$0x30] =	vst v8  }
0x18e: {  	[tilespmem:s23], [sflag:$0x1] =	stream.indirect.gather [hbm4b:s5+s22], $0x10, s22, s22, $0xb8;
	[tilespmem:$0x1CA80] =	vst v63  }
0x18f: {  	_ =	swait.ge [sflag:s24], $0x19000  }
0x190: {  	s0 =	simm.s32 $0x0;
	[sflag:s24] =	ssyncset.done $0x0  }
0x191: {  	v8 =	vmov s0;
	[sflag:s24] =	ssyncadd.s32 $0xFFFE7000  }
0x192: {  	v8 =	vshra.s32 v8, $0x7;
	[hbm4b:s13+s0] =	stream.linear.scatter [tilespmem:s23], [sflag:$0x2], $0x19000, $0x38;
	[tilespmem:$0x1CA80] =	vst v63  }
0x193: {  	v8 =	vbroadcast v8, $0x0;
	_ =	swait.ge [sflag:s21], $0x19000  }
0x194: {  	[sflag:s21] =	ssyncset.done $0x0  }
0x195: {  	s1 =	simm.s32 $0x10;
	v8 =	vadd.s32 v0, v8;
	[sflag:s21] =	ssyncadd.s32 $0xFFFE7000  }
0x196: {  	[tilespmem:s0], [sflag:$0x2] =	stream.linear.gather [hbm4b:s14+s0], $0x1900, $0x38;
	[tilespmem:$0x1CA80] =	vst v63  }
0x197: {  	v9 =	vmov s1;
	_ =	swait.ge [sflag:s21], $0x1900  }
0x198: {  	v9 =	vshra.s32 v9, $0x7;
	[sflag:s21] =	ssyncset.done $0x0  }
0x199: {  	v9 =	vbroadcast v9, $0x0;
	[sflag:s21] =	ssyncadd.s32 $0xFFFFE700  }
0x19a: {  	v8 =	vld.idx.msk [tilespmem:v8+s2+$0x0], $0xffff  }
0x19b: {  	v9 =	vadd.s32 v1, v9  }
0x19c: {  	s1 =	simm.s32 $0x20  }
0x19d: {  	v10 =	vmov s1  }
0x19e: {  	v10 =	vshra.s32 v10, $0x7;
	s30 =	simm.s32 $0x1940  }
0x19f: {  	[tilespmem:s30+$0xFFFFFFC0] =	vst v8;
	v8 =	vbroadcast v10, $0x0  }
0x1a0: {  	v9 =	vld.idx.msk [tilespmem:v9+s2+$0x0], $0xffff  }
0x1a1: {  	v8 =	vadd.s32 v2, v8  }
0x1a2: {  	s1 =	simm.s32 $0x30  }
0x1a3: {  	v10 =	vmov s1  }
0x1a4: {  	v10 =	vshra.s32 v10, $0x7  }
0x1a5: {  	[tilespmem:s30+$0xFFFFFFD0] =	vst v9;
	v9 =	vbroadcast v10, $0x0  }
0x1a6: {  	v8 =	vld.idx.msk [tilespmem:v8+s2+$0x0], $0xffff  }
0x1a7: {  	v9 =	vadd.s32 v3, v9  }
0x1a8: {  	s1 =	simm.s32 $0x40  }
0x1a9: {  	v10 =	vmov s1  }
0x1aa: {  	v10 =	vshra.s32 v10, $0x7  }
0x1ab: {  	[tilespmem:s30+$0xFFFFFFE0] =	vst v8;
	v8 =	vbroadcast v10, $0x0  }
0x1ac: {  	v9 =	vld.idx.msk [tilespmem:v9+s2+$0x0], $0xffff  }
0x1ad: {  	v8 =	vadd.s32 v4, v8  }
0x1ae: {  	s1 =	simm.s32 $0x50  }
0x1af: {  	v10 =	vmov s1  }
0x1b0: {  	v10 =	vshra.s32 v10, $0x7  }
0x1b1: {  	[tilespmem:s30+$0xFFFFFFF0] =	vst v9;
	v9 =	vbroadcast v10, $0x0  }
0x1b2: {  	v8 =	vld.idx.msk [tilespmem:v8+s2+$0x0], $0xffff  }
0x1b3: {  	v9 =	vadd.s32 v5, v9  }
0x1b4: {  	s1 =	simm.s32 $0x60  }
0x1b5: {  	v10 =	vmov s1  }
0x1b6: {  	v10 =	vshra.s32 v10, $0x7  }
0x1b7: {  	[tilespmem:s30+$0x0] =	vst v8;
	v8 =	vbroadcast v10, $0x0  }
0x1b8: {  	v9 =	vld.idx.msk [tilespmem:v9+s2+$0x0], $0xffff  }
0x1b9: {  	v8 =	vadd.s32 v6, v8  }
0x1ba: {  	s1 =	simm.s32 $0x70  }
0x1bb: {  	v10 =	vmov s1  }
0x1bc: {  	v10 =	vshra.s32 v10, $0x7  }
0x1bd: {  	v10 =	vbroadcast v10, $0x0;
	[tilespmem:s30+$0x10] =	vst v9  }
0x1be: {  	v8 =	vld.idx.msk [tilespmem:v8+s2+$0x0], $0xffff  }
0x1bf: {  	v9 =	vadd.s32 v7, v10;
	_ =	sdelay $0x1  }
0x1c0: {  	s31 =	simm.s32 $0x0;
	s0 =	simm.s32 $0x80  }
.LBB2_10:
0x1c1: {  	v10 =	vmov s0;
	s31 =	sadd.s32 $0x8, s31  }
0x1c2: {  	v10 =	vshra.s32 v10, $0x7;
	p0 =	slt.u32 s31, $0x188;
	[tilespmem:s30+$0x20] =	vst v8  }
0x1c3: {  	v8 =	vbroadcast v10, $0x0;
	v9 =	vld.idx.msk [tilespmem:v9+s2+$0x0], $0xffff;
	_ =	sdelay $0x1  }
0x1c4: {  	v8 =	vadd.s32 v0, v8;
	_ =	sdelay $0x1  }
0x1c5: {  	s1 =	sadd.s32 $0x10, s0  }
0x1c6: {  	v10 =	vmov s1  }
0x1c7: {  	v10 =	vshra.s32 v10, $0x7;
	[tilespmem:s30+$0x30] =	vst v9  }
0x1c8: {  	v9 =	vbroadcast v10, $0x0;
	v8 =	vld.idx.msk [tilespmem:v8+s2+$0x0], $0xffff;
	_ =	sdelay $0x1  }
0x1c9: {  	v9 =	vadd.s32 v1, v9;
	_ =	sdelay $0x1  }
0x1ca: {  	s1 =	sadd.s32 $0x20, s0  }
0x1cb: {  	v10 =	vmov s1;
	s30 =	sadd.s32 $0x80, s30  }
0x1cc: {  	[tilespmem:s30+$0xFFFFFFC0] =	vst v8;
	v8 =	vshra.s32 v10, $0x7  }
0x1cd: {  	v9 =	vld.idx.msk [tilespmem:v9+s2+$0x0], $0xffff;
	v8 =	vbroadcast v8, $0x0;
	_ =	sdelay $0x1  }
0x1ce: {  	v8 =	vadd.s32 v2, v8;
	_ =	sdelay $0x1  }
0x1cf: {  	s1 =	sadd.s32 $0x30, s0  }
0x1d0: {  	v10 =	vmov s1  }
0x1d1: {  	[tilespmem:s30+$0xFFFFFFD0] =	vst v9;
	v9 =	vshra.s32 v10, $0x7  }
0x1d2: {  	v8 =	vld.idx.msk [tilespmem:v8+s2+$0x0], $0xffff;
	v9 =	vbroadcast v9, $0x0;
	_ =	sdelay $0x1  }
0x1d3: {  	v9 =	vadd.s32 v3, v9;
	_ =	sdelay $0x1  }
0x1d4: {  	s1 =	sadd.s32 $0x40, s0  }
0x1d5: {  	v10 =	vmov s1  }
0x1d6: {  	[tilespmem:s30+$0xFFFFFFE0] =	vst v8;
	v8 =	vshra.s32 v10, $0x7  }
0x1d7: {  	v9 =	vld.idx.msk [tilespmem:v9+s2+$0x0], $0xffff;
	v8 =	vbroadcast v8, $0x0;
	_ =	sdelay $0x1  }
0x1d8: {  	v8 =	vadd.s32 v4, v8;
	_ =	sdelay $0x1  }
0x1d9: {  	s1 =	sadd.s32 $0x50, s0  }
0x1da: {  	v10 =	vmov s1  }
0x1db: {  	[tilespmem:s30+$0xFFFFFFF0] =	vst v9;
	v9 =	vshra.s32 v10, $0x7  }
0x1dc: {  	v8 =	vld.idx.msk [tilespmem:v8+s2+$0x0], $0xffff;
	v9 =	vbroadcast v9, $0x0;
	_ =	sdelay $0x1  }
0x1dd: {  	v9 =	vadd.s32 v5, v9;
	_ =	sdelay $0x1  }
0x1de: {  	s1 =	sadd.s32 $0x60, s0  }
0x1df: {  	v10 =	vmov s1  }
0x1e0: {  	[tilespmem:s30+$0x0] =	vst v8;
	v8 =	vshra.s32 v10, $0x7  }
0x1e1: {  	v9 =	vld.idx.msk [tilespmem:v9+s2+$0x0], $0xffff;
	v8 =	vbroadcast v8, $0x0;
	_ =	sdelay $0x1  }
0x1e2: {  	v8 =	vadd.s32 v6, v8;
	_ =	sdelay $0x1  }
0x1e3: {  	s1 =	sadd.s32 $0x70, s0  }
0x1e4: {  	v10 =	vmov s1  }
0x1e5: {  	[tilespmem:s30+$0x10] =	vst v9;
	v9 =	vshra.s32 v10, $0x7  }
.Ltmp4:
0x1e6: {  	v8 =	vld.idx.msk [tilespmem:v8+s2+$0x0], $0xffff;
	v9 =	vbroadcast v9, $0x0;
	(pc) =	sbr.rel @p0 .LBB2_10-.Ltmp4, $3  }
0x1e7: {  	_ = 	snop  }
0x1e8: {  	v9 =	vadd.s32 v7, v9;
	_ =	sdelay $0x1  }
0x1e9: {  	s0 =	sadd.s32 $0x80, s0  }
0x1ea: {  	_ =	sdelay $0x2  }
0x1eb: {  	[tilespmem:s30+$0x20] =	vst v8  }
0x1ec: {  	v8 =	vld.idx.msk [tilespmem:v9+s2+$0x0], $0xffff;
	_ =	sdelay $0x4  }
0x1ed: {  	[tilespmem:s30+$0x30] =	vst v8  }
0x1ee: {  	[tilespmem:s23], [sflag:$0x1] =	stream.indirect.gather [hbm4b:s5+s22], $0x10, s22, s22, $0xb8;
	[tilespmem:$0x1CA80] =	vst v63  }
0x1ef: {  	_ =	swait.ge [sflag:s24], $0x19000  }
0x1f0: {  	[sflag:s24] =	ssyncset.done $0x0  }
0x1f1: {  	[sflag:s24] =	ssyncadd.s32 $0xFFFE7000  }
0x1f2: {  	[hbm4b:s15+s2] =	stream.linear.scatter [tilespmem:s23], [sflag:$0x2], $0x19000, $0x38;
	[tilespmem:$0x1CA80] =	vst v63  }
0x1f3: {  	_ =	swait.ge [sflag:s21], $0x19000  }
0x1f4: {  	[sflag:s21] =	ssyncset.done $0x0  }
0x1f5: {  	[sflag:s21] =	ssyncadd.s32 $0xFFFE7000  }
0x1f6: {  	[tilespmem:s25], [sflag:$0x2] =	stream.linear.gather [hbm4b:s16+s2], $0x80, $0x38;
	[tilespmem:$0x1CA80] =	vst v63  }
0x1f7: {  	_ =	swait.ge [sflag:s21], $0x80  }
0x1f8: {  	[sflag:s21] =	ssyncset.done $0x0  }
0x1f9: {  	[sflag:s21] =	ssyncadd.s32 $0xFFFFFF80  }
0x1fa: {  	[tilespmem:s28], [sflag:$0x1] =	stream.indirect.gather [hbm4b:s3+s26], $0x10, s25, s26, $0xb8;
	[tilespmem:$0x1CA80] =	vst v63  }
0x1fb: {  	_ =	swait.ge [sflag:s24], $0x800  }
0x1fc: {  	[sflag:s24] =	ssyncset.done $0x0  }
0x1fd: {  	[sflag:s24] =	ssyncadd.s32 $0xFFFFF800  }
0x1fe: {  	[hbm4b:s17+s2] =	stream.linear.scatter [tilespmem:s28], [sflag:$0x2], $0x800, $0x38;
	[tilespmem:$0x1CA80] =	vst v63  }
0x1ff: {  	_ =	swait.ge [sflag:s21], $0x800  }
0x200: {  	[sflag:s21] =	ssyncset.done $0x0  }
0x201: {  	[sflag:s21] =	ssyncadd.s32 $0xFFFFF800  }
0x202: {  	[tilespmem:s25], [sflag:$0x2] =	stream.linear.gather [hbm4b:s18+s2], $0x80, $0x38;
	[tilespmem:$0x1CA80] =	vst v63  }
0x203: {  	_ =	swait.ge [sflag:s21], $0x80  }
0x204: {  	[sflag:s21] =	ssyncset.done $0x0  }
0x205: {  	[sflag:s21] =	ssyncadd.s32 $0xFFFFFF80  }
0x206: {  	[tilespmem:s28], [sflag:$0x1] =	stream.indirect.gather [hbm4b:s4+s26], $0x10, s25, s26, $0xb8;
	[tilespmem:$0x1CA80] =	vst v63  }
0x207: {  	s29 =	sadd.s32 $0x1, s29;
	_ =	swait.ge [sflag:s24], $0x800  }
0x208: {  	p0 =	sne.s32 s29, s20;
	[sflag:s24] =	ssyncset.done $0x0  }
.Ltmp5:
0x209: {  	[sflag:s24] =	ssyncadd.s32 $0xFFFFF800;
	(pc) =	sbr.rel @p0 .LBB2_1-.Ltmp5, $4  }
0x20a: {  	[hbm4b:s19+s2] =	stream.linear.scatter [tilespmem:s28], [sflag:$0x2], $0x800, $0x38;
	[tilespmem:$0x1CA80] =	vst v63  }
0x20b: {  	_ =	swait.ge [sflag:s21], $0x800  }
0x20c: {  	[sflag:s21] =	ssyncset.done $0x0  }
0x20d: {  	[sflag:s21] =	ssyncadd.s32 $0xFFFFF800  }
0x20e: {  	_ =	sfence.sel $0x180000  }
0x20f: {  	[bflag:$0x0] =	sbarrier.arrive $0xFFFF  }
0x210: {  	_ =	strace $0x90000047  }
0x211: {  	s0 =	stileid.u32;
	[bflag:$0x2] =	sbarrier.arrive $0xFFFF  }
0x212: {  	p0 =	sne.s32 s0, $0x0;
	s0 =	rddreg [dreg:$0x3]  }
0x213: {  	s0 =	sadd.s32 @!p0 $0x100000, s0  }
0x214: {  	[sflag:s0] =	ssyncadd.tile.s32 @!p0 $0x1;
	_ =	shalt  }
.Lfunc_end2:
_tile_overlayer_lowered:
.L_overlay_start_2:
0x215: {  	(tag) =	ssettag $0x2  }
0x216: {  	s0 =	rddreg [dreg:$0x0];
	s2 =	stileid.u32  }
0x217: {  	s1 =	rddreg [dreg:$0x1];
	p0 =	sne.s32 s2, $0x0  }
0x218: {  	s3 =	rddreg [dreg:$0x2];
	[bflag:$0x3] =	sbarrier.arrive $0xFFFF;
	s2 =	simm.s32 @!p0 $0x1C02  }
0x219: {  	[timem:s3], [sflag:s2] =	dma.local @!p0 [hbm:s0], s1  }
0x21a: {  	s0 =	simm.s32 @!p0 $0x2  }
0x21b: {  	_ =	swait.ge @!p0 [sflag:s0], s1  }
0x21c: {  	s1 =	ssub.s32 @!p0 $0x0, s1;
	[sflag:s0] =	ssyncset.done @!p0 $0x0  }
0x21d: {  	[sflag:s0] =	ssyncadd.s32 @!p0 s1  }
0x21e: {  	[bflag:$0x3] =	sbarrier.arrive $0xFFFF  }
0x21f: {  	_ =	shalt  }

</sc_bundles>
